<compile_context>
chip_gen: v7x
topology: tpu7x:2x2x1
jax: 0.10.2.dev20260603
libtpu: 0.0.44.dev20260713+nightly
codegen_flags: <defaults>
</compile_context>

<pallas_src>
import functools

import jax
import jax.numpy as jnp
from jax import lax
from jax.experimental import pallas as pl
from jax.experimental.pallas import tpu as pltpu
from jax.experimental.pallas import tpu_sc as plsc

_NEG = -1e30

_NC, _NS, _L = 2, 16, 16
_NW = _NC * _NS

_N, _E, _G = 100000, 1600000, 1000
_EPW = _E // _NW
_CH = 2000
_NCHUNK = _EPW // _CH
_CBUF = 2048
_REG = 50176
_CTOT = _NW * _REG
_NF = 11

_BT = 1024
_W = 1024


def _sc_body(src_h, dst_h, x0, x1, x2, e0, e1, e2, e3, e4, tbl_h,
             *rest):
    outs = rest[:12]
    ocnt = rest[12]
    tbl_v, src_v, dst_v, csrc, cdst, ce, cg = rest[13:20]
    fv = rest[20:20 + _NF]
    cnt_v = rest[20 + _NF]
    sem = rest[21 + _NF]
    semw = rest[22 + _NF]

    i32 = jnp.int32
    f32 = jnp.float32
    wid = lax.axis_index("s") * _NC + lax.axis_index("c")
    wbase = wid * _REG

    pltpu.sync_copy(tbl_h, tbl_v)

    def z(i, _):
        zv = jnp.zeros((_L,), i32)
        csrc[pl.ds(i * _L, _L)] = zv
        cdst[pl.ds(i * _L, _L)] = zv
        ce[pl.ds(i * _L, _L)] = zv
        return 0
    lax.fori_loop(0, _CBUF // _L, z, 0)

    lanes = lax.iota(i32, _L)

    def chunk(c, woff):
        base_e = pl.multiple_of(wid * _EPW + c * _CH, 16)
        s0 = pltpu.async_copy(src_h.at[pl.ds(base_e, _CH)], src_v, sem)
        s1 = pltpu.async_copy(dst_h.at[pl.ds(base_e, _CH)], dst_v, sem)
        s0.wait()
        s1.wait()

        def vec(i, cnt):
            s16 = src_v[pl.ds(i * _L, _L)]
            d16 = dst_v[pl.ds(i * _L, _L)]
            w32 = plsc.load_gather(tbl_v, [lax.shift_right_logical(s16, 1)])
            hi = lax.shift_right_logical(w32, 16)
            seg16 = jnp.where((s16 & 1) == 0, w32 & 0xFFFF, hi & 0xFFFF)
            m = seg16 > 0
            plsc.store_compressed(csrc.at[pl.ds(cnt, _L)], s16, mask=m)
            plsc.store_compressed(cdst.at[pl.ds(cnt, _L)], d16, mask=m)
            plsc.store_compressed(ce.at[pl.ds(cnt, _L)], base_e + i * _L + lanes, mask=m)
            plsc.store_compressed(cg.at[pl.ds(cnt, _L)], (seg16 - 1).astype(f32), mask=m)
            return cnt + jnp.sum(m.astype(i32))

        cnt = lax.fori_loop(0, _CH // _L, vec, jnp.int32(0))

        pad = (8 - (cnt & 7)) & 7
        mpad = lanes < pad
        plsc.store_compressed(csrc.at[pl.ds(cnt, _L)], jnp.zeros((_L,), i32), mask=mpad)
        plsc.store_compressed(cdst.at[pl.ds(cnt, _L)], jnp.zeros((_L,), i32), mask=mpad)
        plsc.store_compressed(ce.at[pl.ds(cnt, _L)], jnp.zeros((_L,), i32), mask=mpad)
        plsc.store_compressed(cg.at[pl.ds(cnt, _L)], jnp.full((_L,), float(_G), f32), mask=mpad)
        cnt_p = cnt + pad

        def gw(j, _):
            sl = pl.ds(pl.multiple_of(j * 128, 128), 128)
            cps = []
            tables = [x0, x1, x2, x0, x1, x2, e0, e1, e2, e3, e4]
            idxs = [csrc, csrc, csrc, cdst, cdst, cdst, ce, ce, ce, ce, ce]
            for f in range(_NF):
                cps.append(pltpu.async_copy(tables[f].at[idxs[f].at[sl]],
                                            fv[f].at[sl], sem))
            for cp in cps:
                cp.wait()
            wo = pl.multiple_of(wbase + woff + j * 128, 8)
            wps = [pltpu.async_copy(fv[f].at[sl], outs[f].at[pl.ds(wo, 128)], semw)
                   for f in range(_NF)]
            wps.append(pltpu.async_copy(cg.at[sl], outs[_NF].at[pl.ds(wo, 128)], semw))
            for wp in wps:
                wp.wait()
            return 0

        lax.fori_loop(0, (cnt_p + 127) // 128, gw, 0)
        return woff + cnt_p

    total = lax.fori_loop(0, _NCHUNK, chunk, jnp.int32(0))
    cnt_v[...] = jnp.where(lanes == 0, total, 0)
    pltpu.sync_copy(cnt_v, ocnt.at[pl.ds(pl.multiple_of(wid * _L, 16), _L)])


def _sc_compact(src, dst, xf, ef, tblp):
    f32 = jnp.float32
    i32 = jnp.int32
    mesh = plsc.VectorSubcoreMesh(core_axis_name="c", subcore_axis_name="s",
                                  num_cores=_NC, num_subcores=_NS)
    return pl.kernel(
        _sc_body,
        out_type=[jax.ShapeDtypeStruct((_CTOT,), f32) for _ in range(12)]
                 + [jax.ShapeDtypeStruct((_NW * _L,), i32)],
        mesh=mesh,
        compiler_params=pltpu.CompilerParams(needs_layout_passes=False),
        scratch_types=[
            pltpu.VMEM((_N // 2,), i32),
            pltpu.VMEM((_CH,), i32),
            pltpu.VMEM((_CH,), i32),
            pltpu.VMEM((_CBUF,), i32),
            pltpu.VMEM((_CBUF,), i32),
            pltpu.VMEM((_CBUF,), i32),
            pltpu.VMEM((_CBUF,), f32),
        ] + [pltpu.VMEM((_CBUF,), f32) for _ in range(_NF)] + [
            pltpu.VMEM((_L,), i32),
            pltpu.SemaphoreType.DMA,
            pltpu.SemaphoreType.DMA,
        ],
    )(src, dst, *xf, *ef, tblp)


def _tc_body(*refs):
    fld = refs[:12]
    ocnt = refs[12]
    (w1a_ref, b1a_ref, w1b_ref, b1b_ref,
     w2a_ref, b2a_ref, w2b_ref, b2b_ref,
     w3a_ref, b3a_ref, w3b_ref, b3b_ref,
     w4at_ref, b4a_ref, w4bt_ref, b4b_ref, gam_ref) = refs[13:30]
    out_ref = refs[30]
    fv = refs[31:43]
    m_acc, s_acc = refs[43], refs[44]
    sem = refs[45]

    f32 = jnp.float32
    i32 = jnp.int32
    r = pl.program_id(0)
    dot = functools.partial(lax.dot_general, preferred_element_type=f32)

    @pl.when(r == 0)
    def _init():
        m_acc[...] = jnp.full_like(m_acc, _NEG)
        s_acc[...] = jnp.zeros_like(s_acc)

    cnt_r = ocnt[r, 0]

    def blk(k, _):
        off = pl.multiple_of(r * _REG + k * _BT, 8)
        cps = [pltpu.make_async_copy(fld[f].at[pl.ds(off, _BT)], fv[f].at[0], sem)
               for f in range(12)]
        for cp in cps:
            cp.start()
        for cp in cps:
            cp.wait()

        nval = cnt_r - k * _BT
        valid = lax.broadcasted_iota(i32, (1, _BT), 1) < nval

        zT = jnp.concatenate([fv[f][...] for f in range(_NF)], axis=0)
        h1 = jnp.maximum(dot(w1a_ref[...], zT, (((1,), (0,)), ((), ()))) + b1a_ref[...], 0.0)
        q = dot(w1b_ref[...], h1, (((1,), (0,)), ((), ()))) + b1b_ref[...]
        r2 = jnp.maximum(dot(w2a_ref[...], q, (((1,), (0,)), ((), ()))) + b2a_ref[...], 0.0)
        raw = dot(w2b_ref[...], r2, (((1,), (0,)), ((), ()))) + b2b_ref[...]
        m3 = jnp.maximum(dot(w3a_ref[...], q, (((1,), (0,)), ((), ()))) + b3a_ref[...], 0.0)
        msg = dot(w3b_ref[...], m3, (((1,), (0,)), ((), ()))) + b3b_ref[...]

        ge_row = fv[_NF][...]
        oh = (lax.broadcasted_iota(i32, (_W, _BT), 0).astype(f32) == ge_row) & valid
        oh_f = oh.astype(f32)
        mb = jnp.max(jnp.where(oh, raw, _NEG), axis=1, keepdims=True)
        newm = jnp.maximum(m_acc[...], mb)
        scale = jnp.exp(m_acc[...] - newm)
        m_g = dot(newm, oh_f, (((0,), (0,)), ((), ())))
        wgt = jnp.where(valid, jnp.exp(raw - m_g), 0.0)
        msg_m = jnp.where(valid, msg, 0.0)
        vals = jnp.concatenate([wgt, wgt * msg_m], axis=0)
        contrib = dot(oh_f, vals, (((1,), (1,)), ((), ())))
        m_acc[...] = newm
        s_acc[...] = s_acc[...] * scale + contrib
        return 0

    lax.fori_loop(0, (cnt_r + _BT - 1) // _BT, blk, 0)

    @pl.when(r == _NW - 1)
    def _final():
        s = s_acc[...]
        d = s[:, 0:1]
        ok = d > 0.0
        node = jnp.where(ok, s[:, 1:17] / jnp.where(ok, d, 1.0), 0.0)
        combined = jnp.concatenate([node[:_G, :], gam_ref[...]], axis=1)
        h4 = jnp.maximum(dot(combined, w4at_ref[...], (((1,), (0,)), ((), ()))) + b4a_ref[...], 0.0)
        out_ref[...] = dot(h4, w4bt_ref[...], (((1,), (0,)), ((), ()))) + b4b_ref[...]


def kernel(x, edge_index, edge_attr, batch, gammas,
           W1a, b1a, W1b, b1b, W2a, b2a, W2b, b2b,
           W3a, b3a, W3b, b3b, W4a, b4a, W4b, b4b):
    f32 = jnp.float32
    i32 = jnp.int32

    src = edge_index[0]
    dst = edge_index[1]
    is_first = jnp.concatenate([jnp.ones((1,), jnp.bool_), jnp.diff(batch) != 0])
    tbl = jnp.where(is_first, batch + 1, 0).astype(i32)
    tblp = tbl[0::2] | (tbl[1::2] << 16)

    xf = [x[:, k] + 0.0 for k in range(3)]
    ef = [edge_attr[:, k] + 0.0 for k in range(5)]

    outs = _sc_compact(src, dst, xf, ef, tblp)
    fields, ocnt = outs[:12], outs[12]

    col = lambda b: b.reshape(-1, 1)
    row = lambda b: b.reshape(1, -1)
    vspec = pl.BlockSpec(memory_space=pltpu.MemorySpace.VMEM)
    aspec = pl.BlockSpec(memory_space=pl.ANY)

    out = pl.pallas_call(
        _tc_body,
        grid=(_NW,),
        in_specs=[aspec] * 12
                 + [pl.BlockSpec(memory_space=pltpu.MemorySpace.SMEM)]
                 + [vspec] * 17,
        out_specs=pl.BlockSpec(memory_space=pltpu.MemorySpace.VMEM),
        out_shape=jax.ShapeDtypeStruct((_G, 2), f32),
        scratch_shapes=[pltpu.VMEM((1, _BT), f32) for _ in range(12)] + [
            pltpu.VMEM((_W, 1), f32), pltpu.VMEM((_W, 17), f32),
            pltpu.SemaphoreType.DMA,
        ],
    )(*fields, ocnt.reshape(_NW, _L),
      W1a, col(b1a), W1b, col(b1b),
      W2a, col(b2a), W2b, col(b2b),
      W3a, col(b3a), W3b, col(b3b),
      W4a.T, row(b4a), W4b.T, row(b4b), gammas)

    return out

# --- scband reference (transcript-rebuilt; emitter-appended) ---
"""Pipeline reference for scband-gatmodule-72670846648445 (READ-ONLY COPY).

The authoritative reference and input builder live on the scoring server;
editing this copy changes nothing except your own understanding.
"""

import jax, jax.numpy as jnp
import numpy as np

N = 100000
E = 1600000
G = 1000


def _lin(k, fan_in, fan_out):
    return jax.random.normal(k, (fan_out, fan_in), dtype=jnp.float32) / np.sqrt(fan_in)


def setup_inputs(seed: int = 0) -> dict:
    key = jax.random.key(seed)
    ks = jax.random.split(key, 16)
    x = jax.random.normal(ks[0], (N, 3), dtype=jnp.float32)
    edge_index = jax.random.randint(ks[1], (2, E), 0, N, dtype=jnp.int32)
    edge_attr = jax.random.normal(ks[2], (E, 5), dtype=jnp.float32)
    # sorted segment ids, exactly G non-empty graphs (deterministic equal-ish split)
    batch = (jnp.arange(N, dtype=jnp.int32) * G) // N
    gammas = jax.random.normal(ks[3], (G, 2), dtype=jnp.float32)
    params = dict(
        W1a=_lin(ks[4], 11, 64), b1a=jnp.zeros((64,), jnp.float32),
        W1b=_lin(ks[5], 64, 16), b1b=jnp.zeros((16,), jnp.float32),
        W2a=_lin(ks[6], 16, 16), b2a=jnp.zeros((16,), jnp.float32),
        W2b=_lin(ks[7], 16, 1),  b2b=jnp.zeros((1,), jnp.float32),
        W3a=_lin(ks[8], 16, 64), b3a=jnp.zeros((64,), jnp.float32),
        W3b=_lin(ks[9], 64, 16), b3b=jnp.zeros((16,), jnp.float32),
        W4a=_lin(ks[10], 18, 64), b4a=jnp.zeros((64,), jnp.float32),
        W4b=_lin(ks[11], 64, 2),  b4b=jnp.zeros((2,), jnp.float32),
    )
    inp = {"x": x, "edge_index": edge_index, "edge_attr": edge_attr, "batch": batch, "gammas": gammas}
    inp.update(params)
    return inp


def reference(x, edge_index, edge_attr, batch, gammas,
              W1a, b1a, W1b, b1b, W2a, b2a, W2b, b2b,
              W3a, b3a, W3b, b3b, W4a, b4a, W4b, b4b):
    src = edge_index[0]
    dst = edge_index[1]
    v_i = x[src]
    v_j = x[dst]
    zij = jnp.concatenate([v_i, v_j, edge_attr], axis=1)            # [E, 11]
    q_ij = jax.nn.relu(zij @ W1a.T + b1a) @ W1b.T + b1b             # [E, 16] (psi1)
    raw = (jax.nn.relu(q_ij @ W2a.T + b2a) @ W2b.T + b2b)[:, 0]     # [E]     (psi2)
    # scatter_softmax over src
    seg_max = jax.ops.segment_max(raw, src, num_segments=N)
    seg_max = jnp.where(jnp.isfinite(seg_max), seg_max, 0.0)
    ex = jnp.exp(raw - seg_max[src])
    denom = jax.ops.segment_sum(ex, src, num_segments=N)
    attn = ex / denom[src]
    msg = jax.nn.relu(q_ij @ W3a.T + b3a) @ W3b.T + b3b             # [E, 16] (psi3)
    weighted = attn[:, None] * msg
    node_emb = jax.ops.segment_sum(weighted, src, num_segments=N)   # [N, 16] (scatter_sum)
    first_nodes = jnp.concatenate([jnp.array([0], dtype=jnp.int32),
                                   (jnp.nonzero(jnp.diff(batch), size=gammas.shape[0] - 1)[0] + 1).astype(jnp.int32)])
    robot_q = node_emb[first_nodes]                                 # [G, 16]
    combined = jnp.concatenate([robot_q, gammas], axis=1)           # [G, 18]
    out_2d = jax.nn.relu(combined @ W4a.T + b4a) @ W4b.T + b4b      # [G, 2]  (psi4)
    return out_2d

if __name__ == "__main__":
    import jax
    _d = setup_inputs()
    print(jax.jit(kernel)(*tuple(_d.values())))

</pallas_src>

<mosaic_0001>
#map = affine_map<(d0, d1) -> (0)>
module attributes {stable_mosaic.version = 14 : i64} {
  func.func @_sc_body(%arg0: i32, %arg1: i32, %arg2: memref<1600000xi32, #tpu.memory_space<hbm>>, %arg3: memref<1600000xi32, #tpu.memory_space<hbm>>, %arg4: memref<100000xf32, #tpu.memory_space<hbm>>, %arg5: memref<100000xf32, #tpu.memory_space<hbm>>, %arg6: memref<100000xf32, #tpu.memory_space<hbm>>, %arg7: memref<1600000xf32, #tpu.memory_space<hbm>>, %arg8: memref<1600000xf32, #tpu.memory_space<hbm>>, %arg9: memref<1600000xf32, #tpu.memory_space<hbm>>, %arg10: memref<1600000xf32, #tpu.memory_space<hbm>>, %arg11: memref<1600000xf32, #tpu.memory_space<hbm>>, %arg12: memref<50000xi32, #tpu.memory_space<hbm>>, %arg13: memref<1605632xf32, #tpu.memory_space<hbm>>, %arg14: memref<1605632xf32, #tpu.memory_space<hbm>>, %arg15: memref<1605632xf32, #tpu.memory_space<hbm>>, %arg16: memref<1605632xf32, #tpu.memory_space<hbm>>, %arg17: memref<1605632xf32, #tpu.memory_space<hbm>>, %arg18: memref<1605632xf32, #tpu.memory_space<hbm>>, %arg19: memref<1605632xf32, #tpu.memory_space<hbm>>, %arg20: memref<1605632xf32, #tpu.memory_space<hbm>>, %arg21: memref<1605632xf32, #tpu.memory_space<hbm>>, %arg22: memref<1605632xf32, #tpu.memory_space<hbm>>, %arg23: memref<1605632xf32, #tpu.memory_space<hbm>>, %arg24: memref<1605632xf32, #tpu.memory_space<hbm>>, %arg25: memref<512xi32, #tpu.memory_space<hbm>>, %arg26: memref<50000xi32, #tpu.memory_space<vmem>>, %arg27: memref<2000xi32, #tpu.memory_space<vmem>>, %arg28: memref<2000xi32, #tpu.memory_space<vmem>>, %arg29: memref<2048xi32, #tpu.memory_space<vmem>>, %arg30: memref<2048xi32, #tpu.memory_space<vmem>>, %arg31: memref<2048xi32, #tpu.memory_space<vmem>>, %arg32: memref<2048xf32, #tpu.memory_space<vmem>>, %arg33: memref<2048xf32, #tpu.memory_space<vmem>>, %arg34: memref<2048xf32, #tpu.memory_space<vmem>>, %arg35: memref<2048xf32, #tpu.memory_space<vmem>>, %arg36: memref<2048xf32, #tpu.memory_space<vmem>>, %arg37: memref<2048xf32, #tpu.memory_space<vmem>>, %arg38: memref<2048xf32, #tpu.memory_space<vmem>>, %arg39: memref<2048xf32, #tpu.memory_space<vmem>>, %arg40: memref<2048xf32, #tpu.memory_space<vmem>>, %arg41: memref<2048xf32, #tpu.memory_space<vmem>>, %arg42: memref<2048xf32, #tpu.memory_space<vmem>>, %arg43: memref<2048xf32, #tpu.memory_space<vmem>>, %arg44: memref<16xi32, #tpu.memory_space<vmem>>, %arg45: memref<!tpu.dma_semaphore, #tpu.memory_space<semaphore_mem>>, %arg46: memref<!tpu.dma_semaphore, #tpu.memory_space<semaphore_mem>>) attributes {dimension_semantics = [#tpu.dimension_semantics<core_parallel>, #tpu.dimension_semantics<subcore_parallel>], iteration_bounds = array<i64: 2, 16>, scalar_prefetch = 0 : i64, scratch_operands = 21 : i64, tpu.core_type = #tpu.core_type<sc_vector_subcore>, window_params = [{transform_indices = #map}, {transform_indices = #map}, {transform_indices = #map}, {transform_indices = #map}, {transform_indices = #map}, {transform_indices = #map}, {transform_indices = #map}, {transform_indices = #map}, {transform_indices = #map}, {transform_indices = #map}, {transform_indices = #map}, {transform_indices = #map}, {transform_indices = #map}, {transform_indices = #map}, {transform_indices = #map}, {transform_indices = #map}, {transform_indices = #map}, {transform_indices = #map}, {transform_indices = #map}, {transform_indices = #map}, {transform_indices = #map}, {transform_indices = #map}, {transform_indices = #map}, {transform_indices = #map}]} {
    %mul3A = arith.constant 2 : i32
    %mul3A_0 = arith.muli %arg1, %mul3A : i32
    %add3A = arith.addi %mul3A_0, %arg0 : i32
    %mul3A_1 = arith.constant 50176 : i32
    %mul3A_2 = arith.muli %add3A, %mul3A_1 : i32
    "tpu.region"() ({
      %run_scoped3A = tpu.sem_alloc : memref<!tpu.dma_semaphore, #tpu.memory_space<semaphore_mem>>
      tpu.enqueue_dma source(%arg12 : memref<50000xi32, #tpu.memory_space<hbm>>) target(%arg26 : memref<50000xi32, #tpu.memory_space<vmem>>) target_semaphore(%run_scoped3A : memref<!tpu.dma_semaphore, #tpu.memory_space<semaphore_mem>>)
      tpu.wait_dma2 semaphore(%run_scoped3A : memref<!tpu.dma_semaphore, #tpu.memory_space<semaphore_mem>>) src(%arg12 : memref<50000xi32, #tpu.memory_space<hbm>>) dst(%arg26 : memref<50000xi32, #tpu.memory_space<vmem>>)
      tpu.yield
    }) : () -> ()
    %scan3A = arith.constant 0 : i32
    %scan3A_3 = arith.constant 0 : i32
    %scan3A_4 = arith.constant 128 : i32
    %scan3A_5 = arith.addi %scan3A_3, %scan3A_4 : i32
    %scan3A_6 = arith.constant 1 : i32
    %scan3A_7 = scf.for %scan3A_22 = %scan3A_3 to %scan3A_5 step %scan3A_6 iter_args(%scan3A_23 = %scan3A) -> (i32)  : i32 {
      %broadcast_in_dim3A_24 = arith.constant 0 : i32
      %broadcast_in_dim3A_25 = vector.broadcast %broadcast_in_dim3A_24 : i32 to vector<16xi32>
      %mul3A_26 = arith.constant 16 : i32
      %mul3A_27 = arith.muli %scan3A_22, %mul3A_26 : i32
      %swap3A_28 = arith.index_cast %mul3A_27 : i32 to index
      %swap3A_29 = tpu.vector_load %arg29[%swap3A_28] {strides = array<i32>} : memref<2048xi32, #tpu.memory_space<vmem>>, vector<16xi32>,
      tpu.vector_store %arg29[%swap3A_28], %broadcast_in_dim3A_25 {strides = array<i32>} : memref<2048xi32, #tpu.memory_space<vmem>>, vector<16xi32>,
      %mul3A_30 = arith.constant 16 : i32
      %mul3A_31 = arith.muli %scan3A_22, %mul3A_30 : i32
      %swap3A_32 = arith.index_cast %mul3A_31 : i32 to index
      %swap3A_33 = tpu.vector_load %arg30[%swap3A_32] {strides = array<i32>} : memref<2048xi32, #tpu.memory_space<vmem>>, vector<16xi32>,
      tpu.vector_store %arg30[%swap3A_32], %broadcast_in_dim3A_25 {strides = array<i32>} : memref<2048xi32, #tpu.memory_space<vmem>>, vector<16xi32>,
      %mul3A_34 = arith.constant 16 : i32
      %mul3A_35 = arith.muli %scan3A_22, %mul3A_34 : i32
      %swap3A_36 = arith.index_cast %mul3A_35 : i32 to index
      %swap3A_37 = tpu.vector_load %arg31[%swap3A_36] {strides = array<i32>} : memref<2048xi32, #tpu.memory_space<vmem>>, vector<16xi32>,
      tpu.vector_store %arg31[%swap3A_36], %broadcast_in_dim3A_25 {strides = array<i32>} : memref<2048xi32, #tpu.memory_space<vmem>>, vector<16xi32>,
      %scan3A_38 = arith.constant 0 : i32
      scf.yield %scan3A_38 : i32
    }
    %scan3A_8 = arith.constant 128 : i32
    %iota3A = tpu.iota {dimensions = array<i32: 0>} : vector<16xi32>
    %scan3A_9 = arith.constant 0 : i32
    %scan3A_10 = arith.constant 0 : i32
    %scan3A_11 = arith.constant 25 : i32
    %scan3A_12 = arith.addi %scan3A_10, %scan3A_11 : i32
    %scan3A_13 = arith.constant 1 : i32
    %scan3A_14 = scf.for %scan3A_22 = %scan3A_10 to %scan3A_12 step %scan3A_13 iter_args(%scan3A_23 = %scan3A_9) -> (i32)  : i32 {
      %mul3A_24 = arith.constant 50000 : i32
      %mul3A_25 = arith.muli %add3A, %mul3A_24 : i32
      %mul3A_26 = arith.constant 2000 : i32
      %mul3A_27 = arith.muli %scan3A_22, %mul3A_26 : i32
      %add3A_28 = arith.addi %mul3A_25, %mul3A_27 : i32
      %multiple_of3A_29 = tpu.assume_multiple %add3A_28, 16 : i32
      %dma_start3A = tpu.memref_slice %arg2[%multiple_of3A_29] : memref<1600000xi32, #tpu.memory_space<hbm>> -> memref<2000xi32, #tpu.memory_space<hbm>>
      %dma_start3A_30 = tpu.memref_slice %arg2[%multiple_of3A_29] : memref<1600000xi32, #tpu.memory_space<hbm>> -> memref<2000xi32, #tpu.memory_space<hbm>>
      tpu.enqueue_dma source(%dma_start3A_30 : memref<2000xi32, #tpu.memory_space<hbm>>) target(%arg27 : memref<2000xi32, #tpu.memory_space<vmem>>) target_semaphore(%arg45 : memref<!tpu.dma_semaphore, #tpu.memory_space<semaphore_mem>>)
      %dma_start3A_31 = tpu.memref_slice %arg3[%multiple_of3A_29] : memref<1600000xi32, #tpu.memory_space<hbm>> -> memref<2000xi32, #tpu.memory_space<hbm>>
      %dma_start3A_32 = tpu.memref_slice %arg3[%multiple_of3A_29] : memref<1600000xi32, #tpu.memory_space<hbm>> -> memref<2000xi32, #tpu.memory_space<hbm>>
      tpu.enqueue_dma source(%dma_start3A_32 : memref<2000xi32, #tpu.memory_space<hbm>>) target(%arg28 : memref<2000xi32, #tpu.memory_space<vmem>>) target_semaphore(%arg45 : memref<!tpu.dma_semaphore, #tpu.memory_space<semaphore_mem>>)
      %dma_wait3A = tpu.memref_slice %arg2[%multiple_of3A_29] : memref<1600000xi32, #tpu.memory_space<hbm>> -> memref<2000xi32, #tpu.memory_space<hbm>>
      %dma_wait3A_33 = tpu.memref_slice %arg2[%multiple_of3A_29] : memref<1600000xi32, #tpu.memory_space<hbm>> -> memref<2000xi32, #tpu.memory_space<hbm>>
      tpu.wait_dma2 semaphore(%arg45 : memref<!tpu.dma_semaphore, #tpu.memory_space<semaphore_mem>>) src(%dma_wait3A_33 : memref<2000xi32, #tpu.memory_space<hbm>>) dst(%arg27 : memref<2000xi32, #tpu.memory_space<vmem>>)
      %dma_wait3A_34 = tpu.memref_slice %arg3[%multiple_of3A_29] : memref<1600000xi32, #tpu.memory_space<hbm>> -> memref<2000xi32, #tpu.memory_space<hbm>>
      %dma_wait3A_35 = tpu.memref_slice %arg3[%multiple_of3A_29] : memref<1600000xi32, #tpu.memory_space<hbm>> -> memref<2000xi32, #tpu.memory_space<hbm>>
      tpu.wait_dma2 semaphore(%arg45 : memref<!tpu.dma_semaphore, #tpu.memory_space<semaphore_mem>>) src(%dma_wait3A_35 : memref<2000xi32, #tpu.memory_space<hbm>>) dst(%arg28 : memref<2000xi32, #tpu.memory_space<vmem>>)
      %scan3A_36 = arith.constant 0 : i32
      %scan3A_37 = arith.constant 0 : i32
      %scan3A_38 = arith.constant 125 : i32
      %scan3A_39 = arith.addi %scan3A_37, %scan3A_38 : i32
      %scan3A_40 = arith.constant 1 : i32
      %scan3A_41 = scf.for %scan3A_99 = %scan3A_37 to %scan3A_39 step %scan3A_40 iter_args(%scan3A_100 = %scan3A_36) -> (i32)  : i32 {
        %mul3A_101 = arith.constant 16 : i32
        %mul3A_102 = arith.muli %scan3A_99, %mul3A_101 : i32
        %get3A = arith.index_cast %mul3A_102 : i32 to index
        %get3A_103 = tpu.vector_load %arg27[%get3A] {strides = array<i32>} : memref<2000xi32, #tpu.memory_space<vmem>>, vector<16xi32>,
        %mul3A_104 = arith.constant 16 : i32
        %mul3A_105 = arith.muli %scan3A_99, %mul3A_104 : i32
        %get3A_106 = arith.index_cast %mul3A_105 : i32 to index
        %get3A_107 = tpu.vector_load %arg28[%get3A_106] {strides = array<i32>} : memref<2000xi32, #tpu.memory_space<vmem>>, vector<16xi32>,
        %shift_right_logical3A = arith.constant 1 : i32
        %shift_right_logical3A_108 = vector.broadcast %shift_right_logical3A : i32 to vector<16xi32>
        %shift_right_logical3A_109 = arith.shrui %get3A_103, %shift_right_logical3A_108 : vector<16xi32>
        %gather3A = tpu.vector_load_idx %arg26[%shift_right_logical3A_109] : memref<50000xi32, #tpu.memory_space<vmem>>[vector<16xi32>], vector<16xi32>,
        %shift_right_logical3A_110 = arith.constant 16 : i32
        %shift_right_logical3A_111 = vector.broadcast %shift_right_logical3A_110 : i32 to vector<16xi32>
        %shift_right_logical3A_112 = arith.shrui %gather3A, %shift_right_logical3A_111 : vector<16xi32>
        %and3A_113 = arith.constant 1 : i32
        %and3A_114 = vector.broadcast %and3A_113 : i32 to vector<16xi32>
        %and3A_115 = arith.andi %get3A_103, %and3A_114 : vector<16xi32>
        %eq3A_116 = arith.constant 0 : i32
        %eq3A_117 = vector.broadcast %eq3A_116 : i32 to vector<16xi32>
        %eq3A_118 = arith.cmpi eq, %and3A_115, %eq3A_117 : vector<16xi32>
        %and3A_119 = arith.constant 65535 : i32
        %and3A_120 = vector.broadcast %and3A_119 : i32 to vector<16xi32>
        %and3A_121 = arith.andi %gather3A, %and3A_120 : vector<16xi32>
        %and3A_122 = arith.constant 65535 : i32
        %and3A_123 = vector.broadcast %and3A_122 : i32 to vector<16xi32>
        %and3A_124 = arith.andi %shift_right_logical3A_112, %and3A_123 : vector<16xi32>
        %select_n3A_125 = arith.select %eq3A_118, %and3A_121, %and3A_124 : vector<16xi1>, vector<16xi32>
        %gt3A = arith.constant 0 : i32
        %gt3A_126 = vector.broadcast %gt3A : i32 to vector<16xi32>
        %gt3A_127 = arith.cmpi sgt, %select_n3A_125, %gt3A_126 : vector<16xi32>
        %swap3A_128 = arith.index_cast %scan3A_100 : i32 to index
        %swap3A_129 = tpu.vector_load %arg29[%swap3A_128] masked %gt3A_127 {strides = array<i32>} : memref<2048xi32, #tpu.memory_space<vmem>>, vector<16xi32>, vector<16xi1>
        tpu.vector_store %arg29[%swap3A_128], %get3A_103 masked %gt3A_127 {strides = array<i32>} : memref<2048xi32, #tpu.memory_space<vmem>>, vector<16xi32>, vector<16xi1>
        %swap3A_130 = arith.index_cast %scan3A_100 : i32 to index
        %swap3A_131 = tpu.vector_load %arg30[%swap3A_130] masked %gt3A_127 {strides = array<i32>} : memref<2048xi32, #tpu.memory_space<vmem>>, vector<16xi32>, vector<16xi1>
        tpu.vector_store %arg30[%swap3A_130], %get3A_107 masked %gt3A_127 {strides = array<i32>} : memref<2048xi32, #tpu.memory_space<vmem>>, vector<16xi32>, vector<16xi1>
        %mul3A_132 = arith.constant 16 : i32
        %mul3A_133 = arith.muli %scan3A_99, %mul3A_132 : i32
        %add3A_134 = arith.addi %multiple_of3A_29, %mul3A_133 : i32
        %add3A_135 = vector.broadcast %add3A_134 : i32 to vector<16xi32>
        %add3A_136 = arith.addi %add3A_135, %iota3A : vector<16xi32>
        %swap3A_137 = arith.index_cast %scan3A_100 : i32 to index
        %swap3A_138 = tpu.vector_load %arg31[%swap3A_137] masked %gt3A_127 {strides = array<i32>} : memref<2048xi32, #tpu.memory_space<vmem>>, vector<16xi32>, vector<16xi1>
        tpu.vector_store %arg31[%swap3A_137], %add3A_136 masked %gt3A_127 {strides = array<i32>} : memref<2048xi32, #tpu.memory_space<vmem>>, vector<16xi32>, vector<16xi1>
        %sub3A_139 = arith.constant 1 : i32
        %sub3A_140 = vector.broadcast %sub3A_139 : i32 to vector<16xi32>
        %sub3A_141 = arith.subi %select_n3A_125, %sub3A_140 : vector<16xi32>
        %convert_element_type3A = arith.sitofp %sub3A_141 : vector<16xi32> to vector<16xf32>
        %swap3A_142 = arith.index_cast %scan3A_100 : i32 to index
        %swap3A_143 = tpu.vector_load %arg32[%swap3A_142] masked %gt3A_127 {strides = array<i32>} : memref<2048xf32, #tpu.memory_space<vmem>>, vector<16xf32>, vector<16xi1>
        tpu.vector_store %arg32[%swap3A_142], %convert_element_type3A masked %gt3A_127 {strides = array<i32>} : memref<2048xf32, #tpu.memory_space<vmem>>, vector<16xf32>, vector<16xi1>
        %convert_element_type3A_144 = arith.extui %gt3A_127 : vector<16xi1> to vector<16xi32>
        %reduce_sum3A = arith.constant true
        %reduce_sum3A_145 = vector.broadcast %reduce_sum3A : i1 to vector<16xi1>
        %reduce_sum3A_146 = tpu.scan <sum>, %convert_element_type3A_144 masked %reduce_sum3A_145 : vector<16xi32>, vector<16xi1> -> vector<16xi32>
        %reduce_sum3A_147 = vector.extract %reduce_sum3A_146[15] : i32 from vector<16xi32>
        %add3A_148 = arith.addi %scan3A_100, %reduce_sum3A_147 : i32
        scf.yield %add3A_148 : i32
      }
      %scan3A_42 = arith.constant 125 : i32
      %and3A = arith.constant 7 : i32
      %and3A_43 = arith.andi %scan3A_41, %and3A : i32
      %sub3A = arith.constant 8 : i32
      %sub3A_44 = arith.subi %sub3A, %and3A_43 : i32
      %and3A_45 = arith.constant 7 : i32
      %and3A_46 = arith.andi %sub3A_44, %and3A_45 : i32
      %lt3A = vector.broadcast %and3A_46 : i32 to vector<16xi32>
      %lt3A_47 = arith.cmpi slt, %iota3A, %lt3A : vector<16xi32>
      %broadcast_in_dim3A_48 = arith.constant 0 : i32
      %broadcast_in_dim3A_49 = vector.broadcast %broadcast_in_dim3A_48 : i32 to vector<16xi32>
      %swap3A_50 = arith.index_cast %scan3A_41 : i32 to index
      %swap3A_51 = tpu.vector_load %arg29[%swap3A_50] masked %lt3A_47 {strides = array<i32>} : memref<2048xi32, #tpu.memory_space<vmem>>, vector<16xi32>, vector<16xi1>
      tpu.vector_store %arg29[%swap3A_50], %broadcast_in_dim3A_49 masked %lt3A_47 {strides = array<i32>} : memref<2048xi32, #tpu.memory_space<vmem>>, vector<16xi32>, vector<16xi1>
      %broadcast_in_dim3A_52 = arith.constant 0 : i32
      %broadcast_in_dim3A_53 = vector.broadcast %broadcast_in_dim3A_52 : i32 to vector<16xi32>
      %swap3A_54 = arith.index_cast %scan3A_41 : i32 to index
      %swap3A_55 = tpu.vector_load %arg30[%swap3A_54] masked %lt3A_47 {strides = array<i32>} : memref<2048xi32, #tpu.memory_space<vmem>>, vector<16xi32>, vector<16xi1>
      tpu.vector_store %arg30[%swap3A_54], %broadcast_in_dim3A_53 masked %lt3A_47 {strides = array<i32>} : memref<2048xi32, #tpu.memory_space<vmem>>, vector<16xi32>, vector<16xi1>
      %broadcast_in_dim3A_56 = arith.constant 0 : i32
      %broadcast_in_dim3A_57 = vector.broadcast %broadcast_in_dim3A_56 : i32 to vector<16xi32>
      %swap3A_58 = arith.index_cast %scan3A_41 : i32 to index
      %swap3A_59 = tpu.vector_load %arg31[%swap3A_58] masked %lt3A_47 {strides = array<i32>} : memref<2048xi32, #tpu.memory_space<vmem>>, vector<16xi32>, vector<16xi1>
      tpu.vector_store %arg31[%swap3A_58], %broadcast_in_dim3A_57 masked %lt3A_47 {strides = array<i32>} : memref<2048xi32, #tpu.memory_space<vmem>>, vector<16xi32>, vector<16xi1>
      %broadcast_in_dim3A_60 = arith.constant 1.000000e+03 : f32
      %broadcast_in_dim3A_61 = vector.broadcast %broadcast_in_dim3A_60 : f32 to vector<16xf32>
      %swap3A_62 = arith.index_cast %scan3A_41 : i32 to index
      %swap3A_63 = tpu.vector_load %arg32[%swap3A_62] masked %lt3A_47 {strides = array<i32>} : memref<2048xf32, #tpu.memory_space<vmem>>, vector<16xf32>, vector<16xi1>
      tpu.vector_store %arg32[%swap3A_62], %broadcast_in_dim3A_61 masked %lt3A_47 {strides = array<i32>} : memref<2048xf32, #tpu.memory_space<vmem>>, vector<16xf32>, vector<16xi1>
      %add3A_64 = arith.addi %scan3A_41, %and3A_46 : i32
      %add3A_65 = arith.constant 127 : i32
      %add3A_66 = arith.addi %add3A_64, %add3A_65 : i32
      %jit3A_67 = arith.constant 128 : i32
      %div3A = arith.divsi %add3A_66, %jit3A_67 : i32
      %sign3A = arith.constant 0 : i32
      %sign3A_68 = arith.cmpi sgt, %add3A_66, %sign3A : i32
      %sign3A_69 = arith.extui %sign3A_68 : i1 to i32
      %sign3A_70 = arith.constant 0 : i32
      %sign3A_71 = arith.cmpi slt, %add3A_66, %sign3A_70 : i32
      %sign3A_72 = arith.extui %sign3A_71 : i1 to i32
      %sign3A_73 = arith.subi %sign3A_69, %sign3A_72 : i32
      %sign3A_74 = arith.constant 0 : i32
      %sign3A_75 = arith.cmpi sgt, %jit3A_67, %sign3A_74 : i32
      %sign3A_76 = arith.extui %sign3A_75 : i1 to i32
      %sign3A_77 = arith.constant 0 : i32
      %sign3A_78 = arith.cmpi slt, %jit3A_67, %sign3A_77 : i32
      %sign3A_79 = arith.extui %sign3A_78 : i1 to i32
      %sign3A_80 = arith.subi %sign3A_76, %sign3A_79 : i32
      %ne3A = arith.cmpi ne, %sign3A_73, %sign3A_80 : i32
      %rem3A = arith.remsi %add3A_66, %jit3A_67 : i32
      %ne3A_81 = arith.constant 0 : i32
      %ne3A_82 = arith.cmpi ne, %rem3A, %ne3A_81 : i32
      %and3A_83 = arith.andi %ne3A, %ne3A_82 : i1
      %sub3A_84 = arith.constant 1 : i32
      %sub3A_85 = arith.subi %div3A, %sub3A_84 : i32
      %select_n3A_86 = arith.select %and3A_83, %sub3A_85, %div3A : i32
      %while3A = arith.constant 0 : i32
      %while3A_87 = arith.constant 0 : i32
      %while3A_88 = arith.subi %select_n3A_86, %while3A : i32
      %while3A_89 = arith.addi %while3A, %while3A_88 : i32
      %while3A_90 = arith.constant 1 : i32
      %while3A_91 = arith.divsi %while3A_88, %while3A_90 : i32
      %while3A_92 = arith.muli %while3A_91, %while3A_90 : i32
      %while3A_93 = arith.addi %while3A, %while3A_92 : i32
      %while3A_94 = arith.constant 1 : i32
      %while3A_95 = scf.for %while3A_99 = %while3A to %while3A_93 step %while3A_94 iter_args(%while3A_100 = %while3A_87) -> (i32)  : i32 {
        %mul3A_101 = arith.constant 128 : i32
        %mul3A_102 = arith.muli %while3A_99, %mul3A_101 : i32
        %multiple_of3A_103 = tpu.assume_multiple %mul3A_102, 128 : i32
        %dma_start3A_104 = tpu.memref_slice %arg33[%multiple_of3A_103] : memref<2048xf32, #tpu.memory_space<vmem>> -> memref<128xf32, #tpu.memory_space<vmem>>
        %dma_start3A_105 = tpu.memref_slice %arg29[%multiple_of3A_103] : memref<2048xi32, #tpu.memory_space<vmem>> -> memref<128xi32, #tpu.memory_space<vmem>>
        %dma_start3A_106 = arith.constant 0 : i32
        %dma_start3A_107 = tpu.memref_slice %arg4[%dma_start3A_106] : memref<100000xf32, #tpu.memory_space<hbm>> -> memref<100000xf32, #tpu.memory_space<hbm>>
        tpu.enqueue_indirect_dma source(%dma_start3A_107 : memref<100000xf32, #tpu.memory_space<hbm>>) target(%dma_start3A_104 : memref<128xf32, #tpu.memory_space<vmem>>) offsets(%dma_start3A_105 : memref<128xi32, #tpu.memory_space<vmem>>) semaphore(%arg45 : memref<!tpu.dma_semaphore, #tpu.memory_space<semaphore_mem>>)
        %dma_start3A_108 = tpu.memref_slice %arg34[%multiple_of3A_103] : memref<2048xf32, #tpu.memory_space<vmem>> -> memref<128xf32, #tpu.memory_space<vmem>>
        %dma_start3A_109 = tpu.memref_slice %arg29[%multiple_of3A_103] : memref<2048xi32, #tpu.memory_space<vmem>> -> memref<128xi32, #tpu.memory_space<vmem>>
        %dma_start3A_110 = arith.constant 0 : i32
        %dma_start3A_111 = tpu.memref_slice %arg5[%dma_start3A_110] : memref<100000xf32, #tpu.memory_space<hbm>> -> memref<100000xf32, #tpu.memory_space<hbm>>
        tpu.enqueue_indirect_dma source(%dma_start3A_111 : memref<100000xf32, #tpu.memory_space<hbm>>) target(%dma_start3A_108 : memref<128xf32, #tpu.memory_space<vmem>>) offsets(%dma_start3A_109 : memref<128xi32, #tpu.memory_space<vmem>>) semaphore(%arg45 : memref<!tpu.dma_semaphore, #tpu.memory_space<semaphore_mem>>)
        %dma_start3A_112 = tpu.memref_slice %arg35[%multiple_of3A_103] : memref<2048xf32, #tpu.memory_space<vmem>> -> memref<128xf32, #tpu.memory_space<vmem>>
        %dma_start3A_113 = tpu.memref_slice %arg29[%multiple_of3A_103] : memref<2048xi32, #tpu.memory_space<vmem>> -> memref<128xi32, #tpu.memory_space<vmem>>
        %dma_start3A_114 = arith.constant 0 : i32
        %dma_start3A_115 = tpu.memref_slice %arg6[%dma_start3A_114] : memref<100000xf32, #tpu.memory_space<hbm>> -> memref<100000xf32, #tpu.memory_space<hbm>>
        tpu.enqueue_indirect_dma source(%dma_start3A_115 : memref<100000xf32, #tpu.memory_space<hbm>>) target(%dma_start3A_112 : memref<128xf32, #tpu.memory_space<vmem>>) offsets(%dma_start3A_113 : memref<128xi32, #tpu.memory_space<vmem>>) semaphore(%arg45 : memref<!tpu.dma_semaphore, #tpu.memory_space<semaphore_mem>>)
        %dma_start3A_116 = tpu.memref_slice %arg36[%multiple_of3A_103] : memref<2048xf32, #tpu.memory_space<vmem>> -> memref<128xf32, #tpu.memory_space<vmem>>
        %dma_start3A_117 = tpu.memref_slice %arg30[%multiple_of3A_103] : memref<2048xi32, #tpu.memory_space<vmem>> -> memref<128xi32, #tpu.memory_space<vmem>>
        %dma_start3A_118 = arith.constant 0 : i32
        %dma_start3A_119 = tpu.memref_slice %arg4[%dma_start3A_118] : memref<100000xf32, #tpu.memory_space<hbm>> -> memref<100000xf32, #tpu.memory_space<hbm>>
        tpu.enqueue_indirect_dma source(%dma_start3A_119 : memref<100000xf32, #tpu.memory_space<hbm>>) target(%dma_start3A_116 : memref<128xf32, #tpu.memory_space<vmem>>) offsets(%dma_start3A_117 : memref<128xi32, #tpu.memory_space<vmem>>) semaphore(%arg45 : memref<!tpu.dma_semaphore, #tpu.memory_space<semaphore_mem>>)
        %dma_start3A_120 = tpu.memref_slice %arg37[%multiple_of3A_103] : memref<2048xf32, #tpu.memory_space<vmem>> -> memref<128xf32, #tpu.memory_space<vmem>>
        %dma_start3A_121 = tpu.memref_slice %arg30[%multiple_of3A_103] : memref<2048xi32, #tpu.memory_space<vmem>> -> memref<128xi32, #tpu.memory_space<vmem>>
        %dma_start3A_122 = arith.constant 0 : i32
        %dma_start3A_123 = tpu.memref_slice %arg5[%dma_start3A_122] : memref<100000xf32, #tpu.memory_space<hbm>> -> memref<100000xf32, #tpu.memory_space<hbm>>
        tpu.enqueue_indirect_dma source(%dma_start3A_123 : memref<100000xf32, #tpu.memory_space<hbm>>) target(%dma_start3A_120 : memref<128xf32, #tpu.memory_space<vmem>>) offsets(%dma_start3A_121 : memref<128xi32, #tpu.memory_space<vmem>>) semaphore(%arg45 : memref<!tpu.dma_semaphore, #tpu.memory_space<semaphore_mem>>)
        %dma_start3A_124 = tpu.memref_slice %arg38[%multiple_of3A_103] : memref<2048xf32, #tpu.memory_space<vmem>> -> memref<128xf32, #tpu.memory_space<vmem>>
        %dma_start3A_125 = tpu.memref_slice %arg30[%multiple_of3A_103] : memref<2048xi32, #tpu.memory_space<vmem>> -> memref<128xi32, #tpu.memory_space<vmem>>
        %dma_start3A_126 = arith.constant 0 : i32
        %dma_start3A_127 = tpu.memref_slice %arg6[%dma_start3A_126] : memref<100000xf32, #tpu.memory_space<hbm>> -> memref<100000xf32, #tpu.memory_space<hbm>>
        tpu.enqueue_indirect_dma source(%dma_start3A_127 : memref<100000xf32, #tpu.memory_space<hbm>>) target(%dma_start3A_124 : memref<128xf32, #tpu.memory_space<vmem>>) offsets(%dma_start3A_125 : memref<128xi32, #tpu.memory_space<vmem>>) semaphore(%arg45 : memref<!tpu.dma_semaphore, #tpu.memory_space<semaphore_mem>>)
        %dma_start3A_128 = tpu.memref_slice %arg39[%multiple_of3A_103] : memref<2048xf32, #tpu.memory_space<vmem>> -> memref<128xf32, #tpu.memory_space<vmem>>
        %dma_start3A_129 = tpu.memref_slice %arg31[%multiple_of3A_103] : memref<2048xi32, #tpu.memory_space<vmem>> -> memref<128xi32, #tpu.memory_space<vmem>>
        %dma_start3A_130 = arith.constant 0 : i32
        %dma_start3A_131 = tpu.memref_slice %arg7[%dma_start3A_130] : memref<1600000xf32, #tpu.memory_space<hbm>> -> memref<1600000xf32, #tpu.memory_space<hbm>>
        tpu.enqueue_indirect_dma source(%dma_start3A_131 : memref<1600000xf32, #tpu.memory_space<hbm>>) target(%dma_start3A_128 : memref<128xf32, #tpu.memory_space<vmem>>) offsets(%dma_start3A_129 : memref<128xi32, #tpu.memory_space<vmem>>) semaphore(%arg45 : memref<!tpu.dma_semaphore, #tpu.memory_space<semaphore_mem>>)
        %dma_start3A_132 = tpu.memref_slice %arg40[%multiple_of3A_103] : memref<2048xf32, #tpu.memory_space<vmem>> -> memref<128xf32, #tpu.memory_space<vmem>>
        %dma_start3A_133 = tpu.memref_slice %arg31[%multiple_of3A_103] : memref<2048xi32, #tpu.memory_space<vmem>> -> memref<128xi32, #tpu.memory_space<vmem>>
        %dma_start3A_134 = arith.constant 0 : i32
        %dma_start3A_135 = tpu.memref_slice %arg8[%dma_start3A_134] : memref<1600000xf32, #tpu.memory_space<hbm>> -> memref<1600000xf32, #tpu.memory_space<hbm>>
        tpu.enqueue_indirect_dma source(%dma_start3A_135 : memref<1600000xf32, #tpu.memory_space<hbm>>) target(%dma_start3A_132 : memref<128xf32, #tpu.memory_space<vmem>>) offsets(%dma_start3A_133 : memref<128xi32, #tpu.memory_space<vmem>>) semaphore(%arg45 : memref<!tpu.dma_semaphore, #tpu.memory_space<semaphore_mem>>)
        %dma_start3A_136 = tpu.memref_slice %arg41[%multiple_of3A_103] : memref<2048xf32, #tpu.memory_space<vmem>> -> memref<128xf32, #tpu.memory_space<vmem>>
        %dma_start3A_137 = tpu.memref_slice %arg31[%multiple_of3A_103] : memref<2048xi32, #tpu.memory_space<vmem>> -> memref<128xi32, #tpu.memory_space<vmem>>
        %dma_start3A_138 = arith.constant 0 : i32
        %dma_start3A_139 = tpu.memref_slice %arg9[%dma_start3A_138] : memref<1600000xf32, #tpu.memory_space<hbm>> -> memref<1600000xf32, #tpu.memory_space<hbm>>
        tpu.enqueue_indirect_dma source(%dma_start3A_139 : memref<1600000xf32, #tpu.memory_space<hbm>>) target(%dma_start3A_136 : memref<128xf32, #tpu.memory_space<vmem>>) offsets(%dma_start3A_137 : memref<128xi32, #tpu.memory_space<vmem>>) semaphore(%arg45 : memref<!tpu.dma_semaphore, #tpu.memory_space<semaphore_mem>>)
        %dma_start3A_140 = tpu.memref_slice %arg42[%multiple_of3A_103] : memref<2048xf32, #tpu.memory_space<vmem>> -> memref<128xf32, #tpu.memory_space<vmem>>
        %dma_start3A_141 = tpu.memref_slice %arg31[%multiple_of3A_103] : memref<2048xi32, #tpu.memory_space<vmem>> -> memref<128xi32, #tpu.memory_space<vmem>>
        %dma_start3A_142 = arith.constant 0 : i32
        %dma_start3A_143 = tpu.memref_slice %arg10[%dma_start3A_142] : memref<1600000xf32, #tpu.memory_space<hbm>> -> memref<1600000xf32, #tpu.memory_space<hbm>>
        tpu.enqueue_indirect_dma source(%dma_start3A_143 : memref<1600000xf32, #tpu.memory_space<hbm>>) target(%dma_start3A_140 : memref<128xf32, #tpu.memory_space<vmem>>) offsets(%dma_start3A_141 : memref<128xi32, #tpu.memory_space<vmem>>) semaphore(%arg45 : memref<!tpu.dma_semaphore, #tpu.memory_space<semaphore_mem>>)
        %dma_start3A_144 = tpu.memref_slice %arg43[%multiple_of3A_103] : memref<2048xf32, #tpu.memory_space<vmem>> -> memref<128xf32, #tpu.memory_space<vmem>>
        %dma_start3A_145 = tpu.memref_slice %arg31[%multiple_of3A_103] : memref<2048xi32, #tpu.memory_space<vmem>> -> memref<128xi32, #tpu.memory_space<vmem>>
        %dma_start3A_146 = arith.constant 0 : i32
        %dma_start3A_147 = tpu.memref_slice %arg11[%dma_start3A_146] : memref<1600000xf32, #tpu.memory_space<hbm>> -> memref<1600000xf32, #tpu.memory_space<hbm>>
        tpu.enqueue_indirect_dma source(%dma_start3A_147 : memref<1600000xf32, #tpu.memory_space<hbm>>) target(%dma_start3A_144 : memref<128xf32, #tpu.memory_space<vmem>>) offsets(%dma_start3A_145 : memref<128xi32, #tpu.memory_space<vmem>>) semaphore(%arg45 : memref<!tpu.dma_semaphore, #tpu.memory_space<semaphore_mem>>)
        %dma_wait3A_148 = tpu.memref_slice %arg33[%multiple_of3A_103] : memref<2048xf32, #tpu.memory_space<vmem>> -> memref<128xf32, #tpu.memory_space<vmem>>
        %dma_wait3A_149 = tpu.memref_slice %arg29[%multiple_of3A_103] : memref<2048xi32, #tpu.memory_space<vmem>> -> memref<128xi32, #tpu.memory_space<vmem>>
        %dma_wait3A_150 = arith.constant 0 : i32
        %dma_wait3A_151 = tpu.memref_slice %arg4[%dma_wait3A_150] : memref<100000xf32, #tpu.memory_space<hbm>> -> memref<100000xf32, #tpu.memory_space<hbm>>
        tpu.wait_indirect_dma semaphore(%arg45 : memref<!tpu.dma_semaphore, #tpu.memory_space<semaphore_mem>>) src(%dma_wait3A_151 : memref<100000xf32, #tpu.memory_space<hbm>>) dst(%dma_wait3A_148 : memref<128xf32, #tpu.memory_space<vmem>>)
        %dma_wait3A_152 = tpu.memref_slice %arg34[%multiple_of3A_103] : memref<2048xf32, #tpu.memory_space<vmem>> -> memref<128xf32, #tpu.memory_space<vmem>>
        %dma_wait3A_153 = tpu.memref_slice %arg29[%multiple_of3A_103] : memref<2048xi32, #tpu.memory_space<vmem>> -> memref<128xi32, #tpu.memory_space<vmem>>
        %dma_wait3A_154 = arith.constant 0 : i32
        %dma_wait3A_155 = tpu.memref_slice %arg5[%dma_wait3A_154] : memref<100000xf32, #tpu.memory_space<hbm>> -> memref<100000xf32, #tpu.memory_space<hbm>>
        tpu.wait_indirect_dma semaphore(%arg45 : memref<!tpu.dma_semaphore, #tpu.memory_space<semaphore_mem>>) src(%dma_wait3A_155 : memref<100000xf32, #tpu.memory_space<hbm>>) dst(%dma_wait3A_152 : memref<128xf32, #tpu.memory_space<vmem>>)
        %dma_wait3A_156 = tpu.memref_slice %arg35[%multiple_of3A_103] : memref<2048xf32, #tpu.memory_space<vmem>> -> memref<128xf32, #tpu.memory_space<vmem>>
        %dma_wait3A_157 = tpu.memref_slice %arg29[%multiple_of3A_103] : memref<2048xi32, #tpu.memory_space<vmem>> -> memref<128xi32, #tpu.memory_space<vmem>>
        %dma_wait3A_158 = arith.constant 0 : i32
        %dma_wait3A_159 = tpu.memref_slice %arg6[%dma_wait3A_158] : memref<100000xf32, #tpu.memory_space<hbm>> -> memref<100000xf32, #tpu.memory_space<hbm>>
        tpu.wait_indirect_dma semaphore(%arg45 : memref<!tpu.dma_semaphore, #tpu.memory_space<semaphore_mem>>) src(%dma_wait3A_159 : memref<100000xf32, #tpu.memory_space<hbm>>) dst(%dma_wait3A_156 : memref<128xf32, #tpu.memory_space<vmem>>)
        %dma_wait3A_160 = tpu.memref_slice %arg36[%multiple_of3A_103] : memref<2048xf32, #tpu.memory_space<vmem>> -> memref<128xf32, #tpu.memory_space<vmem>>
        %dma_wait3A_161 = tpu.memref_slice %arg30[%multiple_of3A_103] : memref<2048xi32, #tpu.memory_space<vmem>> -> memref<128xi32, #tpu.memory_space<vmem>>
        %dma_wait3A_162 = arith.constant 0 : i32
        %dma_wait3A_163 = tpu.memref_slice %arg4[%dma_wait3A_162] : memref<100000xf32, #tpu.memory_space<hbm>> -> memref<100000xf32, #tpu.memory_space<hbm>>
        tpu.wait_indirect_dma semaphore(%arg45 : memref<!tpu.dma_semaphore, #tpu.memory_space<semaphore_mem>>) src(%dma_wait3A_163 : memref<100000xf32, #tpu.memory_space<hbm>>) dst(%dma_wait3A_160 : memref<128xf32, #tpu.memory_space<vmem>>)
        %dma_wait3A_164 = tpu.memref_slice %arg37[%multiple_of3A_103] : memref<2048xf32, #tpu.memory_space<vmem>> -> memref<128xf32, #tpu.memory_space<vmem>>
        %dma_wait3A_165 = tpu.memref_slice %arg30[%multiple_of3A_103] : memref<2048xi32, #tpu.memory_space<vmem>> -> memref<128xi32, #tpu.memory_space<vmem>>
        %dma_wait3A_166 = arith.constant 0 : i32
        %dma_wait3A_167 = tpu.memref_slice %arg5[%dma_wait3A_166] : memref<100000xf32, #tpu.memory_space<hbm>> -> memref<100000xf32, #tpu.memory_space<hbm>>
        tpu.wait_indirect_dma semaphore(%arg45 : memref<!tpu.dma_semaphore, #tpu.memory_space<semaphore_mem>>) src(%dma_wait3A_167 : memref<100000xf32, #tpu.memory_space<hbm>>) dst(%dma_wait3A_164 : memref<128xf32, #tpu.memory_space<vmem>>)
        %dma_wait3A_168 = tpu.memref_slice %arg38[%multiple_of3A_103] : memref<2048xf32, #tpu.memory_space<vmem>> -> memref<128xf32, #tpu.memory_space<vmem>>
        %dma_wait3A_169 = tpu.memref_slice %arg30[%multiple_of3A_103] : memref<2048xi32, #tpu.memory_space<vmem>> -> memref<128xi32, #tpu.memory_space<vmem>>
        %dma_wait3A_170 = arith.constant 0 : i32
        %dma_wait3A_171 = tpu.memref_slice %arg6[%dma_wait3A_170] : memref<100000xf32, #tpu.memory_space<hbm>> -> memref<100000xf32, #tpu.memory_space<hbm>>
        tpu.wait_indirect_dma semaphore(%arg45 : memref<!tpu.dma_semaphore, #tpu.memory_space<semaphore_mem>>) src(%dma_wait3A_171 : memref<100000xf32, #tpu.memory_space<hbm>>) dst(%dma_wait3A_168 : memref<128xf32, #tpu.memory_space<vmem>>)
        %dma_wait3A_172 = tpu.memref_slice %arg39[%multiple_of3A_103] : memref<2048xf32, #tpu.memory_space<vmem>> -> memref<128xf32, #tpu.memory_space<vmem>>
        %dma_wait3A_173 = tpu.memref_slice %arg31[%multiple_of3A_103] : memref<2048xi32, #tpu.memory_space<vmem>> -> memref<128xi32, #tpu.memory_space<vmem>>
        %dma_wait3A_174 = arith.constant 0 : i32
        %dma_wait3A_175 = tpu.memref_slice %arg7[%dma_wait3A_174] : memref<1600000xf32, #tpu.memory_space<hbm>> -> memref<1600000xf32, #tpu.memory_space<hbm>>
        tpu.wait_indirect_dma semaphore(%arg45 : memref<!tpu.dma_semaphore, #tpu.memory_space<semaphore_mem>>) src(%dma_wait3A_175 : memref<1600000xf32, #tpu.memory_space<hbm>>) dst(%dma_wait3A_172 : memref<128xf32, #tpu.memory_space<vmem>>)
        %dma_wait3A_176 = tpu.memref_slice %arg40[%multiple_of3A_103] : memref<2048xf32, #tpu.memory_space<vmem>> -> memref<128xf32, #tpu.memory_space<vmem>>
        %dma_wait3A_177 = tpu.memref_slice %arg31[%multiple_of3A_103] : memref<2048xi32, #tpu.memory_space<vmem>> -> memref<128xi32, #tpu.memory_space<vmem>>
        %dma_wait3A_178 = arith.constant 0 : i32
        %dma_wait3A_179 = tpu.memref_slice %arg8[%dma_wait3A_178] : memref<1600000xf32, #tpu.memory_space<hbm>> -> memref<1600000xf32, #tpu.memory_space<hbm>>
        tpu.wait_indirect_dma semaphore(%arg45 : memref<!tpu.dma_semaphore, #tpu.memory_space<semaphore_mem>>) src(%dma_wait3A_179 : memref<1600000xf32, #tpu.memory_space<hbm>>) dst(%dma_wait3A_176 : memref<128xf32, #tpu.memory_space<vmem>>)
        %dma_wait3A_180 = tpu.memref_slice %arg41[%multiple_of3A_103] : memref<2048xf32, #tpu.memory_space<vmem>> -> memref<128xf32, #tpu.memory_space<vmem>>
        %dma_wait3A_181 = tpu.memref_slice %arg31[%multiple_of3A_103] : memref<2048xi32, #tpu.memory_space<vmem>> -> memref<128xi32, #tpu.memory_space<vmem>>
        %dma_wait3A_182 = arith.constant 0 : i32
        %dma_wait3A_183 = tpu.memref_slice %arg9[%dma_wait3A_182] : memref<1600000xf32, #tpu.memory_space<hbm>> -> memref<1600000xf32, #tpu.memory_space<hbm>>
        tpu.wait_indirect_dma semaphore(%arg45 : memref<!tpu.dma_semaphore, #tpu.memory_space<semaphore_mem>>) src(%dma_wait3A_183 : memref<1600000xf32, #tpu.memory_space<hbm>>) dst(%dma_wait3A_180 : memref<128xf32, #tpu.memory_space<vmem>>)
        %dma_wait3A_184 = tpu.memref_slice %arg42[%multiple_of3A_103] : memref<2048xf32, #tpu.memory_space<vmem>> -> memref<128xf32, #tpu.memory_space<vmem>>
        %dma_wait3A_185 = tpu.memref_slice %arg31[%multiple_of3A_103] : memref<2048xi32, #tpu.memory_space<vmem>> -> memref<128xi32, #tpu.memory_space<vmem>>
        %dma_wait3A_186 = arith.constant 0 : i32
        %dma_wait3A_187 = tpu.memref_slice %arg10[%dma_wait3A_186] : memref<1600000xf32, #tpu.memory_space<hbm>> -> memref<1600000xf32, #tpu.memory_space<hbm>>
        tpu.wait_indirect_dma semaphore(%arg45 : memref<!tpu.dma_semaphore, #tpu.memory_space<semaphore_mem>>) src(%dma_wait3A_187 : memref<1600000xf32, #tpu.memory_space<hbm>>) dst(%dma_wait3A_184 : memref<128xf32, #tpu.memory_space<vmem>>)
        %dma_wait3A_188 = tpu.memref_slice %arg43[%multiple_of3A_103] : memref<2048xf32, #tpu.memory_space<vmem>> -> memref<128xf32, #tpu.memory_space<vmem>>
        %dma_wait3A_189 = tpu.memref_slice %arg31[%multiple_of3A_103] : memref<2048xi32, #tpu.memory_space<vmem>> -> memref<128xi32, #tpu.memory_space<vmem>>
        %dma_wait3A_190 = arith.constant 0 : i32
        %dma_wait3A_191 = tpu.memref_slice %arg11[%dma_wait3A_190] : memref<1600000xf32, #tpu.memory_space<hbm>> -> memref<1600000xf32, #tpu.memory_space<hbm>>
        tpu.wait_indirect_dma semaphore(%arg45 : memref<!tpu.dma_semaphore, #tpu.memory_space<semaphore_mem>>) src(%dma_wait3A_191 : memref<1600000xf32, #tpu.memory_space<hbm>>) dst(%dma_wait3A_188 : memref<128xf32, #tpu.memory_space<vmem>>)
        %add3A_192 = arith.addi %mul3A_2, %scan3A_23 : i32
        %mul3A_193 = arith.constant 128 : i32
        %mul3A_194 = arith.muli %while3A_99, %mul3A_193 : i32
        %add3A_195 = arith.addi %add3A_192, %mul3A_194 : i32
        %multiple_of3A_196 = tpu.assume_multiple %add3A_195, 8 : i32
        %dma_start3A_197 = tpu.memref_slice %arg33[%multiple_of3A_103] : memref<2048xf32, #tpu.memory_space<vmem>> -> memref<128xf32, #tpu.memory_space<vmem>>
        %dma_start3A_198 = tpu.memref_slice %arg13[%multiple_of3A_196] : memref<1605632xf32, #tpu.memory_space<hbm>> -> memref<128xf32, #tpu.memory_space<hbm>>
        %dma_start3A_199 = tpu.memref_slice %arg13[%multiple_of3A_196] : memref<1605632xf32, #tpu.memory_space<hbm>> -> memref<128xf32, #tpu.memory_space<hbm>>
        %dma_start3A_200 = tpu.memref_slice %arg33[%multiple_of3A_103] : memref<2048xf32, #tpu.memory_space<vmem>> -> memref<128xf32, #tpu.memory_space<vmem>>
        tpu.enqueue_dma source(%dma_start3A_200 : memref<128xf32, #tpu.memory_space<vmem>>) target(%dma_start3A_199 : memref<128xf32, #tpu.memory_space<hbm>>) target_semaphore(%arg46 : memref<!tpu.dma_semaphore, #tpu.memory_space<semaphore_mem>>)
        %dma_start3A_201 = tpu.memref_slice %arg34[%multiple_of3A_103] : memref<2048xf32, #tpu.memory_space<vmem>> -> memref<128xf32, #tpu.memory_space<vmem>>
        %dma_start3A_202 = tpu.memref_slice %arg14[%multiple_of3A_196] : memref<1605632xf32, #tpu.memory_space<hbm>> -> memref<128xf32, #tpu.memory_space<hbm>>
        %dma_start3A_203 = tpu.memref_slice %arg14[%multiple_of3A_196] : memref<1605632xf32, #tpu.memory_space<hbm>> -> memref<128xf32, #tpu.memory_space<hbm>>
        %dma_start3A_204 = tpu.memref_slice %arg34[%multiple_of3A_103] : memref<2048xf32, #tpu.memory_space<vmem>> -> memref<128xf32, #tpu.memory_space<vmem>>
        tpu.enqueue_dma source(%dma_start3A_204 : memref<128xf32, #tpu.memory_space<vmem>>) target(%dma_start3A_203 : memref<128xf32, #tpu.memory_space<hbm>>) target_semaphore(%arg46 : memref<!tpu.dma_semaphore, #tpu.memory_space<semaphore_mem>>)
        %dma_start3A_205 = tpu.memref_slice %arg35[%multiple_of3A_103] : memref<2048xf32, #tpu.memory_space<vmem>> -> memref<128xf32, #tpu.memory_space<vmem>>
        %dma_start3A_206 = tpu.memref_slice %arg15[%multiple_of3A_196] : memref<1605632xf32, #tpu.memory_space<hbm>> -> memref<128xf32, #tpu.memory_space<hbm>>
        %dma_start3A_207 = tpu.memref_slice %arg15[%multiple_of3A_196] : memref<1605632xf32, #tpu.memory_space<hbm>> -> memref<128xf32, #tpu.memory_space<hbm>>
        %dma_start3A_208 = tpu.memref_slice %arg35[%multiple_of3A_103] : memref<2048xf32, #tpu.memory_space<vmem>> -> memref<128xf32, #tpu.memory_space<vmem>>
        tpu.enqueue_dma source(%dma_start3A_208 : memref<128xf32, #tpu.memory_space<vmem>>) target(%dma_start3A_207 : memref<128xf32, #tpu.memory_space<hbm>>) target_semaphore(%arg46 : memref<!tpu.dma_semaphore, #tpu.memory_space<semaphore_mem>>)
        %dma_start3A_209 = tpu.memref_slice %arg36[%multiple_of3A_103] : memref<2048xf32, #tpu.memory_space<vmem>> -> memref<128xf32, #tpu.memory_space<vmem>>
        %dma_start3A_210 = tpu.memref_slice %arg16[%multiple_of3A_196] : memref<1605632xf32, #tpu.memory_space<hbm>> -> memref<128xf32, #tpu.memory_space<hbm>>
        %dma_start3A_211 = tpu.memref_slice %arg16[%multiple_of3A_196] : memref<1605632xf32, #tpu.memory_space<hbm>> -> memref<128xf32, #tpu.memory_space<hbm>>
        %dma_start3A_212 = tpu.memref_slice %arg36[%multiple_of3A_103] : memref<2048xf32, #tpu.memory_space<vmem>> -> memref<128xf32, #tpu.memory_space<vmem>>
        tpu.enqueue_dma source(%dma_start3A_212 : memref<128xf32, #tpu.memory_space<vmem>>) target(%dma_start3A_211 : memref<128xf32, #tpu.memory_space<hbm>>) target_semaphore(%arg46 : memref<!tpu.dma_semaphore, #tpu.memory_space<semaphore_mem>>)
        %dma_start3A_213 = tpu.memref_slice %arg37[%multiple_of3A_103] : memref<2048xf32, #tpu.memory_space<vmem>> -> memref<128xf32, #tpu.memory_space<vmem>>
        %dma_start3A_214 = tpu.memref_slice %arg17[%multiple_of3A_196] : memref<1605632xf32, #tpu.memory_space<hbm>> -> memref<128xf32, #tpu.memory_space<hbm>>
        %dma_start3A_215 = tpu.memref_slice %arg17[%multiple_of3A_196] : memref<1605632xf32, #tpu.memory_space<hbm>> -> memref<128xf32, #tpu.memory_space<hbm>>
        %dma_start3A_216 = tpu.memref_slice %arg37[%multiple_of3A_103] : memref<2048xf32, #tpu.memory_space<vmem>> -> memref<128xf32, #tpu.memory_space<vmem>>
        tpu.enqueue_dma source(%dma_start3A_216 : memref<128xf32, #tpu.memory_space<vmem>>) target(%dma_start3A_215 : memref<128xf32, #tpu.memory_space<hbm>>) target_semaphore(%arg46 : memref<!tpu.dma_semaphore, #tpu.memory_space<semaphore_mem>>)
        %dma_start3A_217 = tpu.memref_slice %arg38[%multiple_of3A_103] : memref<2048xf32, #tpu.memory_space<vmem>> -> memref<128xf32, #tpu.memory_space<vmem>>
        %dma_start3A_218 = tpu.memref_slice %arg18[%multiple_of3A_196] : memref<1605632xf32, #tpu.memory_space<hbm>> -> memref<128xf32, #tpu.memory_space<hbm>>
        %dma_start3A_219 = tpu.memref_slice %arg18[%multiple_of3A_196] : memref<1605632xf32, #tpu.memory_space<hbm>> -> memref<128xf32, #tpu.memory_space<hbm>>
        %dma_start3A_220 = tpu.memref_slice %arg38[%multiple_of3A_103] : memref<2048xf32, #tpu.memory_space<vmem>> -> memref<128xf32, #tpu.memory_space<vmem>>
        tpu.enqueue_dma source(%dma_start3A_220 : memref<128xf32, #tpu.memory_space<vmem>>) target(%dma_start3A_219 : memref<128xf32, #tpu.memory_space<hbm>>) target_semaphore(%arg46 : memref<!tpu.dma_semaphore, #tpu.memory_space<semaphore_mem>>)
        %dma_start3A_221 = tpu.memref_slice %arg39[%multiple_of3A_103] : memref<2048xf32, #tpu.memory_space<vmem>> -> memref<128xf32, #tpu.memory_space<vmem>>
        %dma_start3A_222 = tpu.memref_slice %arg19[%multiple_of3A_196] : memref<1605632xf32, #tpu.memory_space<hbm>> -> memref<128xf32, #tpu.memory_space<hbm>>
        %dma_start3A_223 = tpu.memref_slice %arg19[%multiple_of3A_196] : memref<1605632xf32, #tpu.memory_space<hbm>> -> memref<128xf32, #tpu.memory_space<hbm>>
        %dma_start3A_224 = tpu.memref_slice %arg39[%multiple_of3A_103] : memref<2048xf32, #tpu.memory_space<vmem>> -> memref<128xf32, #tpu.memory_space<vmem>>
        tpu.enqueue_dma source(%dma_start3A_224 : memref<128xf32, #tpu.memory_space<vmem>>) target(%dma_start3A_223 : memref<128xf32, #tpu.memory_space<hbm>>) target_semaphore(%arg46 : memref<!tpu.dma_semaphore, #tpu.memory_space<semaphore_mem>>)
        %dma_start3A_225 = tpu.memref_slice %arg40[%multiple_of3A_103] : memref<2048xf32, #tpu.memory_space<vmem>> -> memref<128xf32, #tpu.memory_space<vmem>>
        %dma_start3A_226 = tpu.memref_slice %arg20[%multiple_of3A_196] : memref<1605632xf32, #tpu.memory_space<hbm>> -> memref<128xf32, #tpu.memory_space<hbm>>
        %dma_start3A_227 = tpu.memref_slice %arg20[%multiple_of3A_196] : memref<1605632xf32, #tpu.memory_space<hbm>> -> memref<128xf32, #tpu.memory_space<hbm>>
        %dma_start3A_228 = tpu.memref_slice %arg40[%multiple_of3A_103] : memref<2048xf32, #tpu.memory_space<vmem>> -> memref<128xf32, #tpu.memory_space<vmem>>
        tpu.enqueue_dma source(%dma_start3A_228 : memref<128xf32, #tpu.memory_space<vmem>>) target(%dma_start3A_227 : memref<128xf32, #tpu.memory_space<hbm>>) target_semaphore(%arg46 : memref<!tpu.dma_semaphore, #tpu.memory_space<semaphore_mem>>)
        %dma_start3A_229 = tpu.memref_slice %arg41[%multiple_of3A_103] : memref<2048xf32, #tpu.memory_space<vmem>> -> memref<128xf32, #tpu.memory_space<vmem>>
        %dma_start3A_230 = tpu.memref_slice %arg21[%multiple_of3A_196] : memref<1605632xf32, #tpu.memory_space<hbm>> -> memref<128xf32, #tpu.memory_space<hbm>>
        %dma_start3A_231 = tpu.memref_slice %arg21[%multiple_of3A_196] : memref<1605632xf32, #tpu.memory_space<hbm>> -> memref<128xf32, #tpu.memory_space<hbm>>
        %dma_start3A_232 = tpu.memref_slice %arg41[%multiple_of3A_103] : memref<2048xf32, #tpu.memory_space<vmem>> -> memref<128xf32, #tpu.memory_space<vmem>>
        tpu.enqueue_dma source(%dma_start3A_232 : memref<128xf32, #tpu.memory_space<vmem>>) target(%dma_start3A_231 : memref<128xf32, #tpu.memory_space<hbm>>) target_semaphore(%arg46 : memref<!tpu.dma_semaphore, #tpu.memory_space<semaphore_mem>>)
        %dma_start3A_233 = tpu.memref_slice %arg42[%multiple_of3A_103] : memref<2048xf32, #tpu.memory_space<vmem>> -> memref<128xf32, #tpu.memory_space<vmem>>
        %dma_start3A_234 = tpu.memref_slice %arg22[%multiple_of3A_196] : memref<1605632xf32, #tpu.memory_space<hbm>> -> memref<128xf32, #tpu.memory_space<hbm>>
        %dma_start3A_235 = tpu.memref_slice %arg22[%multiple_of3A_196] : memref<1605632xf32, #tpu.memory_space<hbm>> -> memref<128xf32, #tpu.memory_space<hbm>>
        %dma_start3A_236 = tpu.memref_slice %arg42[%multiple_of3A_103] : memref<2048xf32, #tpu.memory_space<vmem>> -> memref<128xf32, #tpu.memory_space<vmem>>
        tpu.enqueue_dma source(%dma_start3A_236 : memref<128xf32, #tpu.memory_space<vmem>>) target(%dma_start3A_235 : memref<128xf32, #tpu.memory_space<hbm>>) target_semaphore(%arg46 : memref<!tpu.dma_semaphore, #tpu.memory_space<semaphore_mem>>)
        %dma_start3A_237 = tpu.memref_slice %arg43[%multiple_of3A_103] : memref<2048xf32, #tpu.memory_space<vmem>> -> memref<128xf32, #tpu.memory_space<vmem>>
        %dma_start3A_238 = tpu.memref_slice %arg23[%multiple_of3A_196] : memref<1605632xf32, #tpu.memory_space<hbm>> -> memref<128xf32, #tpu.memory_space<hbm>>
        %dma_start3A_239 = tpu.memref_slice %arg23[%multiple_of3A_196] : memref<1605632xf32, #tpu.memory_space<hbm>> -> memref<128xf32, #tpu.memory_space<hbm>>
        %dma_start3A_240 = tpu.memref_slice %arg43[%multiple_of3A_103] : memref<2048xf32, #tpu.memory_space<vmem>> -> memref<128xf32, #tpu.memory_space<vmem>>
        tpu.enqueue_dma source(%dma_start3A_240 : memref<128xf32, #tpu.memory_space<vmem>>) target(%dma_start3A_239 : memref<128xf32, #tpu.memory_space<hbm>>) target_semaphore(%arg46 : memref<!tpu.dma_semaphore, #tpu.memory_space<semaphore_mem>>)
        %dma_start3A_241 = tpu.memref_slice %arg32[%multiple_of3A_103] : memref<2048xf32, #tpu.memory_space<vmem>> -> memref<128xf32, #tpu.memory_space<vmem>>
        %dma_start3A_242 = tpu.memref_slice %arg24[%multiple_of3A_196] : memref<1605632xf32, #tpu.memory_space<hbm>> -> memref<128xf32, #tpu.memory_space<hbm>>
        %dma_start3A_243 = tpu.memref_slice %arg24[%multiple_of3A_196] : memref<1605632xf32, #tpu.memory_space<hbm>> -> memref<128xf32, #tpu.memory_space<hbm>>
        %dma_start3A_244 = tpu.memref_slice %arg32[%multiple_of3A_103] : memref<2048xf32, #tpu.memory_space<vmem>> -> memref<128xf32, #tpu.memory_space<vmem>>
        tpu.enqueue_dma source(%dma_start3A_244 : memref<128xf32, #tpu.memory_space<vmem>>) target(%dma_start3A_243 : memref<128xf32, #tpu.memory_space<hbm>>) target_semaphore(%arg46 : memref<!tpu.dma_semaphore, #tpu.memory_space<semaphore_mem>>)
        %dma_wait3A_245 = tpu.memref_slice %arg33[%multiple_of3A_103] : memref<2048xf32, #tpu.memory_space<vmem>> -> memref<128xf32, #tpu.memory_space<vmem>>
        %dma_wait3A_246 = tpu.memref_slice %arg13[%multiple_of3A_196] : memref<1605632xf32, #tpu.memory_space<hbm>> -> memref<128xf32, #tpu.memory_space<hbm>>
        %dma_wait3A_247 = tpu.memref_slice %arg13[%multiple_of3A_196] : memref<1605632xf32, #tpu.memory_space<hbm>> -> memref<128xf32, #tpu.memory_space<hbm>>
        %dma_wait3A_248 = tpu.memref_slice %arg33[%multiple_of3A_103] : memref<2048xf32, #tpu.memory_space<vmem>> -> memref<128xf32, #tpu.memory_space<vmem>>
        tpu.wait_dma2 semaphore(%arg46 : memref<!tpu.dma_semaphore, #tpu.memory_space<semaphore_mem>>) src(%dma_wait3A_248 : memref<128xf32, #tpu.memory_space<vmem>>) dst(%dma_wait3A_247 : memref<128xf32, #tpu.memory_space<hbm>>)
        %dma_wait3A_249 = tpu.memref_slice %arg34[%multiple_of3A_103] : memref<2048xf32, #tpu.memory_space<vmem>> -> memref<128xf32, #tpu.memory_space<vmem>>
        %dma_wait3A_250 = tpu.memref_slice %arg14[%multiple_of3A_196] : memref<1605632xf32, #tpu.memory_space<hbm>> -> memref<128xf32, #tpu.memory_space<hbm>>
        %dma_wait3A_251 = tpu.memref_slice %arg14[%multiple_of3A_196] : memref<1605632xf32, #tpu.memory_space<hbm>> -> memref<128xf32, #tpu.memory_space<hbm>>
        %dma_wait3A_252 = tpu.memref_slice %arg34[%multiple_of3A_103] : memref<2048xf32, #tpu.memory_space<vmem>> -> memref<128xf32, #tpu.memory_space<vmem>>
        tpu.wait_dma2 semaphore(%arg46 : memref<!tpu.dma_semaphore, #tpu.memory_space<semaphore_mem>>) src(%dma_wait3A_252 : memref<128xf32, #tpu.memory_space<vmem>>) dst(%dma_wait3A_251 : memref<128xf32, #tpu.memory_space<hbm>>)
        %dma_wait3A_253 = tpu.memref_slice %arg35[%multiple_of3A_103] : memref<2048xf32, #tpu.memory_space<vmem>> -> memref<128xf32, #tpu.memory_space<vmem>>
        %dma_wait3A_254 = tpu.memref_slice %arg15[%multiple_of3A_196] : memref<1605632xf32, #tpu.memory_space<hbm>> -> memref<128xf32, #tpu.memory_space<hbm>>
        %dma_wait3A_255 = tpu.memref_slice %arg15[%multiple_of3A_196] : memref<1605632xf32, #tpu.memory_space<hbm>> -> memref<128xf32, #tpu.memory_space<hbm>>
        %dma_wait3A_256 = tpu.memref_slice %arg35[%multiple_of3A_103] : memref<2048xf32, #tpu.memory_space<vmem>> -> memref<128xf32, #tpu.memory_space<vmem>>
        tpu.wait_dma2 semaphore(%arg46 : memref<!tpu.dma_semaphore, #tpu.memory_space<semaphore_mem>>) src(%dma_wait3A_256 : memref<128xf32, #tpu.memory_space<vmem>>) dst(%dma_wait3A_255 : memref<128xf32, #tpu.memory_space<hbm>>)
        %dma_wait3A_257 = tpu.memref_slice %arg36[%multiple_of3A_103] : memref<2048xf32, #tpu.memory_space<vmem>> -> memref<128xf32, #tpu.memory_space<vmem>>
        %dma_wait3A_258 = tpu.memref_slice %arg16[%multiple_of3A_196] : memref<1605632xf32, #tpu.memory_space<hbm>> -> memref<128xf32, #tpu.memory_space<hbm>>
        %dma_wait3A_259 = tpu.memref_slice %arg16[%multiple_of3A_196] : memref<1605632xf32, #tpu.memory_space<hbm>> -> memref<128xf32, #tpu.memory_space<hbm>>
        %dma_wait3A_260 = tpu.memref_slice %arg36[%multiple_of3A_103] : memref<2048xf32, #tpu.memory_space<vmem>> -> memref<128xf32, #tpu.memory_space<vmem>>
        tpu.wait_dma2 semaphore(%arg46 : memref<!tpu.dma_semaphore, #tpu.memory_space<semaphore_mem>>) src(%dma_wait3A_260 : memref<128xf32, #tpu.memory_space<vmem>>) dst(%dma_wait3A_259 : memref<128xf32, #tpu.memory_space<hbm>>)
        %dma_wait3A_261 = tpu.memref_slice %arg37[%multiple_of3A_103] : memref<2048xf32, #tpu.memory_space<vmem>> -> memref<128xf32, #tpu.memory_space<vmem>>
        %dma_wait3A_262 = tpu.memref_slice %arg17[%multiple_of3A_196] : memref<1605632xf32, #tpu.memory_space<hbm>> -> memref<128xf32, #tpu.memory_space<hbm>>
        %dma_wait3A_263 = tpu.memref_slice %arg17[%multiple_of3A_196] : memref<1605632xf32, #tpu.memory_space<hbm>> -> memref<128xf32, #tpu.memory_space<hbm>>
        %dma_wait3A_264 = tpu.memref_slice %arg37[%multiple_of3A_103] : memref<2048xf32, #tpu.memory_space<vmem>> -> memref<128xf32, #tpu.memory_space<vmem>>
        tpu.wait_dma2 semaphore(%arg46 : memref<!tpu.dma_semaphore, #tpu.memory_space<semaphore_mem>>) src(%dma_wait3A_264 : memref<128xf32, #tpu.memory_space<vmem>>) dst(%dma_wait3A_263 : memref<128xf32, #tpu.memory_space<hbm>>)
        %dma_wait3A_265 = tpu.memref_slice %arg38[%multiple_of3A_103] : memref<2048xf32, #tpu.memory_space<vmem>> -> memref<128xf32, #tpu.memory_space<vmem>>
        %dma_wait3A_266 = tpu.memref_slice %arg18[%multiple_of3A_196] : memref<1605632xf32, #tpu.memory_space<hbm>> -> memref<128xf32, #tpu.memory_space<hbm>>
        %dma_wait3A_267 = tpu.memref_slice %arg18[%multiple_of3A_196] : memref<1605632xf32, #tpu.memory_space<hbm>> -> memref<128xf32, #tpu.memory_space<hbm>>
        %dma_wait3A_268 = tpu.memref_slice %arg38[%multiple_of3A_103] : memref<2048xf32, #tpu.memory_space<vmem>> -> memref<128xf32, #tpu.memory_space<vmem>>
        tpu.wait_dma2 semaphore(%arg46 : memref<!tpu.dma_semaphore, #tpu.memory_space<semaphore_mem>>) src(%dma_wait3A_268 : memref<128xf32, #tpu.memory_space<vmem>>) dst(%dma_wait3A_267 : memref<128xf32, #tpu.memory_space<hbm>>)
        %dma_wait3A_269 = tpu.memref_slice %arg39[%multiple_of3A_103] : memref<2048xf32, #tpu.memory_space<vmem>> -> memref<128xf32, #tpu.memory_space<vmem>>
        %dma_wait3A_270 = tpu.memref_slice %arg19[%multiple_of3A_196] : memref<1605632xf32, #tpu.memory_space<hbm>> -> memref<128xf32, #tpu.memory_space<hbm>>
        %dma_wait3A_271 = tpu.memref_slice %arg19[%multiple_of3A_196] : memref<1605632xf32, #tpu.memory_space<hbm>> -> memref<128xf32, #tpu.memory_space<hbm>>
        %dma_wait3A_272 = tpu.memref_slice %arg39[%multiple_of3A_103] : memref<2048xf32, #tpu.memory_space<vmem>> -> memref<128xf32, #tpu.memory_space<vmem>>
        tpu.wait_dma2 semaphore(%arg46 : memref<!tpu.dma_semaphore, #tpu.memory_space<semaphore_mem>>) src(%dma_wait3A_272 : memref<128xf32, #tpu.memory_space<vmem>>) dst(%dma_wait3A_271 : memref<128xf32, #tpu.memory_space<hbm>>)
        %dma_wait3A_273 = tpu.memref_slice %arg40[%multiple_of3A_103] : memref<2048xf32, #tpu.memory_space<vmem>> -> memref<128xf32, #tpu.memory_space<vmem>>
        %dma_wait3A_274 = tpu.memref_slice %arg20[%multiple_of3A_196] : memref<1605632xf32, #tpu.memory_space<hbm>> -> memref<128xf32, #tpu.memory_space<hbm>>
        %dma_wait3A_275 = tpu.memref_slice %arg20[%multiple_of3A_196] : memref<1605632xf32, #tpu.memory_space<hbm>> -> memref<128xf32, #tpu.memory_space<hbm>>
        %dma_wait3A_276 = tpu.memref_slice %arg40[%multiple_of3A_103] : memref<2048xf32, #tpu.memory_space<vmem>> -> memref<128xf32, #tpu.memory_space<vmem>>
        tpu.wait_dma2 semaphore(%arg46 : memref<!tpu.dma_semaphore, #tpu.memory_space<semaphore_mem>>) src(%dma_wait3A_276 : memref<128xf32, #tpu.memory_space<vmem>>) dst(%dma_wait3A_275 : memref<128xf32, #tpu.memory_space<hbm>>)
        %dma_wait3A_277 = tpu.memref_slice %arg41[%multiple_of3A_103] : memref<2048xf32, #tpu.memory_space<vmem>> -> memref<128xf32, #tpu.memory_space<vmem>>
        %dma_wait3A_278 = tpu.memref_slice %arg21[%multiple_of3A_196] : memref<1605632xf32, #tpu.memory_space<hbm>> -> memref<128xf32, #tpu.memory_space<hbm>>
        %dma_wait3A_279 = tpu.memref_slice %arg21[%multiple_of3A_196] : memref<1605632xf32, #tpu.memory_space<hbm>> -> memref<128xf32, #tpu.memory_space<hbm>>
        %dma_wait3A_280 = tpu.memref_slice %arg41[%multiple_of3A_103] : memref<2048xf32, #tpu.memory_space<vmem>> -> memref<128xf32, #tpu.memory_space<vmem>>
        tpu.wait_dma2 semaphore(%arg46 : memref<!tpu.dma_semaphore, #tpu.memory_space<semaphore_mem>>) src(%dma_wait3A_280 : memref<128xf32, #tpu.memory_space<vmem>>) dst(%dma_wait3A_279 : memref<128xf32, #tpu.memory_space<hbm>>)
        %dma_wait3A_281 = tpu.memref_slice %arg42[%multiple_of3A_103] : memref<2048xf32, #tpu.memory_space<vmem>> -> memref<128xf32, #tpu.memory_space<vmem>>
        %dma_wait3A_282 = tpu.memref_slice %arg22[%multiple_of3A_196] : memref<1605632xf32, #tpu.memory_space<hbm>> -> memref<128xf32, #tpu.memory_space<hbm>>
        %dma_wait3A_283 = tpu.memref_slice %arg22[%multiple_of3A_196] : memref<1605632xf32, #tpu.memory_space<hbm>> -> memref<128xf32, #tpu.memory_space<hbm>>
        %dma_wait3A_284 = tpu.memref_slice %arg42[%multiple_of3A_103] : memref<2048xf32, #tpu.memory_space<vmem>> -> memref<128xf32, #tpu.memory_space<vmem>>
        tpu.wait_dma2 semaphore(%arg46 : memref<!tpu.dma_semaphore, #tpu.memory_space<semaphore_mem>>) src(%dma_wait3A_284 : memref<128xf32, #tpu.memory_space<vmem>>) dst(%dma_wait3A_283 : memref<128xf32, #tpu.memory_space<hbm>>)
        %dma_wait3A_285 = tpu.memref_slice %arg43[%multiple_of3A_103] : memref<2048xf32, #tpu.memory_space<vmem>> -> memref<128xf32, #tpu.memory_space<vmem>>
        %dma_wait3A_286 = tpu.memref_slice %arg23[%multiple_of3A_196] : memref<1605632xf32, #tpu.memory_space<hbm>> -> memref<128xf32, #tpu.memory_space<hbm>>
        %dma_wait3A_287 = tpu.memref_slice %arg23[%multiple_of3A_196] : memref<1605632xf32, #tpu.memory_space<hbm>> -> memref<128xf32, #tpu.memory_space<hbm>>
        %dma_wait3A_288 = tpu.memref_slice %arg43[%multiple_of3A_103] : memref<2048xf32, #tpu.memory_space<vmem>> -> memref<128xf32, #tpu.memory_space<vmem>>
        tpu.wait_dma2 semaphore(%arg46 : memref<!tpu.dma_semaphore, #tpu.memory_space<semaphore_mem>>) src(%dma_wait3A_288 : memref<128xf32, #tpu.memory_space<vmem>>) dst(%dma_wait3A_287 : memref<128xf32, #tpu.memory_space<hbm>>)
        %dma_wait3A_289 = tpu.memref_slice %arg32[%multiple_of3A_103] : memref<2048xf32, #tpu.memory_space<vmem>> -> memref<128xf32, #tpu.memory_space<vmem>>
        %dma_wait3A_290 = tpu.memref_slice %arg24[%multiple_of3A_196] : memref<1605632xf32, #tpu.memory_space<hbm>> -> memref<128xf32, #tpu.memory_space<hbm>>
        %dma_wait3A_291 = tpu.memref_slice %arg24[%multiple_of3A_196] : memref<1605632xf32, #tpu.memory_space<hbm>> -> memref<128xf32, #tpu.memory_space<hbm>>
        %dma_wait3A_292 = tpu.memref_slice %arg32[%multiple_of3A_103] : memref<2048xf32, #tpu.memory_space<vmem>> -> memref<128xf32, #tpu.memory_space<vmem>>
        tpu.wait_dma2 semaphore(%arg46 : memref<!tpu.dma_semaphore, #tpu.memory_space<semaphore_mem>>) src(%dma_wait3A_292 : memref<128xf32, #tpu.memory_space<vmem>>) dst(%dma_wait3A_291 : memref<128xf32, #tpu.memory_space<hbm>>)
        %while3A_293 = arith.constant 0 : i32
        scf.yield %while3A_293 : i32
      }
      %while3A_96 = arith.constant 1 : i32
      %while3A_97 = scf.for %while3A_99 = %while3A_93 to %while3A_89 step %while3A_96 iter_args(%while3A_100 = %while3A_95) -> (i32)  : i32 {
        %mul3A_101 = arith.constant 128 : i32
        %mul3A_102 = arith.muli %while3A_99, %mul3A_101 : i32
        %multiple_of3A_103 = tpu.assume_multiple %mul3A_102, 128 : i32
        %dma_start3A_104 = tpu.memref_slice %arg33[%multiple_of3A_103] : memref<2048xf32, #tpu.memory_space<vmem>> -> memref<128xf32, #tpu.memory_space<vmem>>
        %dma_start3A_105 = tpu.memref_slice %arg29[%multiple_of3A_103] : memref<2048xi32, #tpu.memory_space<vmem>> -> memref<128xi32, #tpu.memory_space<vmem>>
        %dma_start3A_106 = arith.constant 0 : i32
        %dma_start3A_107 = tpu.memref_slice %arg4[%dma_start3A_106] : memref<100000xf32, #tpu.memory_space<hbm>> -> memref<100000xf32, #tpu.memory_space<hbm>>
        tpu.enqueue_indirect_dma source(%dma_start3A_107 : memref<100000xf32, #tpu.memory_space<hbm>>) target(%dma_start3A_104 : memref<128xf32, #tpu.memory_space<vmem>>) offsets(%dma_start3A_105 : memref<128xi32, #tpu.memory_space<vmem>>) semaphore(%arg45 : memref<!tpu.dma_semaphore, #tpu.memory_space<semaphore_mem>>)
        %dma_start3A_108 = tpu.memref_slice %arg34[%multiple_of3A_103] : memref<2048xf32, #tpu.memory_space<vmem>> -> memref<128xf32, #tpu.memory_space<vmem>>
        %dma_start3A_109 = tpu.memref_slice %arg29[%multiple_of3A_103] : memref<2048xi32, #tpu.memory_space<vmem>> -> memref<128xi32, #tpu.memory_space<vmem>>
        %dma_start3A_110 = arith.constant 0 : i32
        %dma_start3A_111 = tpu.memref_slice %arg5[%dma_start3A_110] : memref<100000xf32, #tpu.memory_space<hbm>> -> memref<100000xf32, #tpu.memory_space<hbm>>
        tpu.enqueue_indirect_dma source(%dma_start3A_111 : memref<100000xf32, #tpu.memory_space<hbm>>) target(%dma_start3A_108 : memref<128xf32, #tpu.memory_space<vmem>>) offsets(%dma_start3A_109 : memref<128xi32, #tpu.memory_space<vmem>>) semaphore(%arg45 : memref<!tpu.dma_semaphore, #tpu.memory_space<semaphore_mem>>)
        %dma_start3A_112 = tpu.memref_slice %arg35[%multiple_of3A_103] : memref<2048xf32, #tpu.memory_space<vmem>> -> memref<128xf32, #tpu.memory_space<vmem>>
        %dma_start3A_113 = tpu.memref_slice %arg29[%multiple_of3A_103] : memref<2048xi32, #tpu.memory_space<vmem>> -> memref<128xi32, #tpu.memory_space<vmem>>
        %dma_start3A_114 = arith.constant 0 : i32
        %dma_start3A_115 = tpu.memref_slice %arg6[%dma_start3A_114] : memref<100000xf32, #tpu.memory_space<hbm>> -> memref<100000xf32, #tpu.memory_space<hbm>>
        tpu.enqueue_indirect_dma source(%dma_start3A_115 : memref<100000xf32, #tpu.memory_space<hbm>>) target(%dma_start3A_112 : memref<128xf32, #tpu.memory_space<vmem>>) offsets(%dma_start3A_113 : memref<128xi32, #tpu.memory_space<vmem>>) semaphore(%arg45 : memref<!tpu.dma_semaphore, #tpu.memory_space<semaphore_mem>>)
        %dma_start3A_116 = tpu.memref_slice %arg36[%multiple_of3A_103] : memref<2048xf32, #tpu.memory_space<vmem>> -> memref<128xf32, #tpu.memory_space<vmem>>
        %dma_start3A_117 = tpu.memref_slice %arg30[%multiple_of3A_103] : memref<2048xi32, #tpu.memory_space<vmem>> -> memref<128xi32, #tpu.memory_space<vmem>>
        %dma_start3A_118 = arith.constant 0 : i32
        %dma_start3A_119 = tpu.memref_slice %arg4[%dma_start3A_118] : memref<100000xf32, #tpu.memory_space<hbm>> -> memref<100000xf32, #tpu.memory_space<hbm>>
        tpu.enqueue_indirect_dma source(%dma_start3A_119 : memref<100000xf32, #tpu.memory_space<hbm>>) target(%dma_start3A_116 : memref<128xf32, #tpu.memory_space<vmem>>) offsets(%dma_start3A_117 : memref<128xi32, #tpu.memory_space<vmem>>) semaphore(%arg45 : memref<!tpu.dma_semaphore, #tpu.memory_space<semaphore_mem>>)
        %dma_start3A_120 = tpu.memref_slice %arg37[%multiple_of3A_103] : memref<2048xf32, #tpu.memory_space<vmem>> -> memref<128xf32, #tpu.memory_space<vmem>>
        %dma_start3A_121 = tpu.memref_slice %arg30[%multiple_of3A_103] : memref<2048xi32, #tpu.memory_space<vmem>> -> memref<128xi32, #tpu.memory_space<vmem>>
        %dma_start3A_122 = arith.constant 0 : i32
        %dma_start3A_123 = tpu.memref_slice %arg5[%dma_start3A_122] : memref<100000xf32, #tpu.memory_space<hbm>> -> memref<100000xf32, #tpu.memory_space<hbm>>
        tpu.enqueue_indirect_dma source(%dma_start3A_123 : memref<100000xf32, #tpu.memory_space<hbm>>) target(%dma_start3A_120 : memref<128xf32, #tpu.memory_space<vmem>>) offsets(%dma_start3A_121 : memref<128xi32, #tpu.memory_space<vmem>>) semaphore(%arg45 : memref<!tpu.dma_semaphore, #tpu.memory_space<semaphore_mem>>)
        %dma_start3A_124 = tpu.memref_slice %arg38[%multiple_of3A_103] : memref<2048xf32, #tpu.memory_space<vmem>> -> memref<128xf32, #tpu.memory_space<vmem>>
        %dma_start3A_125 = tpu.memref_slice %arg30[%multiple_of3A_103] : memref<2048xi32, #tpu.memory_space<vmem>> -> memref<128xi32, #tpu.memory_space<vmem>>
        %dma_start3A_126 = arith.constant 0 : i32
        %dma_start3A_127 = tpu.memref_slice %arg6[%dma_start3A_126] : memref<100000xf32, #tpu.memory_space<hbm>> -> memref<100000xf32, #tpu.memory_space<hbm>>
        tpu.enqueue_indirect_dma source(%dma_start3A_127 : memref<100000xf32, #tpu.memory_space<hbm>>) target(%dma_start3A_124 : memref<128xf32, #tpu.memory_space<vmem>>) offsets(%dma_start3A_125 : memref<128xi32, #tpu.memory_space<vmem>>) semaphore(%arg45 : memref<!tpu.dma_semaphore, #tpu.memory_space<semaphore_mem>>)
        %dma_start3A_128 = tpu.memref_slice %arg39[%multiple_of3A_103] : memref<2048xf32, #tpu.memory_space<vmem>> -> memref<128xf32, #tpu.memory_space<vmem>>
        %dma_start3A_129 = tpu.memref_slice %arg31[%multiple_of3A_103] : memref<2048xi32, #tpu.memory_space<vmem>> -> memref<128xi32, #tpu.memory_space<vmem>>
        %dma_start3A_130 = arith.constant 0 : i32
        %dma_start3A_131 = tpu.memref_slice %arg7[%dma_start3A_130] : memref<1600000xf32, #tpu.memory_space<hbm>> -> memref<1600000xf32, #tpu.memory_space<hbm>>
        tpu.enqueue_indirect_dma source(%dma_start3A_131 : memref<1600000xf32, #tpu.memory_space<hbm>>) target(%dma_start3A_128 : memref<128xf32, #tpu.memory_space<vmem>>) offsets(%dma_start3A_129 : memref<128xi32, #tpu.memory_space<vmem>>) semaphore(%arg45 : memref<!tpu.dma_semaphore, #tpu.memory_space<semaphore_mem>>)
        %dma_start3A_132 = tpu.memref_slice %arg40[%multiple_of3A_103] : memref<2048xf32, #tpu.memory_space<vmem>> -> memref<128xf32, #tpu.memory_space<vmem>>
        %dma_start3A_133 = tpu.memref_slice %arg31[%multiple_of3A_103] : memref<2048xi32, #tpu.memory_space<vmem>> -> memref<128xi32, #tpu.memory_space<vmem>>
        %dma_start3A_134 = arith.constant 0 : i32
        %dma_start3A_135 = tpu.memref_slice %arg8[%dma_start3A_134] : memref<1600000xf32, #tpu.memory_space<hbm>> -> memref<1600000xf32, #tpu.memory_space<hbm>>
        tpu.enqueue_indirect_dma source(%dma_start3A_135 : memref<1600000xf32, #tpu.memory_space<hbm>>) target(%dma_start3A_132 : memref<128xf32, #tpu.memory_space<vmem>>) offsets(%dma_start3A_133 : memref<128xi32, #tpu.memory_space<vmem>>) semaphore(%arg45 : memref<!tpu.dma_semaphore, #tpu.memory_space<semaphore_mem>>)
        %dma_start3A_136 = tpu.memref_slice %arg41[%multiple_of3A_103] : memref<2048xf32, #tpu.memory_space<vmem>> -> memref<128xf32, #tpu.memory_space<vmem>>
        %dma_start3A_137 = tpu.memref_slice %arg31[%multiple_of3A_103] : memref<2048xi32, #tpu.memory_space<vmem>> -> memref<128xi32, #tpu.memory_space<vmem>>
        %dma_start3A_138 = arith.constant 0 : i32
        %dma_start3A_139 = tpu.memref_slice %arg9[%dma_start3A_138] : memref<1600000xf32, #tpu.memory_space<hbm>> -> memref<1600000xf32, #tpu.memory_space<hbm>>
        tpu.enqueue_indirect_dma source(%dma_start3A_139 : memref<1600000xf32, #tpu.memory_space<hbm>>) target(%dma_start3A_136 : memref<128xf32, #tpu.memory_space<vmem>>) offsets(%dma_start3A_137 : memref<128xi32, #tpu.memory_space<vmem>>) semaphore(%arg45 : memref<!tpu.dma_semaphore, #tpu.memory_space<semaphore_mem>>)
        %dma_start3A_140 = tpu.memref_slice %arg42[%multiple_of3A_103] : memref<2048xf32, #tpu.memory_space<vmem>> -> memref<128xf32, #tpu.memory_space<vmem>>
        %dma_start3A_141 = tpu.memref_slice %arg31[%multiple_of3A_103] : memref<2048xi32, #tpu.memory_space<vmem>> -> memref<128xi32, #tpu.memory_space<vmem>>
        %dma_start3A_142 = arith.constant 0 : i32
        %dma_start3A_143 = tpu.memref_slice %arg10[%dma_start3A_142] : memref<1600000xf32, #tpu.memory_space<hbm>> -> memref<1600000xf32, #tpu.memory_space<hbm>>
        tpu.enqueue_indirect_dma source(%dma_start3A_143 : memref<1600000xf32, #tpu.memory_space<hbm>>) target(%dma_start3A_140 : memref<128xf32, #tpu.memory_space<vmem>>) offsets(%dma_start3A_141 : memref<128xi32, #tpu.memory_space<vmem>>) semaphore(%arg45 : memref<!tpu.dma_semaphore, #tpu.memory_space<semaphore_mem>>)
        %dma_start3A_144 = tpu.memref_slice %arg43[%multiple_of3A_103] : memref<2048xf32, #tpu.memory_space<vmem>> -> memref<128xf32, #tpu.memory_space<vmem>>
        %dma_start3A_145 = tpu.memref_slice %arg31[%multiple_of3A_103] : memref<2048xi32, #tpu.memory_space<vmem>> -> memref<128xi32, #tpu.memory_space<vmem>>
        %dma_start3A_146 = arith.constant 0 : i32
        %dma_start3A_147 = tpu.memref_slice %arg11[%dma_start3A_146] : memref<1600000xf32, #tpu.memory_space<hbm>> -> memref<1600000xf32, #tpu.memory_space<hbm>>
        tpu.enqueue_indirect_dma source(%dma_start3A_147 : memref<1600000xf32, #tpu.memory_space<hbm>>) target(%dma_start3A_144 : memref<128xf32, #tpu.memory_space<vmem>>) offsets(%dma_start3A_145 : memref<128xi32, #tpu.memory_space<vmem>>) semaphore(%arg45 : memref<!tpu.dma_semaphore, #tpu.memory_space<semaphore_mem>>)
        %dma_wait3A_148 = tpu.memref_slice %arg33[%multiple_of3A_103] : memref<2048xf32, #tpu.memory_space<vmem>> -> memref<128xf32, #tpu.memory_space<vmem>>
        %dma_wait3A_149 = tpu.memref_slice %arg29[%multiple_of3A_103] : memref<2048xi32, #tpu.memory_space<vmem>> -> memref<128xi32, #tpu.memory_space<vmem>>
        %dma_wait3A_150 = arith.constant 0 : i32
        %dma_wait3A_151 = tpu.memref_slice %arg4[%dma_wait3A_150] : memref<100000xf32, #tpu.memory_space<hbm>> -> memref<100000xf32, #tpu.memory_space<hbm>>
        tpu.wait_indirect_dma semaphore(%arg45 : memref<!tpu.dma_semaphore, #tpu.memory_space<semaphore_mem>>) src(%dma_wait3A_151 : memref<100000xf32, #tpu.memory_space<hbm>>) dst(%dma_wait3A_148 : memref<128xf32, #tpu.memory_space<vmem>>)
        %dma_wait3A_152 = tpu.memref_slice %arg34[%multiple_of3A_103] : memref<2048xf32, #tpu.memory_space<vmem>> -> memref<128xf32, #tpu.memory_space<vmem>>
        %dma_wait3A_153 = tpu.memref_slice %arg29[%multiple_of3A_103] : memref<2048xi32, #tpu.memory_space<vmem>> -> memref<128xi32, #tpu.memory_space<vmem>>
        %dma_wait3A_154 = arith.constant 0 : i32
        %dma_wait3A_155 = tpu.memref_slice %arg5[%dma_wait3A_154] : memref<100000xf32, #tpu.memory_space<hbm>> -> memref<100000xf32, #tpu.memory_space<hbm>>
        tpu.wait_indirect_dma semaphore(%arg45 : memref<!tpu.dma_semaphore, #tpu.memory_space<semaphore_mem>>) src(%dma_wait3A_155 : memref<100000xf32, #tpu.memory_space<hbm>>) dst(%dma_wait3A_152 : memref<128xf32, #tpu.memory_space<vmem>>)
        %dma_wait3A_156 = tpu.memref_slice %arg35[%multiple_of3A_103] : memref<2048xf32, #tpu.memory_space<vmem>> -> memref<128xf32, #tpu.memory_space<vmem>>
        %dma_wait3A_157 = tpu.memref_slice %arg29[%multiple_of3A_103] : memref<2048xi32, #tpu.memory_space<vmem>> -> memref<128xi32, #tpu.memory_space<vmem>>
        %dma_wait3A_158 = arith.constant 0 : i32
        %dma_wait3A_159 = tpu.memref_slice %arg6[%dma_wait3A_158] : memref<100000xf32, #tpu.memory_space<hbm>> -> memref<100000xf32, #tpu.memory_space<hbm>>
        tpu.wait_indirect_dma semaphore(%arg45 : memref<!tpu.dma_semaphore, #tpu.memory_space<semaphore_mem>>) src(%dma_wait3A_159 : memref<100000xf32, #tpu.memory_space<hbm>>) dst(%dma_wait3A_156 : memref<128xf32, #tpu.memory_space<vmem>>)
        %dma_wait3A_160 = tpu.memref_slice %arg36[%multiple_of3A_103] : memref<2048xf32, #tpu.memory_space<vmem>> -> memref<128xf32, #tpu.memory_space<vmem>>
        %dma_wait3A_161 = tpu.memref_slice %arg30[%multiple_of3A_103] : memref<2048xi32, #tpu.memory_space<vmem>> -> memref<128xi32, #tpu.memory_space<vmem>>
        %dma_wait3A_162 = arith.constant 0 : i32
        %dma_wait3A_163 = tpu.memref_slice %arg4[%dma_wait3A_162] : memref<100000xf32, #tpu.memory_space<hbm>> -> memref<100000xf32, #tpu.memory_space<hbm>>
        tpu.wait_indirect_dma semaphore(%arg45 : memref<!tpu.dma_semaphore, #tpu.memory_space<semaphore_mem>>) src(%dma_wait3A_163 : memref<100000xf32, #tpu.memory_space<hbm>>) dst(%dma_wait3A_160 : memref<128xf32, #tpu.memory_space<vmem>>)
        %dma_wait3A_164 = tpu.memref_slice %arg37[%multiple_of3A_103] : memref<2048xf32, #tpu.memory_space<vmem>> -> memref<128xf32, #tpu.memory_space<vmem>>
        %dma_wait3A_165 = tpu.memref_slice %arg30[%multiple_of3A_103] : memref<2048xi32, #tpu.memory_space<vmem>> -> memref<128xi32, #tpu.memory_space<vmem>>
        %dma_wait3A_166 = arith.constant 0 : i32
        %dma_wait3A_167 = tpu.memref_slice %arg5[%dma_wait3A_166] : memref<100000xf32, #tpu.memory_space<hbm>> -> memref<100000xf32, #tpu.memory_space<hbm>>
        tpu.wait_indirect_dma semaphore(%arg45 : memref<!tpu.dma_semaphore, #tpu.memory_space<semaphore_mem>>) src(%dma_wait3A_167 : memref<100000xf32, #tpu.memory_space<hbm>>) dst(%dma_wait3A_164 : memref<128xf32, #tpu.memory_space<vmem>>)
        %dma_wait3A_168 = tpu.memref_slice %arg38[%multiple_of3A_103] : memref<2048xf32, #tpu.memory_space<vmem>> -> memref<128xf32, #tpu.memory_space<vmem>>
        %dma_wait3A_169 = tpu.memref_slice %arg30[%multiple_of3A_103] : memref<2048xi32, #tpu.memory_space<vmem>> -> memref<128xi32, #tpu.memory_space<vmem>>
        %dma_wait3A_170 = arith.constant 0 : i32
        %dma_wait3A_171 = tpu.memref_slice %arg6[%dma_wait3A_170] : memref<100000xf32, #tpu.memory_space<hbm>> -> memref<100000xf32, #tpu.memory_space<hbm>>
        tpu.wait_indirect_dma semaphore(%arg45 : memref<!tpu.dma_semaphore, #tpu.memory_space<semaphore_mem>>) src(%dma_wait3A_171 : memref<100000xf32, #tpu.memory_space<hbm>>) dst(%dma_wait3A_168 : memref<128xf32, #tpu.memory_space<vmem>>)
        %dma_wait3A_172 = tpu.memref_slice %arg39[%multiple_of3A_103] : memref<2048xf32, #tpu.memory_space<vmem>> -> memref<128xf32, #tpu.memory_space<vmem>>
        %dma_wait3A_173 = tpu.memref_slice %arg31[%multiple_of3A_103] : memref<2048xi32, #tpu.memory_space<vmem>> -> memref<128xi32, #tpu.memory_space<vmem>>
        %dma_wait3A_174 = arith.constant 0 : i32
        %dma_wait3A_175 = tpu.memref_slice %arg7[%dma_wait3A_174] : memref<1600000xf32, #tpu.memory_space<hbm>> -> memref<1600000xf32, #tpu.memory_space<hbm>>
        tpu.wait_indirect_dma semaphore(%arg45 : memref<!tpu.dma_semaphore, #tpu.memory_space<semaphore_mem>>) src(%dma_wait3A_175 : memref<1600000xf32, #tpu.memory_space<hbm>>) dst(%dma_wait3A_172 : memref<128xf32, #tpu.memory_space<vmem>>)
        %dma_wait3A_176 = tpu.memref_slice %arg40[%multiple_of3A_103] : memref<2048xf32, #tpu.memory_space<vmem>> -> memref<128xf32, #tpu.memory_space<vmem>>
        %dma_wait3A_177 = tpu.memref_slice %arg31[%multiple_of3A_103] : memref<2048xi32, #tpu.memory_space<vmem>> -> memref<128xi32, #tpu.memory_space<vmem>>
        %dma_wait3A_178 = arith.constant 0 : i32
        %dma_wait3A_179 = tpu.memref_slice %arg8[%dma_wait3A_178] : memref<1600000xf32, #tpu.memory_space<hbm>> -> memref<1600000xf32, #tpu.memory_space<hbm>>
        tpu.wait_indirect_dma semaphore(%arg45 : memref<!tpu.dma_semaphore, #tpu.memory_space<semaphore_mem>>) src(%dma_wait3A_179 : memref<1600000xf32, #tpu.memory_space<hbm>>) dst(%dma_wait3A_176 : memref<128xf32, #tpu.memory_space<vmem>>)
        %dma_wait3A_180 = tpu.memref_slice %arg41[%multiple_of3A_103] : memref<2048xf32, #tpu.memory_space<vmem>> -> memref<128xf32, #tpu.memory_space<vmem>>
        %dma_wait3A_181 = tpu.memref_slice %arg31[%multiple_of3A_103] : memref<2048xi32, #tpu.memory_space<vmem>> -> memref<128xi32, #tpu.memory_space<vmem>>
        %dma_wait3A_182 = arith.constant 0 : i32
        %dma_wait3A_183 = tpu.memref_slice %arg9[%dma_wait3A_182] : memref<1600000xf32, #tpu.memory_space<hbm>> -> memref<1600000xf32, #tpu.memory_space<hbm>>
        tpu.wait_indirect_dma semaphore(%arg45 : memref<!tpu.dma_semaphore, #tpu.memory_space<semaphore_mem>>) src(%dma_wait3A_183 : memref<1600000xf32, #tpu.memory_space<hbm>>) dst(%dma_wait3A_180 : memref<128xf32, #tpu.memory_space<vmem>>)
        %dma_wait3A_184 = tpu.memref_slice %arg42[%multiple_of3A_103] : memref<2048xf32, #tpu.memory_space<vmem>> -> memref<128xf32, #tpu.memory_space<vmem>>
        %dma_wait3A_185 = tpu.memref_slice %arg31[%multiple_of3A_103] : memref<2048xi32, #tpu.memory_space<vmem>> -> memref<128xi32, #tpu.memory_space<vmem>>
        %dma_wait3A_186 = arith.constant 0 : i32
        %dma_wait3A_187 = tpu.memref_slice %arg10[%dma_wait3A_186] : memref<1600000xf32, #tpu.memory_space<hbm>> -> memref<1600000xf32, #tpu.memory_space<hbm>>
        tpu.wait_indirect_dma semaphore(%arg45 : memref<!tpu.dma_semaphore, #tpu.memory_space<semaphore_mem>>) src(%dma_wait3A_187 : memref<1600000xf32, #tpu.memory_space<hbm>>) dst(%dma_wait3A_184 : memref<128xf32, #tpu.memory_space<vmem>>)
        %dma_wait3A_188 = tpu.memref_slice %arg43[%multiple_of3A_103] : memref<2048xf32, #tpu.memory_space<vmem>> -> memref<128xf32, #tpu.memory_space<vmem>>
        %dma_wait3A_189 = tpu.memref_slice %arg31[%multiple_of3A_103] : memref<2048xi32, #tpu.memory_space<vmem>> -> memref<128xi32, #tpu.memory_space<vmem>>
        %dma_wait3A_190 = arith.constant 0 : i32
        %dma_wait3A_191 = tpu.memref_slice %arg11[%dma_wait3A_190] : memref<1600000xf32, #tpu.memory_space<hbm>> -> memref<1600000xf32, #tpu.memory_space<hbm>>
        tpu.wait_indirect_dma semaphore(%arg45 : memref<!tpu.dma_semaphore, #tpu.memory_space<semaphore_mem>>) src(%dma_wait3A_191 : memref<1600000xf32, #tpu.memory_space<hbm>>) dst(%dma_wait3A_188 : memref<128xf32, #tpu.memory_space<vmem>>)
        %add3A_192 = arith.addi %mul3A_2, %scan3A_23 : i32
        %mul3A_193 = arith.constant 128 : i32
        %mul3A_194 = arith.muli %while3A_99, %mul3A_193 : i32
        %add3A_195 = arith.addi %add3A_192, %mul3A_194 : i32
        %multiple_of3A_196 = tpu.assume_multiple %add3A_195, 8 : i32
        %dma_start3A_197 = tpu.memref_slice %arg33[%multiple_of3A_103] : memref<2048xf32, #tpu.memory_space<vmem>> -> memref<128xf32, #tpu.memory_space<vmem>>
        %dma_start3A_198 = tpu.memref_slice %arg13[%multiple_of3A_196] : memref<1605632xf32, #tpu.memory_space<hbm>> -> memref<128xf32, #tpu.memory_space<hbm>>
        %dma_start3A_199 = tpu.memref_slice %arg13[%multiple_of3A_196] : memref<1605632xf32, #tpu.memory_space<hbm>> -> memref<128xf32, #tpu.memory_space<hbm>>
        %dma_start3A_200 = tpu.memref_slice %arg33[%multiple_of3A_103] : memref<2048xf32, #tpu.memory_space<vmem>> -> memref<128xf32, #tpu.memory_space<vmem>>
        tpu.enqueue_dma source(%dma_start3A_200 : memref<128xf32, #tpu.memory_space<vmem>>) target(%dma_start3A_199 : memref<128xf32, #tpu.memory_space<hbm>>) target_semaphore(%arg46 : memref<!tpu.dma_semaphore, #tpu.memory_space<semaphore_mem>>)
        %dma_start3A_201 = tpu.memref_slice %arg34[%multiple_of3A_103] : memref<2048xf32, #tpu.memory_space<vmem>> -> memref<128xf32, #tpu.memory_space<vmem>>
        %dma_start3A_202 = tpu.memref_slice %arg14[%multiple_of3A_196] : memref<1605632xf32, #tpu.memory_space<hbm>> -> memref<128xf32, #tpu.memory_space<hbm>>
        %dma_start3A_203 = tpu.memref_slice %arg14[%multiple_of3A_196] : memref<1605632xf32, #tpu.memory_space<hbm>> -> memref<128xf32, #tpu.memory_space<hbm>>
        %dma_start3A_204 = tpu.memref_slice %arg34[%multiple_of3A_103] : memref<2048xf32, #tpu.memory_space<vmem>> -> memref<128xf32, #tpu.memory_space<vmem>>
        tpu.enqueue_dma source(%dma_start3A_204 : memref<128xf32, #tpu.memory_space<vmem>>) target(%dma_start3A_203 : memref<128xf32, #tpu.memory_space<hbm>>) target_semaphore(%arg46 : memref<!tpu.dma_semaphore, #tpu.memory_space<semaphore_mem>>)
        %dma_start3A_205 = tpu.memref_slice %arg35[%multiple_of3A_103] : memref<2048xf32, #tpu.memory_space<vmem>> -> memref<128xf32, #tpu.memory_space<vmem>>
        %dma_start3A_206 = tpu.memref_slice %arg15[%multiple_of3A_196] : memref<1605632xf32, #tpu.memory_space<hbm>> -> memref<128xf32, #tpu.memory_space<hbm>>
        %dma_start3A_207 = tpu.memref_slice %arg15[%multiple_of3A_196] : memref<1605632xf32, #tpu.memory_space<hbm>> -> memref<128xf32, #tpu.memory_space<hbm>>
        %dma_start3A_208 = tpu.memref_slice %arg35[%multiple_of3A_103] : memref<2048xf32, #tpu.memory_space<vmem>> -> memref<128xf32, #tpu.memory_space<vmem>>
        tpu.enqueue_dma source(%dma_start3A_208 : memref<128xf32, #tpu.memory_space<vmem>>) target(%dma_start3A_207 : memref<128xf32, #tpu.memory_space<hbm>>) target_semaphore(%arg46 : memref<!tpu.dma_semaphore, #tpu.memory_space<semaphore_mem>>)
        %dma_start3A_209 = tpu.memref_slice %arg36[%multiple_of3A_103] : memref<2048xf32, #tpu.memory_space<vmem>> -> memref<128xf32, #tpu.memory_space<vmem>>
        %dma_start3A_210 = tpu.memref_slice %arg16[%multiple_of3A_196] : memref<1605632xf32, #tpu.memory_space<hbm>> -> memref<128xf32, #tpu.memory_space<hbm>>
        %dma_start3A_211 = tpu.memref_slice %arg16[%multiple_of3A_196] : memref<1605632xf32, #tpu.memory_space<hbm>> -> memref<128xf32, #tpu.memory_space<hbm>>
        %dma_start3A_212 = tpu.memref_slice %arg36[%multiple_of3A_103] : memref<2048xf32, #tpu.memory_space<vmem>> -> memref<128xf32, #tpu.memory_space<vmem>>
        tpu.enqueue_dma source(%dma_start3A_212 : memref<128xf32, #tpu.memory_space<vmem>>) target(%dma_start3A_211 : memref<128xf32, #tpu.memory_space<hbm>>) target_semaphore(%arg46 : memref<!tpu.dma_semaphore, #tpu.memory_space<semaphore_mem>>)
        %dma_start3A_213 = tpu.memref_slice %arg37[%multiple_of3A_103] : memref<2048xf32, #tpu.memory_space<vmem>> -> memref<128xf32, #tpu.memory_space<vmem>>
        %dma_start3A_214 = tpu.memref_slice %arg17[%multiple_of3A_196] : memref<1605632xf32, #tpu.memory_space<hbm>> -> memref<128xf32, #tpu.memory_space<hbm>>
        %dma_start3A_215 = tpu.memref_slice %arg17[%multiple_of3A_196] : memref<1605632xf32, #tpu.memory_space<hbm>> -> memref<128xf32, #tpu.memory_space<hbm>>
        %dma_start3A_216 = tpu.memref_slice %arg37[%multiple_of3A_103] : memref<2048xf32, #tpu.memory_space<vmem>> -> memref<128xf32, #tpu.memory_space<vmem>>
        tpu.enqueue_dma source(%dma_start3A_216 : memref<128xf32, #tpu.memory_space<vmem>>) target(%dma_start3A_215 : memref<128xf32, #tpu.memory_space<hbm>>) target_semaphore(%arg46 : memref<!tpu.dma_semaphore, #tpu.memory_space<semaphore_mem>>)
        %dma_start3A_217 = tpu.memref_slice %arg38[%multiple_of3A_103] : memref<2048xf32, #tpu.memory_space<vmem>> -> memref<128xf32, #tpu.memory_space<vmem>>
        %dma_start3A_218 = tpu.memref_slice %arg18[%multiple_of3A_196] : memref<1605632xf32, #tpu.memory_space<hbm>> -> memref<128xf32, #tpu.memory_space<hbm>>
        %dma_start3A_219 = tpu.memref_slice %arg18[%multiple_of3A_196] : memref<1605632xf32, #tpu.memory_space<hbm>> -> memref<128xf32, #tpu.memory_space<hbm>>
        %dma_start3A_220 = tpu.memref_slice %arg38[%multiple_of3A_103] : memref<2048xf32, #tpu.memory_space<vmem>> -> memref<128xf32, #tpu.memory_space<vmem>>
        tpu.enqueue_dma source(%dma_start3A_220 : memref<128xf32, #tpu.memory_space<vmem>>) target(%dma_start3A_219 : memref<128xf32, #tpu.memory_space<hbm>>) target_semaphore(%arg46 : memref<!tpu.dma_semaphore, #tpu.memory_space<semaphore_mem>>)
        %dma_start3A_221 = tpu.memref_slice %arg39[%multiple_of3A_103] : memref<2048xf32, #tpu.memory_space<vmem>> -> memref<128xf32, #tpu.memory_space<vmem>>
        %dma_start3A_222 = tpu.memref_slice %arg19[%multiple_of3A_196] : memref<1605632xf32, #tpu.memory_space<hbm>> -> memref<128xf32, #tpu.memory_space<hbm>>
        %dma_start3A_223 = tpu.memref_slice %arg19[%multiple_of3A_196] : memref<1605632xf32, #tpu.memory_space<hbm>> -> memref<128xf32, #tpu.memory_space<hbm>>
        %dma_start3A_224 = tpu.memref_slice %arg39[%multiple_of3A_103] : memref<2048xf32, #tpu.memory_space<vmem>> -> memref<128xf32, #tpu.memory_space<vmem>>
        tpu.enqueue_dma source(%dma_start3A_224 : memref<128xf32, #tpu.memory_space<vmem>>) target(%dma_start3A_223 : memref<128xf32, #tpu.memory_space<hbm>>) target_semaphore(%arg46 : memref<!tpu.dma_semaphore, #tpu.memory_space<semaphore_mem>>)
        %dma_start3A_225 = tpu.memref_slice %arg40[%multiple_of3A_103] : memref<2048xf32, #tpu.memory_space<vmem>> -> memref<128xf32, #tpu.memory_space<vmem>>
        %dma_start3A_226 = tpu.memref_slice %arg20[%multiple_of3A_196] : memref<1605632xf32, #tpu.memory_space<hbm>> -> memref<128xf32, #tpu.memory_space<hbm>>
        %dma_start3A_227 = tpu.memref_slice %arg20[%multiple_of3A_196] : memref<1605632xf32, #tpu.memory_space<hbm>> -> memref<128xf32, #tpu.memory_space<hbm>>
        %dma_start3A_228 = tpu.memref_slice %arg40[%multiple_of3A_103] : memref<2048xf32, #tpu.memory_space<vmem>> -> memref<128xf32, #tpu.memory_space<vmem>>
        tpu.enqueue_dma source(%dma_start3A_228 : memref<128xf32, #tpu.memory_space<vmem>>) target(%dma_start3A_227 : memref<128xf32, #tpu.memory_space<hbm>>) target_semaphore(%arg46 : memref<!tpu.dma_semaphore, #tpu.memory_space<semaphore_mem>>)
        %dma_start3A_229 = tpu.memref_slice %arg41[%multiple_of3A_103] : memref<2048xf32, #tpu.memory_space<vmem>> -> memref<128xf32, #tpu.memory_space<vmem>>
        %dma_start3A_230 = tpu.memref_slice %arg21[%multiple_of3A_196] : memref<1605632xf32, #tpu.memory_space<hbm>> -> memref<128xf32, #tpu.memory_space<hbm>>
        %dma_start3A_231 = tpu.memref_slice %arg21[%multiple_of3A_196] : memref<1605632xf32, #tpu.memory_space<hbm>> -> memref<128xf32, #tpu.memory_space<hbm>>
        %dma_start3A_232 = tpu.memref_slice %arg41[%multiple_of3A_103] : memref<2048xf32, #tpu.memory_space<vmem>> -> memref<128xf32, #tpu.memory_space<vmem>>
        tpu.enqueue_dma source(%dma_start3A_232 : memref<128xf32, #tpu.memory_space<vmem>>) target(%dma_start3A_231 : memref<128xf32, #tpu.memory_space<hbm>>) target_semaphore(%arg46 : memref<!tpu.dma_semaphore, #tpu.memory_space<semaphore_mem>>)
        %dma_start3A_233 = tpu.memref_slice %arg42[%multiple_of3A_103] : memref<2048xf32, #tpu.memory_space<vmem>> -> memref<128xf32, #tpu.memory_space<vmem>>
        %dma_start3A_234 = tpu.memref_slice %arg22[%multiple_of3A_196] : memref<1605632xf32, #tpu.memory_space<hbm>> -> memref<128xf32, #tpu.memory_space<hbm>>
        %dma_start3A_235 = tpu.memref_slice %arg22[%multiple_of3A_196] : memref<1605632xf32, #tpu.memory_space<hbm>> -> memref<128xf32, #tpu.memory_space<hbm>>
        %dma_start3A_236 = tpu.memref_slice %arg42[%multiple_of3A_103] : memref<2048xf32, #tpu.memory_space<vmem>> -> memref<128xf32, #tpu.memory_space<vmem>>
        tpu.enqueue_dma source(%dma_start3A_236 : memref<128xf32, #tpu.memory_space<vmem>>) target(%dma_start3A_235 : memref<128xf32, #tpu.memory_space<hbm>>) target_semaphore(%arg46 : memref<!tpu.dma_semaphore, #tpu.memory_space<semaphore_mem>>)
        %dma_start3A_237 = tpu.memref_slice %arg43[%multiple_of3A_103] : memref<2048xf32, #tpu.memory_space<vmem>> -> memref<128xf32, #tpu.memory_space<vmem>>
        %dma_start3A_238 = tpu.memref_slice %arg23[%multiple_of3A_196] : memref<1605632xf32, #tpu.memory_space<hbm>> -> memref<128xf32, #tpu.memory_space<hbm>>
        %dma_start3A_239 = tpu.memref_slice %arg23[%multiple_of3A_196] : memref<1605632xf32, #tpu.memory_space<hbm>> -> memref<128xf32, #tpu.memory_space<hbm>>
        %dma_start3A_240 = tpu.memref_slice %arg43[%multiple_of3A_103] : memref<2048xf32, #tpu.memory_space<vmem>> -> memref<128xf32, #tpu.memory_space<vmem>>
        tpu.enqueue_dma source(%dma_start3A_240 : memref<128xf32, #tpu.memory_space<vmem>>) target(%dma_start3A_239 : memref<128xf32, #tpu.memory_space<hbm>>) target_semaphore(%arg46 : memref<!tpu.dma_semaphore, #tpu.memory_space<semaphore_mem>>)
        %dma_start3A_241 = tpu.memref_slice %arg32[%multiple_of3A_103] : memref<2048xf32, #tpu.memory_space<vmem>> -> memref<128xf32, #tpu.memory_space<vmem>>
        %dma_start3A_242 = tpu.memref_slice %arg24[%multiple_of3A_196] : memref<1605632xf32, #tpu.memory_space<hbm>> -> memref<128xf32, #tpu.memory_space<hbm>>
        %dma_start3A_243 = tpu.memref_slice %arg24[%multiple_of3A_196] : memref<1605632xf32, #tpu.memory_space<hbm>> -> memref<128xf32, #tpu.memory_space<hbm>>
        %dma_start3A_244 = tpu.memref_slice %arg32[%multiple_of3A_103] : memref<2048xf32, #tpu.memory_space<vmem>> -> memref<128xf32, #tpu.memory_space<vmem>>
        tpu.enqueue_dma source(%dma_start3A_244 : memref<128xf32, #tpu.memory_space<vmem>>) target(%dma_start3A_243 : memref<128xf32, #tpu.memory_space<hbm>>) target_semaphore(%arg46 : memref<!tpu.dma_semaphore, #tpu.memory_space<semaphore_mem>>)
        %dma_wait3A_245 = tpu.memref_slice %arg33[%multiple_of3A_103] : memref<2048xf32, #tpu.memory_space<vmem>> -> memref<128xf32, #tpu.memory_space<vmem>>
        %dma_wait3A_246 = tpu.memref_slice %arg13[%multiple_of3A_196] : memref<1605632xf32, #tpu.memory_space<hbm>> -> memref<128xf32, #tpu.memory_space<hbm>>
        %dma_wait3A_247 = tpu.memref_slice %arg13[%multiple_of3A_196] : memref<1605632xf32, #tpu.memory_space<hbm>> -> memref<128xf32, #tpu.memory_space<hbm>>
        %dma_wait3A_248 = tpu.memref_slice %arg33[%multiple_of3A_103] : memref<2048xf32, #tpu.memory_space<vmem>> -> memref<128xf32, #tpu.memory_space<vmem>>
        tpu.wait_dma2 semaphore(%arg46 : memref<!tpu.dma_semaphore, #tpu.memory_space<semaphore_mem>>) src(%dma_wait3A_248 : memref<128xf32, #tpu.memory_space<vmem>>) dst(%dma_wait3A_247 : memref<128xf32, #tpu.memory_space<hbm>>)
        %dma_wait3A_249 = tpu.memref_slice %arg34[%multiple_of3A_103] : memref<2048xf32, #tpu.memory_space<vmem>> -> memref<128xf32, #tpu.memory_space<vmem>>
        %dma_wait3A_250 = tpu.memref_slice %arg14[%multiple_of3A_196] : memref<1605632xf32, #tpu.memory_space<hbm>> -> memref<128xf32, #tpu.memory_space<hbm>>
        %dma_wait3A_251 = tpu.memref_slice %arg14[%multiple_of3A_196] : memref<1605632xf32, #tpu.memory_space<hbm>> -> memref<128xf32, #tpu.memory_space<hbm>>
        %dma_wait3A_252 = tpu.memref_slice %arg34[%multiple_of3A_103] : memref<2048xf32, #tpu.memory_space<vmem>> -> memref<128xf32, #tpu.memory_space<vmem>>
        tpu.wait_dma2 semaphore(%arg46 : memref<!tpu.dma_semaphore, #tpu.memory_space<semaphore_mem>>) src(%dma_wait3A_252 : memref<128xf32, #tpu.memory_space<vmem>>) dst(%dma_wait3A_251 : memref<128xf32, #tpu.memory_space<hbm>>)
        %dma_wait3A_253 = tpu.memref_slice %arg35[%multiple_of3A_103] : memref<2048xf32, #tpu.memory_space<vmem>> -> memref<128xf32, #tpu.memory_space<vmem>>
        %dma_wait3A_254 = tpu.memref_slice %arg15[%multiple_of3A_196] : memref<1605632xf32, #tpu.memory_space<hbm>> -> memref<128xf32, #tpu.memory_space<hbm>>
        %dma_wait3A_255 = tpu.memref_slice %arg15[%multiple_of3A_196] : memref<1605632xf32, #tpu.memory_space<hbm>> -> memref<128xf32, #tpu.memory_space<hbm>>
        %dma_wait3A_256 = tpu.memref_slice %arg35[%multiple_of3A_103] : memref<2048xf32, #tpu.memory_space<vmem>> -> memref<128xf32, #tpu.memory_space<vmem>>
        tpu.wait_dma2 semaphore(%arg46 : memref<!tpu.dma_semaphore, #tpu.memory_space<semaphore_mem>>) src(%dma_wait3A_256 : memref<128xf32, #tpu.memory_space<vmem>>) dst(%dma_wait3A_255 : memref<128xf32, #tpu.memory_space<hbm>>)
        %dma_wait3A_257 = tpu.memref_slice %arg36[%multiple_of3A_103] : memref<2048xf32, #tpu.memory_space<vmem>> -> memref<128xf32, #tpu.memory_space<vmem>>
        %dma_wait3A_258 = tpu.memref_slice %arg16[%multiple_of3A_196] : memref<1605632xf32, #tpu.memory_space<hbm>> -> memref<128xf32, #tpu.memory_space<hbm>>
        %dma_wait3A_259 = tpu.memref_slice %arg16[%multiple_of3A_196] : memref<1605632xf32, #tpu.memory_space<hbm>> -> memref<128xf32, #tpu.memory_space<hbm>>
        %dma_wait3A_260 = tpu.memref_slice %arg36[%multiple_of3A_103] : memref<2048xf32, #tpu.memory_space<vmem>> -> memref<128xf32, #tpu.memory_space<vmem>>
        tpu.wait_dma2 semaphore(%arg46 : memref<!tpu.dma_semaphore, #tpu.memory_space<semaphore_mem>>) src(%dma_wait3A_260 : memref<128xf32, #tpu.memory_space<vmem>>) dst(%dma_wait3A_259 : memref<128xf32, #tpu.memory_space<hbm>>)
        %dma_wait3A_261 = tpu.memref_slice %arg37[%multiple_of3A_103] : memref<2048xf32, #tpu.memory_space<vmem>> -> memref<128xf32, #tpu.memory_space<vmem>>
        %dma_wait3A_262 = tpu.memref_slice %arg17[%multiple_of3A_196] : memref<1605632xf32, #tpu.memory_space<hbm>> -> memref<128xf32, #tpu.memory_space<hbm>>
        %dma_wait3A_263 = tpu.memref_slice %arg17[%multiple_of3A_196] : memref<1605632xf32, #tpu.memory_space<hbm>> -> memref<128xf32, #tpu.memory_space<hbm>>
        %dma_wait3A_264 = tpu.memref_slice %arg37[%multiple_of3A_103] : memref<2048xf32, #tpu.memory_space<vmem>> -> memref<128xf32, #tpu.memory_space<vmem>>
        tpu.wait_dma2 semaphore(%arg46 : memref<!tpu.dma_semaphore, #tpu.memory_space<semaphore_mem>>) src(%dma_wait3A_264 : memref<128xf32, #tpu.memory_space<vmem>>) dst(%dma_wait3A_263 : memref<128xf32, #tpu.memory_space<hbm>>)
        %dma_wait3A_265 = tpu.memref_slice %arg38[%multiple_of3A_103] : memref<2048xf32, #tpu.memory_space<vmem>> -> memref<128xf32, #tpu.memory_space<vmem>>
        %dma_wait3A_266 = tpu.memref_slice %arg18[%multiple_of3A_196] : memref<1605632xf32, #tpu.memory_space<hbm>> -> memref<128xf32, #tpu.memory_space<hbm>>
        %dma_wait3A_267 = tpu.memref_slice %arg18[%multiple_of3A_196] : memref<1605632xf32, #tpu.memory_space<hbm>> -> memref<128xf32, #tpu.memory_space<hbm>>
        %dma_wait3A_268 = tpu.memref_slice %arg38[%multiple_of3A_103] : memref<2048xf32, #tpu.memory_space<vmem>> -> memref<128xf32, #tpu.memory_space<vmem>>
        tpu.wait_dma2 semaphore(%arg46 : memref<!tpu.dma_semaphore, #tpu.memory_space<semaphore_mem>>) src(%dma_wait3A_268 : memref<128xf32, #tpu.memory_space<vmem>>) dst(%dma_wait3A_267 : memref<128xf32, #tpu.memory_space<hbm>>)
        %dma_wait3A_269 = tpu.memref_slice %arg39[%multiple_of3A_103] : memref<2048xf32, #tpu.memory_space<vmem>> -> memref<128xf32, #tpu.memory_space<vmem>>
        %dma_wait3A_270 = tpu.memref_slice %arg19[%multiple_of3A_196] : memref<1605632xf32, #tpu.memory_space<hbm>> -> memref<128xf32, #tpu.memory_space<hbm>>
        %dma_wait3A_271 = tpu.memref_slice %arg19[%multiple_of3A_196] : memref<1605632xf32, #tpu.memory_space<hbm>> -> memref<128xf32, #tpu.memory_space<hbm>>
        %dma_wait3A_272 = tpu.memref_slice %arg39[%multiple_of3A_103] : memref<2048xf32, #tpu.memory_space<vmem>> -> memref<128xf32, #tpu.memory_space<vmem>>
        tpu.wait_dma2 semaphore(%arg46 : memref<!tpu.dma_semaphore, #tpu.memory_space<semaphore_mem>>) src(%dma_wait3A_272 : memref<128xf32, #tpu.memory_space<vmem>>) dst(%dma_wait3A_271 : memref<128xf32, #tpu.memory_space<hbm>>)
        %dma_wait3A_273 = tpu.memref_slice %arg40[%multiple_of3A_103] : memref<2048xf32, #tpu.memory_space<vmem>> -> memref<128xf32, #tpu.memory_space<vmem>>
        %dma_wait3A_274 = tpu.memref_slice %arg20[%multiple_of3A_196] : memref<1605632xf32, #tpu.memory_space<hbm>> -> memref<128xf32, #tpu.memory_space<hbm>>
        %dma_wait3A_275 = tpu.memref_slice %arg20[%multiple_of3A_196] : memref<1605632xf32, #tpu.memory_space<hbm>> -> memref<128xf32, #tpu.memory_space<hbm>>
        %dma_wait3A_276 = tpu.memref_slice %arg40[%multiple_of3A_103] : memref<2048xf32, #tpu.memory_space<vmem>> -> memref<128xf32, #tpu.memory_space<vmem>>
        tpu.wait_dma2 semaphore(%arg46 : memref<!tpu.dma_semaphore, #tpu.memory_space<semaphore_mem>>) src(%dma_wait3A_276 : memref<128xf32, #tpu.memory_space<vmem>>) dst(%dma_wait3A_275 : memref<128xf32, #tpu.memory_space<hbm>>)
        %dma_wait3A_277 = tpu.memref_slice %arg41[%multiple_of3A_103] : memref<2048xf32, #tpu.memory_space<vmem>> -> memref<128xf32, #tpu.memory_space<vmem>>
        %dma_wait3A_278 = tpu.memref_slice %arg21[%multiple_of3A_196] : memref<1605632xf32, #tpu.memory_space<hbm>> -> memref<128xf32, #tpu.memory_space<hbm>>
        %dma_wait3A_279 = tpu.memref_slice %arg21[%multiple_of3A_196] : memref<1605632xf32, #tpu.memory_space<hbm>> -> memref<128xf32, #tpu.memory_space<hbm>>
        %dma_wait3A_280 = tpu.memref_slice %arg41[%multiple_of3A_103] : memref<2048xf32, #tpu.memory_space<vmem>> -> memref<128xf32, #tpu.memory_space<vmem>>
        tpu.wait_dma2 semaphore(%arg46 : memref<!tpu.dma_semaphore, #tpu.memory_space<semaphore_mem>>) src(%dma_wait3A_280 : memref<128xf32, #tpu.memory_space<vmem>>) dst(%dma_wait3A_279 : memref<128xf32, #tpu.memory_space<hbm>>)
        %dma_wait3A_281 = tpu.memref_slice %arg42[%multiple_of3A_103] : memref<2048xf32, #tpu.memory_space<vmem>> -> memref<128xf32, #tpu.memory_space<vmem>>
        %dma_wait3A_282 = tpu.memref_slice %arg22[%multiple_of3A_196] : memref<1605632xf32, #tpu.memory_space<hbm>> -> memref<128xf32, #tpu.memory_space<hbm>>
        %dma_wait3A_283 = tpu.memref_slice %arg22[%multiple_of3A_196] : memref<1605632xf32, #tpu.memory_space<hbm>> -> memref<128xf32, #tpu.memory_space<hbm>>
        %dma_wait3A_284 = tpu.memref_slice %arg42[%multiple_of3A_103] : memref<2048xf32, #tpu.memory_space<vmem>> -> memref<128xf32, #tpu.memory_space<vmem>>
        tpu.wait_dma2 semaphore(%arg46 : memref<!tpu.dma_semaphore, #tpu.memory_space<semaphore_mem>>) src(%dma_wait3A_284 : memref<128xf32, #tpu.memory_space<vmem>>) dst(%dma_wait3A_283 : memref<128xf32, #tpu.memory_space<hbm>>)
        %dma_wait3A_285 = tpu.memref_slice %arg43[%multiple_of3A_103] : memref<2048xf32, #tpu.memory_space<vmem>> -> memref<128xf32, #tpu.memory_space<vmem>>
        %dma_wait3A_286 = tpu.memref_slice %arg23[%multiple_of3A_196] : memref<1605632xf32, #tpu.memory_space<hbm>> -> memref<128xf32, #tpu.memory_space<hbm>>
        %dma_wait3A_287 = tpu.memref_slice %arg23[%multiple_of3A_196] : memref<1605632xf32, #tpu.memory_space<hbm>> -> memref<128xf32, #tpu.memory_space<hbm>>
        %dma_wait3A_288 = tpu.memref_slice %arg43[%multiple_of3A_103] : memref<2048xf32, #tpu.memory_space<vmem>> -> memref<128xf32, #tpu.memory_space<vmem>>
        tpu.wait_dma2 semaphore(%arg46 : memref<!tpu.dma_semaphore, #tpu.memory_space<semaphore_mem>>) src(%dma_wait3A_288 : memref<128xf32, #tpu.memory_space<vmem>>) dst(%dma_wait3A_287 : memref<128xf32, #tpu.memory_space<hbm>>)
        %dma_wait3A_289 = tpu.memref_slice %arg32[%multiple_of3A_103] : memref<2048xf32, #tpu.memory_space<vmem>> -> memref<128xf32, #tpu.memory_space<vmem>>
        %dma_wait3A_290 = tpu.memref_slice %arg24[%multiple_of3A_196] : memref<1605632xf32, #tpu.memory_space<hbm>> -> memref<128xf32, #tpu.memory_space<hbm>>
        %dma_wait3A_291 = tpu.memref_slice %arg24[%multiple_of3A_196] : memref<1605632xf32, #tpu.memory_space<hbm>> -> memref<128xf32, #tpu.memory_space<hbm>>
        %dma_wait3A_292 = tpu.memref_slice %arg32[%multiple_of3A_103] : memref<2048xf32, #tpu.memory_space<vmem>> -> memref<128xf32, #tpu.memory_space<vmem>>
        tpu.wait_dma2 semaphore(%arg46 : memref<!tpu.dma_semaphore, #tpu.memory_space<semaphore_mem>>) src(%dma_wait3A_292 : memref<128xf32, #tpu.memory_space<vmem>>) dst(%dma_wait3A_291 : memref<128xf32, #tpu.memory_space<hbm>>)
        %while3A_293 = arith.constant 0 : i32
        scf.yield %while3A_293 : i32
      }
      %add3A_98 = arith.addi %scan3A_23, %add3A_64 : i32
      scf.yield %add3A_98 : i32
    }
    %scan3A_15 = arith.constant 25 : i32
    %eq3A = arith.constant 0 : i32
    %eq3A_16 = vector.broadcast %eq3A : i32 to vector<16xi32>
    %eq3A_17 = arith.cmpi eq, %iota3A, %eq3A_16 : vector<16xi32>
    %jit3A = arith.constant 0 : i32
    %broadcast_in_dim3A = vector.broadcast %scan3A_14 : i32 to vector<16xi32>
    %broadcast_in_dim3A_18 = vector.broadcast %jit3A : i32 to vector<16xi32>
    %select_n3A = arith.select %eq3A_17, %broadcast_in_dim3A, %broadcast_in_dim3A_18 : vector<16xi1>, vector<16xi32>
    %swap3A = arith.constant 0 : index
    %swap3A_19 = tpu.vector_load %arg44[%swap3A] {strides = array<i32>} : memref<16xi32, #tpu.memory_space<vmem>>, vector<16xi32>,
    tpu.vector_store %arg44[%swap3A], %select_n3A {strides = array<i32>} : memref<16xi32, #tpu.memory_space<vmem>>, vector<16xi32>,
    %mul3A_20 = arith.constant 16 : i32
    %mul3A_21 = arith.muli %add3A, %mul3A_20 : i32
    %multiple_of3A = tpu.assume_multiple %mul3A_21, 16 : i32
    "tpu.region"() ({
      %run_scoped3A = tpu.sem_alloc : memref<!tpu.dma_semaphore, #tpu.memory_space<semaphore_mem>>
      %dma_start3A = tpu.memref_slice %arg25[%multiple_of3A] : memref<512xi32, #tpu.memory_space<hbm>> -> memref<16xi32, #tpu.memory_space<hbm>>
      %dma_start3A_22 = tpu.memref_slice %arg25[%multiple_of3A] : memref<512xi32, #tpu.memory_space<hbm>> -> memref<16xi32, #tpu.memory_space<hbm>>
      tpu.enqueue_dma source(%arg44 : memref<16xi32, #tpu.memory_space<vmem>>) target(%dma_start3A_22 : memref<16xi32, #tpu.memory_space<hbm>>) target_semaphore(%run_scoped3A : memref<!tpu.dma_semaphore, #tpu.memory_space<semaphore_mem>>)
      %dma_wait3A = tpu.memref_slice %arg25[%multiple_of3A] : memref<512xi32, #tpu.memory_space<hbm>> -> memref<16xi32, #tpu.memory_space<hbm>>
      %dma_wait3A_23 = tpu.memref_slice %arg25[%multiple_of3A] : memref<512xi32, #tpu.memory_space<hbm>> -> memref<16xi32, #tpu.memory_space<hbm>>
      tpu.wait_dma2 semaphore(%run_scoped3A : memref<!tpu.dma_semaphore, #tpu.memory_space<semaphore_mem>>) src(%arg44 : memref<16xi32, #tpu.memory_space<vmem>>) dst(%dma_wait3A_23 : memref<16xi32, #tpu.memory_space<hbm>>)
      tpu.yield
    }) : () -> ()
    return
  }
}

module attributes {stable_mosaic.version = 14 : i64} {
  func.func @_tc_body(%arg0: i32, %arg1: memref<1605632xf32, #tpu.memory_space<any>>, %arg2: memref<1605632xf32, #tpu.memory_space<any>>, %arg3: memref<1605632xf32, #tpu.memory_space<any>>, %arg4: memref<1605632xf32, #tpu.memory_space<any>>, %arg5: memref<1605632xf32, #tpu.memory_space<any>>, %arg6: memref<1605632xf32, #tpu.memory_space<any>>, %arg7: memref<1605632xf32, #tpu.memory_space<any>>, %arg8: memref<1605632xf32, #tpu.memory_space<any>>, %arg9: memref<1605632xf32, #tpu.memory_space<any>>, %arg10: memref<1605632xf32, #tpu.memory_space<any>>, %arg11: memref<1605632xf32, #tpu.memory_space<any>>, %arg12: memref<1605632xf32, #tpu.memory_space<any>>, %arg13: memref<32x16xi32, #tpu.memory_space<smem>>, %arg14: memref<64x11xf32, #tpu.memory_space<vmem>>, %arg15: memref<64x1xf32, #tpu.memory_space<vmem>>, %arg16: memref<16x64xf32, #tpu.memory_space<vmem>>, %arg17: memref<16x1xf32, #tpu.memory_space<vmem>>, %arg18: memref<16x16xf32, #tpu.memory_space<vmem>>, %arg19: memref<16x1xf32, #tpu.memory_space<vmem>>, %arg20: memref<1x16xf32, #tpu.memory_space<vmem>>, %arg21: memref<1x1xf32, #tpu.memory_space<vmem>>, %arg22: memref<64x16xf32, #tpu.memory_space<vmem>>, %arg23: memref<64x1xf32, #tpu.memory_space<vmem>>, %arg24: memref<16x64xf32, #tpu.memory_space<vmem>>, %arg25: memref<16x1xf32, #tpu.memory_space<vmem>>, %arg26: memref<18x64xf32, #tpu.memory_space<vmem>>, %arg27: memref<1x64xf32, #tpu.memory_space<vmem>>, %arg28: memref<64x2xf32, #tpu.memory_space<vmem>>, %arg29: memref<1x2xf32, #tpu.memory_space<vmem>>, %arg30: memref<1000x2xf32, #tpu.memory_space<vmem>>, %arg31: memref<1000x2xf32, #tpu.memory_space<vmem>>, %arg32: memref<1x1024xf32, #tpu.memory_space<vmem>>, %arg33: memref<1x1024xf32, #tpu.memory_space<vmem>>, %arg34: memref<1x1024xf32, #tpu.memory_space<vmem>>, %arg35: memref<1x1024xf32, #tpu.memory_space<vmem>>, %arg36: memref<1x1024xf32, #tpu.memory_space<vmem>>, %arg37: memref<1x1024xf32, #tpu.memory_space<vmem>>, %arg38: memref<1x1024xf32, #tpu.memory_space<vmem>>, %arg39: memref<1x1024xf32, #tpu.memory_space<vmem>>, %arg40: memref<1x1024xf32, #tpu.memory_space<vmem>>, %arg41: memref<1x1024xf32, #tpu.memory_space<vmem>>, %arg42: memref<1x1024xf32, #tpu.memory_space<vmem>>, %arg43: memref<1x1024xf32, #tpu.memory_space<vmem>>, %arg44: memref<1024x1xf32, #tpu.memory_space<vmem>>, %arg45: memref<1024x17xf32, #tpu.memory_space<vmem>>, %arg46: memref<!tpu.dma_semaphore, #tpu.memory_space<semaphore_mem>>) attributes {dimension_semantics = [#tpu.dimension_semantics<arbitrary>], iteration_bounds = array<i64: 32>, scalar_prefetch = 0 : i64, scratch_operands = 15 : i64, tpu.core_type = #tpu.core_type<tc>, window_params = [{}, {}, {}, {}, {}, {}, {}, {}, {}, {}, {}, {}, {transform_indices = @transform_12, window_bounds = array<i64: 32, 16>}, {pipeline_mode = #tpu.pipeline_mode<synchronous>, transform_indices = @transform_13, window_bounds = array<i64: 64, 11>}, {pipeline_mode = #tpu.pipeline_mode<synchronous>, transform_indices = @transform_14, window_bounds = array<i64: 64, 1>}, {pipeline_mode = #tpu.pipeline_mode<synchronous>, transform_indices = @transform_15, window_bounds = array<i64: 16, 64>}, {pipeline_mode = #tpu.pipeline_mode<synchronous>, transform_indices = @transform_16, window_bounds = array<i64: 16, 1>}, {pipeline_mode = #tpu.pipeline_mode<synchronous>, transform_indices = @transform_17, window_bounds = array<i64: 16, 16>}, {pipeline_mode = #tpu.pipeline_mode<synchronous>, transform_indices = @transform_18, window_bounds = array<i64: 16, 1>}, {pipeline_mode = #tpu.pipeline_mode<synchronous>, transform_indices = @transform_19, window_bounds = array<i64: 1, 16>}, {pipeline_mode = #tpu.pipeline_mode<synchronous>, transform_indices = @transform_20, window_bounds = array<i64: 1, 1>}, {pipeline_mode = #tpu.pipeline_mode<synchronous>, transform_indices = @transform_21, window_bounds = array<i64: 64, 16>}, {pipeline_mode = #tpu.pipeline_mode<synchronous>, transform_indices = @transform_22, window_bounds = array<i64: 64, 1>}, {pipeline_mode = #tpu.pipeline_mode<synchronous>, transform_indices = @transform_23, window_bounds = array<i64: 16, 64>}, {pipeline_mode = #tpu.pipeline_mode<synchronous>, transform_indices = @transform_24, window_bounds = array<i64: 16, 1>}, {pipeline_mode = #tpu.pipeline_mode<synchronous>, transform_indices = @transform_25, window_bounds = array<i64: 18, 64>}, {pipeline_mode = #tpu.pipeline_mode<synchronous>, transform_indices = @transform_26, window_bounds = array<i64: 1, 64>}, {pipeline_mode = #tpu.pipeline_mode<synchronous>, transform_indices = @transform_27, window_bounds = array<i64: 64, 2>}, {pipeline_mode = #tpu.pipeline_mode<synchronous>, transform_indices = @transform_28, window_bounds = array<i64: 1, 2>}, {pipeline_mode = #tpu.pipeline_mode<synchronous>, transform_indices = @transform_29, window_bounds = array<i64: 1000, 2>}, {pipeline_mode = #tpu.pipeline_mode<synchronous>, transform_indices = @transform_30, window_bounds = array<i64: 1000, 2>}]} {
    %eq3A = arith.constant 0 : i32
    %eq3A_0 = arith.cmpi eq, %arg0, %eq3A : i32
    %convert_element_type3A = arith.extui %eq3A_0 : i1 to i32
    %cond3A = arith.constant 0 : i32
    %cond3A_1 = arith.cmpi ne, %convert_element_type3A, %cond3A : i32
    scf.if %cond3A_1 {
      %broadcast_in_dim3A = arith.constant -1.000000e+30 : f32
      %broadcast_in_dim3A_39 = vector.broadcast %broadcast_in_dim3A : f32 to vector<1024x1xf32>
      %swap3A = arith.constant 0 : index
      %swap3A_40 = arith.constant 0 : index
      %swap3A_41 = vector.load %arg44[%swap3A, %swap3A_40] : memref<1024x1xf32, #tpu.memory_space<vmem>>, vector<1024x1xf32>
      tpu.vector_store %arg44[%swap3A, %swap3A_40], %broadcast_in_dim3A_39 {strides = array<i32>} : memref<1024x1xf32, #tpu.memory_space<vmem>>, vector<1024x1xf32>,
      %broadcast_in_dim3A_42 = arith.constant 0.000000e+00 : f32
      %broadcast_in_dim3A_43 = vector.broadcast %broadcast_in_dim3A_42 : f32 to vector<1024x17xf32>
      %swap3A_44 = arith.constant 0 : index
      %swap3A_45 = arith.constant 0 : index
      %swap3A_46 = vector.load %arg45[%swap3A_44, %swap3A_45] : memref<1024x17xf32, #tpu.memory_space<vmem>>, vector<1024x17xf32>
      tpu.vector_store %arg45[%swap3A_44, %swap3A_45], %broadcast_in_dim3A_43 {strides = array<i32>} : memref<1024x17xf32, #tpu.memory_space<vmem>>, vector<1024x17xf32>,
    } else {
    }
    %get3A = arith.index_cast %arg0 : i32 to index
    %get3A_2 = arith.constant 0 : index
    %get3A_3 = memref.load %arg13[%get3A, %get3A_2] : memref<32x16xi32, #tpu.memory_space<smem>>
    %add3A = arith.constant 1024 : i32
    %add3A_4 = arith.addi %get3A_3, %add3A : i32
    %sub3A = arith.constant 1 : i32
    %sub3A_5 = arith.subi %add3A_4, %sub3A : i32
    %jit3A = arith.constant 1024 : i32
    %div3A = arith.divsi %sub3A_5, %jit3A : i32
    %sign3A = arith.constant 0 : i32
    %sign3A_6 = arith.cmpi sgt, %sub3A_5, %sign3A : i32
    %sign3A_7 = arith.extui %sign3A_6 : i1 to i32
    %sign3A_8 = arith.constant 0 : i32
    %sign3A_9 = arith.cmpi slt, %sub3A_5, %sign3A_8 : i32
    %sign3A_10 = arith.extui %sign3A_9 : i1 to i32
    %sign3A_11 = arith.subi %sign3A_7, %sign3A_10 : i32
    %sign3A_12 = arith.constant 0 : i32
    %sign3A_13 = arith.cmpi sgt, %jit3A, %sign3A_12 : i32
    %sign3A_14 = arith.extui %sign3A_13 : i1 to i32
    %sign3A_15 = arith.constant 0 : i32
    %sign3A_16 = arith.cmpi slt, %jit3A, %sign3A_15 : i32
    %sign3A_17 = arith.extui %sign3A_16 : i1 to i32
    %sign3A_18 = arith.subi %sign3A_14, %sign3A_17 : i32
    %ne3A = arith.cmpi ne, %sign3A_11, %sign3A_18 : i32
    %rem3A = arith.remsi %sub3A_5, %jit3A : i32
    %ne3A_19 = arith.constant 0 : i32
    %ne3A_20 = arith.cmpi ne, %rem3A, %ne3A_19 : i32
    %and3A = arith.andi %ne3A, %ne3A_20 : i1
    %sub3A_21 = arith.constant 1 : i32
    %sub3A_22 = arith.subi %div3A, %sub3A_21 : i32
    %select_n3A = arith.select %and3A, %sub3A_22, %div3A : i32
    %while3A = arith.constant 0 : i32
    %while3A_23 = arith.constant 0 : i32
    %while3A_24 = arith.subi %select_n3A, %while3A : i32
    %while3A_25 = arith.addi %while3A, %while3A_24 : i32
    %while3A_26 = arith.constant 1 : i32
    %while3A_27 = arith.divsi %while3A_24, %while3A_26 : i32
    %while3A_28 = arith.muli %while3A_27, %while3A_26 : i32
    %while3A_29 = arith.addi %while3A, %while3A_28 : i32
    %while3A_30 = arith.constant 1 : i32
    %while3A_31 = scf.for %while3A_39 = %while3A to %while3A_29 step %while3A_30 iter_args(%while3A_40 = %while3A_23) -> (i32)  : i32 {
      %mul3A = arith.constant 50176 : i32
      %mul3A_41 = arith.muli %arg0, %mul3A : i32
      %mul3A_42 = arith.constant 1024 : i32
      %mul3A_43 = arith.muli %while3A_39, %mul3A_42 : i32
      %add3A_44 = arith.addi %mul3A_41, %mul3A_43 : i32
      %multiple_of3A = tpu.assume_multiple %add3A_44, 8 : i32
      %dma_start3A = arith.constant 0 : i32
      %dma_start3A_45 = arith.constant 0 : i32
      %dma_start3A_46 = tpu.memref_slice %arg32[%dma_start3A, %dma_start3A_45] : memref<1x1024xf32, #tpu.memory_space<vmem>> -> memref<1x1024xf32, #tpu.memory_space<vmem>>
      %dma_start3A_47 = tpu.memref_squeeze %dma_start3A_46 : memref<1x1024xf32, #tpu.memory_space<vmem>> -> memref<1024xf32, #tpu.memory_space<vmem>>
      %dma_start3A_48 = tpu.memref_slice %arg1[%multiple_of3A] : memref<1605632xf32, #tpu.memory_space<any>> -> memref<1024xf32, #tpu.memory_space<any>>
      tpu.enqueue_dma source(%dma_start3A_48 : memref<1024xf32, #tpu.memory_space<any>>) target(%dma_start3A_47 : memref<1024xf32, #tpu.memory_space<vmem>>) target_semaphore(%arg46 : memref<!tpu.dma_semaphore, #tpu.memory_space<semaphore_mem>>)
      %dma_start3A_49 = arith.constant 0 : i32
      %dma_start3A_50 = arith.constant 0 : i32
      %dma_start3A_51 = tpu.memref_slice %arg33[%dma_start3A_49, %dma_start3A_50] : memref<1x1024xf32, #tpu.memory_space<vmem>> -> memref<1x1024xf32, #tpu.memory_space<vmem>>
      %dma_start3A_52 = tpu.memref_squeeze %dma_start3A_51 : memref<1x1024xf32, #tpu.memory_space<vmem>> -> memref<1024xf32, #tpu.memory_space<vmem>>
      %dma_start3A_53 = tpu.memref_slice %arg2[%multiple_of3A] : memref<1605632xf32, #tpu.memory_space<any>> -> memref<1024xf32, #tpu.memory_space<any>>
      tpu.enqueue_dma source(%dma_start3A_53 : memref<1024xf32, #tpu.memory_space<any>>) target(%dma_start3A_52 : memref<1024xf32, #tpu.memory_space<vmem>>) target_semaphore(%arg46 : memref<!tpu.dma_semaphore, #tpu.memory_space<semaphore_mem>>)
      %dma_start3A_54 = arith.constant 0 : i32
      %dma_start3A_55 = arith.constant 0 : i32
      %dma_start3A_56 = tpu.memref_slice %arg34[%dma_start3A_54, %dma_start3A_55] : memref<1x1024xf32, #tpu.memory_space<vmem>> -> memref<1x1024xf32, #tpu.memory_space<vmem>>
      %dma_start3A_57 = tpu.memref_squeeze %dma_start3A_56 : memref<1x1024xf32, #tpu.memory_space<vmem>> -> memref<1024xf32, #tpu.memory_space<vmem>>
      %dma_start3A_58 = tpu.memref_slice %arg3[%multiple_of3A] : memref<1605632xf32, #tpu.memory_space<any>> -> memref<1024xf32, #tpu.memory_space<any>>
      tpu.enqueue_dma source(%dma_start3A_58 : memref<1024xf32, #tpu.memory_space<any>>) target(%dma_start3A_57 : memref<1024xf32, #tpu.memory_space<vmem>>) target_semaphore(%arg46 : memref<!tpu.dma_semaphore, #tpu.memory_space<semaphore_mem>>)
      %dma_start3A_59 = arith.constant 0 : i32
      %dma_start3A_60 = arith.constant 0 : i32
      %dma_start3A_61 = tpu.memref_slice %arg35[%dma_start3A_59, %dma_start3A_60] : memref<1x1024xf32, #tpu.memory_space<vmem>> -> memref<1x1024xf32, #tpu.memory_space<vmem>>
      %dma_start3A_62 = tpu.memref_squeeze %dma_start3A_61 : memref<1x1024xf32, #tpu.memory_space<vmem>> -> memref<1024xf32, #tpu.memory_space<vmem>>
      %dma_start3A_63 = tpu.memref_slice %arg4[%multiple_of3A] : memref<1605632xf32, #tpu.memory_space<any>> -> memref<1024xf32, #tpu.memory_space<any>>
      tpu.enqueue_dma source(%dma_start3A_63 : memref<1024xf32, #tpu.memory_space<any>>) target(%dma_start3A_62 : memref<1024xf32, #tpu.memory_space<vmem>>) target_semaphore(%arg46 : memref<!tpu.dma_semaphore, #tpu.memory_space<semaphore_mem>>)
      %dma_start3A_64 = arith.constant 0 : i32
      %dma_start3A_65 = arith.constant 0 : i32
      %dma_start3A_66 = tpu.memref_slice %arg36[%dma_start3A_64, %dma_start3A_65] : memref<1x1024xf32, #tpu.memory_space<vmem>> -> memref<1x1024xf32, #tpu.memory_space<vmem>>
      %dma_start3A_67 = tpu.memref_squeeze %dma_start3A_66 : memref<1x1024xf32, #tpu.memory_space<vmem>> -> memref<1024xf32, #tpu.memory_space<vmem>>
      %dma_start3A_68 = tpu.memref_slice %arg5[%multiple_of3A] : memref<1605632xf32, #tpu.memory_space<any>> -> memref<1024xf32, #tpu.memory_space<any>>
      tpu.enqueue_dma source(%dma_start3A_68 : memref<1024xf32, #tpu.memory_space<any>>) target(%dma_start3A_67 : memref<1024xf32, #tpu.memory_space<vmem>>) target_semaphore(%arg46 : memref<!tpu.dma_semaphore, #tpu.memory_space<semaphore_mem>>)
      %dma_start3A_69 = arith.constant 0 : i32
      %dma_start3A_70 = arith.constant 0 : i32
      %dma_start3A_71 = tpu.memref_slice %arg37[%dma_start3A_69, %dma_start3A_70] : memref<1x1024xf32, #tpu.memory_space<vmem>> -> memref<1x1024xf32, #tpu.memory_space<vmem>>
      %dma_start3A_72 = tpu.memref_squeeze %dma_start3A_71 : memref<1x1024xf32, #tpu.memory_space<vmem>> -> memref<1024xf32, #tpu.memory_space<vmem>>
      %dma_start3A_73 = tpu.memref_slice %arg6[%multiple_of3A] : memref<1605632xf32, #tpu.memory_space<any>> -> memref<1024xf32, #tpu.memory_space<any>>
      tpu.enqueue_dma source(%dma_start3A_73 : memref<1024xf32, #tpu.memory_space<any>>) target(%dma_start3A_72 : memref<1024xf32, #tpu.memory_space<vmem>>) target_semaphore(%arg46 : memref<!tpu.dma_semaphore, #tpu.memory_space<semaphore_mem>>)
      %dma_start3A_74 = arith.constant 0 : i32
      %dma_start3A_75 = arith.constant 0 : i32
      %dma_start3A_76 = tpu.memref_slice %arg38[%dma_start3A_74, %dma_start3A_75] : memref<1x1024xf32, #tpu.memory_space<vmem>> -> memref<1x1024xf32, #tpu.memory_space<vmem>>
      %dma_start3A_77 = tpu.memref_squeeze %dma_start3A_76 : memref<1x1024xf32, #tpu.memory_space<vmem>> -> memref<1024xf32, #tpu.memory_space<vmem>>
      %dma_start3A_78 = tpu.memref_slice %arg7[%multiple_of3A] : memref<1605632xf32, #tpu.memory_space<any>> -> memref<1024xf32, #tpu.memory_space<any>>
      tpu.enqueue_dma source(%dma_start3A_78 : memref<1024xf32, #tpu.memory_space<any>>) target(%dma_start3A_77 : memref<1024xf32, #tpu.memory_space<vmem>>) target_semaphore(%arg46 : memref<!tpu.dma_semaphore, #tpu.memory_space<semaphore_mem>>)
      %dma_start3A_79 = arith.constant 0 : i32
      %dma_start3A_80 = arith.constant 0 : i32
      %dma_start3A_81 = tpu.memref_slice %arg39[%dma_start3A_79, %dma_start3A_80] : memref<1x1024xf32, #tpu.memory_space<vmem>> -> memref<1x1024xf32, #tpu.memory_space<vmem>>
      %dma_start3A_82 = tpu.memref_squeeze %dma_start3A_81 : memref<1x1024xf32, #tpu.memory_space<vmem>> -> memref<1024xf32, #tpu.memory_space<vmem>>
      %dma_start3A_83 = tpu.memref_slice %arg8[%multiple_of3A] : memref<1605632xf32, #tpu.memory_space<any>> -> memref<1024xf32, #tpu.memory_space<any>>
      tpu.enqueue_dma source(%dma_start3A_83 : memref<1024xf32, #tpu.memory_space<any>>) target(%dma_start3A_82 : memref<1024xf32, #tpu.memory_space<vmem>>) target_semaphore(%arg46 : memref<!tpu.dma_semaphore, #tpu.memory_space<semaphore_mem>>)
      %dma_start3A_84 = arith.constant 0 : i32
      %dma_start3A_85 = arith.constant 0 : i32
      %dma_start3A_86 = tpu.memref_slice %arg40[%dma_start3A_84, %dma_start3A_85] : memref<1x1024xf32, #tpu.memory_space<vmem>> -> memref<1x1024xf32, #tpu.memory_space<vmem>>
      %dma_start3A_87 = tpu.memref_squeeze %dma_start3A_86 : memref<1x1024xf32, #tpu.memory_space<vmem>> -> memref<1024xf32, #tpu.memory_space<vmem>>
      %dma_start3A_88 = tpu.memref_slice %arg9[%multiple_of3A] : memref<1605632xf32, #tpu.memory_space<any>> -> memref<1024xf32, #tpu.memory_space<any>>
      tpu.enqueue_dma source(%dma_start3A_88 : memref<1024xf32, #tpu.memory_space<any>>) target(%dma_start3A_87 : memref<1024xf32, #tpu.memory_space<vmem>>) target_semaphore(%arg46 : memref<!tpu.dma_semaphore, #tpu.memory_space<semaphore_mem>>)
      %dma_start3A_89 = arith.constant 0 : i32
      %dma_start3A_90 = arith.constant 0 : i32
      %dma_start3A_91 = tpu.memref_slice %arg41[%dma_start3A_89, %dma_start3A_90] : memref<1x1024xf32, #tpu.memory_space<vmem>> -> memref<1x1024xf32, #tpu.memory_space<vmem>>
      %dma_start3A_92 = tpu.memref_squeeze %dma_start3A_91 : memref<1x1024xf32, #tpu.memory_space<vmem>> -> memref<1024xf32, #tpu.memory_space<vmem>>
      %dma_start3A_93 = tpu.memref_slice %arg10[%multiple_of3A] : memref<1605632xf32, #tpu.memory_space<any>> -> memref<1024xf32, #tpu.memory_space<any>>
      tpu.enqueue_dma source(%dma_start3A_93 : memref<1024xf32, #tpu.memory_space<any>>) target(%dma_start3A_92 : memref<1024xf32, #tpu.memory_space<vmem>>) target_semaphore(%arg46 : memref<!tpu.dma_semaphore, #tpu.memory_space<semaphore_mem>>)
      %dma_start3A_94 = arith.constant 0 : i32
      %dma_start3A_95 = arith.constant 0 : i32
      %dma_start3A_96 = tpu.memref_slice %arg42[%dma_start3A_94, %dma_start3A_95] : memref<1x1024xf32, #tpu.memory_space<vmem>> -> memref<1x1024xf32, #tpu.memory_space<vmem>>
      %dma_start3A_97 = tpu.memref_squeeze %dma_start3A_96 : memref<1x1024xf32, #tpu.memory_space<vmem>> -> memref<1024xf32, #tpu.memory_space<vmem>>
      %dma_start3A_98 = tpu.memref_slice %arg11[%multiple_of3A] : memref<1605632xf32, #tpu.memory_space<any>> -> memref<1024xf32, #tpu.memory_space<any>>
      tpu.enqueue_dma source(%dma_start3A_98 : memref<1024xf32, #tpu.memory_space<any>>) target(%dma_start3A_97 : memref<1024xf32, #tpu.memory_space<vmem>>) target_semaphore(%arg46 : memref<!tpu.dma_semaphore, #tpu.memory_space<semaphore_mem>>)
      %dma_start3A_99 = arith.constant 0 : i32
      %dma_start3A_100 = arith.constant 0 : i32
      %dma_start3A_101 = tpu.memref_slice %arg43[%dma_start3A_99, %dma_start3A_100] : memref<1x1024xf32, #tpu.memory_space<vmem>> -> memref<1x1024xf32, #tpu.memory_space<vmem>>
      %dma_start3A_102 = tpu.memref_squeeze %dma_start3A_101 : memref<1x1024xf32, #tpu.memory_space<vmem>> -> memref<1024xf32, #tpu.memory_space<vmem>>
      %dma_start3A_103 = tpu.memref_slice %arg12[%multiple_of3A] : memref<1605632xf32, #tpu.memory_space<any>> -> memref<1024xf32, #tpu.memory_space<any>>
      tpu.enqueue_dma source(%dma_start3A_103 : memref<1024xf32, #tpu.memory_space<any>>) target(%dma_start3A_102 : memref<1024xf32, #tpu.memory_space<vmem>>) target_semaphore(%arg46 : memref<!tpu.dma_semaphore, #tpu.memory_space<semaphore_mem>>)
      %dma_wait3A = arith.constant 0 : i32
      %dma_wait3A_104 = arith.constant 0 : i32
      %dma_wait3A_105 = tpu.memref_slice %arg32[%dma_wait3A, %dma_wait3A_104] : memref<1x1024xf32, #tpu.memory_space<vmem>> -> memref<1x1024xf32, #tpu.memory_space<vmem>>
      %dma_wait3A_106 = tpu.memref_squeeze %dma_wait3A_105 : memref<1x1024xf32, #tpu.memory_space<vmem>> -> memref<1024xf32, #tpu.memory_space<vmem>>
      %dma_wait3A_107 = tpu.memref_slice %arg1[%multiple_of3A] : memref<1605632xf32, #tpu.memory_space<any>> -> memref<1024xf32, #tpu.memory_space<any>>
      tpu.wait_dma2 semaphore(%arg46 : memref<!tpu.dma_semaphore, #tpu.memory_space<semaphore_mem>>) src(%dma_wait3A_107 : memref<1024xf32, #tpu.memory_space<any>>) dst(%dma_wait3A_106 : memref<1024xf32, #tpu.memory_space<vmem>>)
      %dma_wait3A_108 = arith.constant 0 : i32
      %dma_wait3A_109 = arith.constant 0 : i32
      %dma_wait3A_110 = tpu.memref_slice %arg33[%dma_wait3A_108, %dma_wait3A_109] : memref<1x1024xf32, #tpu.memory_space<vmem>> -> memref<1x1024xf32, #tpu.memory_space<vmem>>
      %dma_wait3A_111 = tpu.memref_squeeze %dma_wait3A_110 : memref<1x1024xf32, #tpu.memory_space<vmem>> -> memref<1024xf32, #tpu.memory_space<vmem>>
      %dma_wait3A_112 = tpu.memref_slice %arg2[%multiple_of3A] : memref<1605632xf32, #tpu.memory_space<any>> -> memref<1024xf32, #tpu.memory_space<any>>
      tpu.wait_dma2 semaphore(%arg46 : memref<!tpu.dma_semaphore, #tpu.memory_space<semaphore_mem>>) src(%dma_wait3A_112 : memref<1024xf32, #tpu.memory_space<any>>) dst(%dma_wait3A_111 : memref<1024xf32, #tpu.memory_space<vmem>>)
      %dma_wait3A_113 = arith.constant 0 : i32
      %dma_wait3A_114 = arith.constant 0 : i32
      %dma_wait3A_115 = tpu.memref_slice %arg34[%dma_wait3A_113, %dma_wait3A_114] : memref<1x1024xf32, #tpu.memory_space<vmem>> -> memref<1x1024xf32, #tpu.memory_space<vmem>>
      %dma_wait3A_116 = tpu.memref_squeeze %dma_wait3A_115 : memref<1x1024xf32, #tpu.memory_space<vmem>> -> memref<1024xf32, #tpu.memory_space<vmem>>
      %dma_wait3A_117 = tpu.memref_slice %arg3[%multiple_of3A] : memref<1605632xf32, #tpu.memory_space<any>> -> memref<1024xf32, #tpu.memory_space<any>>
      tpu.wait_dma2 semaphore(%arg46 : memref<!tpu.dma_semaphore, #tpu.memory_space<semaphore_mem>>) src(%dma_wait3A_117 : memref<1024xf32, #tpu.memory_space<any>>) dst(%dma_wait3A_116 : memref<1024xf32, #tpu.memory_space<vmem>>)
      %dma_wait3A_118 = arith.constant 0 : i32
      %dma_wait3A_119 = arith.constant 0 : i32
      %dma_wait3A_120 = tpu.memref_slice %arg35[%dma_wait3A_118, %dma_wait3A_119] : memref<1x1024xf32, #tpu.memory_space<vmem>> -> memref<1x1024xf32, #tpu.memory_space<vmem>>
      %dma_wait3A_121 = tpu.memref_squeeze %dma_wait3A_120 : memref<1x1024xf32, #tpu.memory_space<vmem>> -> memref<1024xf32, #tpu.memory_space<vmem>>
      %dma_wait3A_122 = tpu.memref_slice %arg4[%multiple_of3A] : memref<1605632xf32, #tpu.memory_space<any>> -> memref<1024xf32, #tpu.memory_space<any>>
      tpu.wait_dma2 semaphore(%arg46 : memref<!tpu.dma_semaphore, #tpu.memory_space<semaphore_mem>>) src(%dma_wait3A_122 : memref<1024xf32, #tpu.memory_space<any>>) dst(%dma_wait3A_121 : memref<1024xf32, #tpu.memory_space<vmem>>)
      %dma_wait3A_123 = arith.constant 0 : i32
      %dma_wait3A_124 = arith.constant 0 : i32
      %dma_wait3A_125 = tpu.memref_slice %arg36[%dma_wait3A_123, %dma_wait3A_124] : memref<1x1024xf32, #tpu.memory_space<vmem>> -> memref<1x1024xf32, #tpu.memory_space<vmem>>
      %dma_wait3A_126 = tpu.memref_squeeze %dma_wait3A_125 : memref<1x1024xf32, #tpu.memory_space<vmem>> -> memref<1024xf32, #tpu.memory_space<vmem>>
      %dma_wait3A_127 = tpu.memref_slice %arg5[%multiple_of3A] : memref<1605632xf32, #tpu.memory_space<any>> -> memref<1024xf32, #tpu.memory_space<any>>
      tpu.wait_dma2 semaphore(%arg46 : memref<!tpu.dma_semaphore, #tpu.memory_space<semaphore_mem>>) src(%dma_wait3A_127 : memref<1024xf32, #tpu.memory_space<any>>) dst(%dma_wait3A_126 : memref<1024xf32, #tpu.memory_space<vmem>>)
      %dma_wait3A_128 = arith.constant 0 : i32
      %dma_wait3A_129 = arith.constant 0 : i32
      %dma_wait3A_130 = tpu.memref_slice %arg37[%dma_wait3A_128, %dma_wait3A_129] : memref<1x1024xf32, #tpu.memory_space<vmem>> -> memref<1x1024xf32, #tpu.memory_space<vmem>>
      %dma_wait3A_131 = tpu.memref_squeeze %dma_wait3A_130 : memref<1x1024xf32, #tpu.memory_space<vmem>> -> memref<1024xf32, #tpu.memory_space<vmem>>
      %dma_wait3A_132 = tpu.memref_slice %arg6[%multiple_of3A] : memref<1605632xf32, #tpu.memory_space<any>> -> memref<1024xf32, #tpu.memory_space<any>>
      tpu.wait_dma2 semaphore(%arg46 : memref<!tpu.dma_semaphore, #tpu.memory_space<semaphore_mem>>) src(%dma_wait3A_132 : memref<1024xf32, #tpu.memory_space<any>>) dst(%dma_wait3A_131 : memref<1024xf32, #tpu.memory_space<vmem>>)
      %dma_wait3A_133 = arith.constant 0 : i32
      %dma_wait3A_134 = arith.constant 0 : i32
      %dma_wait3A_135 = tpu.memref_slice %arg38[%dma_wait3A_133, %dma_wait3A_134] : memref<1x1024xf32, #tpu.memory_space<vmem>> -> memref<1x1024xf32, #tpu.memory_space<vmem>>
      %dma_wait3A_136 = tpu.memref_squeeze %dma_wait3A_135 : memref<1x1024xf32, #tpu.memory_space<vmem>> -> memref<1024xf32, #tpu.memory_space<vmem>>
      %dma_wait3A_137 = tpu.memref_slice %arg7[%multiple_of3A] : memref<1605632xf32, #tpu.memory_space<any>> -> memref<1024xf32, #tpu.memory_space<any>>
      tpu.wait_dma2 semaphore(%arg46 : memref<!tpu.dma_semaphore, #tpu.memory_space<semaphore_mem>>) src(%dma_wait3A_137 : memref<1024xf32, #tpu.memory_space<any>>) dst(%dma_wait3A_136 : memref<1024xf32, #tpu.memory_space<vmem>>)
      %dma_wait3A_138 = arith.constant 0 : i32
      %dma_wait3A_139 = arith.constant 0 : i32
      %dma_wait3A_140 = tpu.memref_slice %arg39[%dma_wait3A_138, %dma_wait3A_139] : memref<1x1024xf32, #tpu.memory_space<vmem>> -> memref<1x1024xf32, #tpu.memory_space<vmem>>
      %dma_wait3A_141 = tpu.memref_squeeze %dma_wait3A_140 : memref<1x1024xf32, #tpu.memory_space<vmem>> -> memref<1024xf32, #tpu.memory_space<vmem>>
      %dma_wait3A_142 = tpu.memref_slice %arg8[%multiple_of3A] : memref<1605632xf32, #tpu.memory_space<any>> -> memref<1024xf32, #tpu.memory_space<any>>
      tpu.wait_dma2 semaphore(%arg46 : memref<!tpu.dma_semaphore, #tpu.memory_space<semaphore_mem>>) src(%dma_wait3A_142 : memref<1024xf32, #tpu.memory_space<any>>) dst(%dma_wait3A_141 : memref<1024xf32, #tpu.memory_space<vmem>>)
      %dma_wait3A_143 = arith.constant 0 : i32
      %dma_wait3A_144 = arith.constant 0 : i32
      %dma_wait3A_145 = tpu.memref_slice %arg40[%dma_wait3A_143, %dma_wait3A_144] : memref<1x1024xf32, #tpu.memory_space<vmem>> -> memref<1x1024xf32, #tpu.memory_space<vmem>>
      %dma_wait3A_146 = tpu.memref_squeeze %dma_wait3A_145 : memref<1x1024xf32, #tpu.memory_space<vmem>> -> memref<1024xf32, #tpu.memory_space<vmem>>
      %dma_wait3A_147 = tpu.memref_slice %arg9[%multiple_of3A] : memref<1605632xf32, #tpu.memory_space<any>> -> memref<1024xf32, #tpu.memory_space<any>>
      tpu.wait_dma2 semaphore(%arg46 : memref<!tpu.dma_semaphore, #tpu.memory_space<semaphore_mem>>) src(%dma_wait3A_147 : memref<1024xf32, #tpu.memory_space<any>>) dst(%dma_wait3A_146 : memref<1024xf32, #tpu.memory_space<vmem>>)
      %dma_wait3A_148 = arith.constant 0 : i32
      %dma_wait3A_149 = arith.constant 0 : i32
      %dma_wait3A_150 = tpu.memref_slice %arg41[%dma_wait3A_148, %dma_wait3A_149] : memref<1x1024xf32, #tpu.memory_space<vmem>> -> memref<1x1024xf32, #tpu.memory_space<vmem>>
      %dma_wait3A_151 = tpu.memref_squeeze %dma_wait3A_150 : memref<1x1024xf32, #tpu.memory_space<vmem>> -> memref<1024xf32, #tpu.memory_space<vmem>>
      %dma_wait3A_152 = tpu.memref_slice %arg10[%multiple_of3A] : memref<1605632xf32, #tpu.memory_space<any>> -> memref<1024xf32, #tpu.memory_space<any>>
      tpu.wait_dma2 semaphore(%arg46 : memref<!tpu.dma_semaphore, #tpu.memory_space<semaphore_mem>>) src(%dma_wait3A_152 : memref<1024xf32, #tpu.memory_space<any>>) dst(%dma_wait3A_151 : memref<1024xf32, #tpu.memory_space<vmem>>)
      %dma_wait3A_153 = arith.constant 0 : i32
      %dma_wait3A_154 = arith.constant 0 : i32
      %dma_wait3A_155 = tpu.memref_slice %arg42[%dma_wait3A_153, %dma_wait3A_154] : memref<1x1024xf32, #tpu.memory_space<vmem>> -> memref<1x1024xf32, #tpu.memory_space<vmem>>
      %dma_wait3A_156 = tpu.memref_squeeze %dma_wait3A_155 : memref<1x1024xf32, #tpu.memory_space<vmem>> -> memref<1024xf32, #tpu.memory_space<vmem>>
      %dma_wait3A_157 = tpu.memref_slice %arg11[%multiple_of3A] : memref<1605632xf32, #tpu.memory_space<any>> -> memref<1024xf32, #tpu.memory_space<any>>
      tpu.wait_dma2 semaphore(%arg46 : memref<!tpu.dma_semaphore, #tpu.memory_space<semaphore_mem>>) src(%dma_wait3A_157 : memref<1024xf32, #tpu.memory_space<any>>) dst(%dma_wait3A_156 : memref<1024xf32, #tpu.memory_space<vmem>>)
      %dma_wait3A_158 = arith.constant 0 : i32
      %dma_wait3A_159 = arith.constant 0 : i32
      %dma_wait3A_160 = tpu.memref_slice %arg43[%dma_wait3A_158, %dma_wait3A_159] : memref<1x1024xf32, #tpu.memory_space<vmem>> -> memref<1x1024xf32, #tpu.memory_space<vmem>>
      %dma_wait3A_161 = tpu.memref_squeeze %dma_wait3A_160 : memref<1x1024xf32, #tpu.memory_space<vmem>> -> memref<1024xf32, #tpu.memory_space<vmem>>
      %dma_wait3A_162 = tpu.memref_slice %arg12[%multiple_of3A] : memref<1605632xf32, #tpu.memory_space<any>> -> memref<1024xf32, #tpu.memory_space<any>>
      tpu.wait_dma2 semaphore(%arg46 : memref<!tpu.dma_semaphore, #tpu.memory_space<semaphore_mem>>) src(%dma_wait3A_162 : memref<1024xf32, #tpu.memory_space<any>>) dst(%dma_wait3A_161 : memref<1024xf32, #tpu.memory_space<vmem>>)
      %mul3A_163 = arith.constant 1024 : i32
      %mul3A_164 = arith.muli %while3A_39, %mul3A_163 : i32
      %sub3A_165 = arith.subi %get3A_3, %mul3A_164 : i32
      %iota3A = tpu.iota {dimensions = array<i32: 1>} : vector<1x1024xi32>
      %lt3A = vector.broadcast %sub3A_165 : i32 to vector<1x1024xi32>
      %lt3A_166 = arith.cmpi slt, %iota3A, %lt3A : vector<1x1024xi32>
      %get3A_167 = arith.constant 0 : index
      %get3A_168 = arith.constant 0 : index
      %get3A_169 = vector.load %arg32[%get3A_167, %get3A_168] : memref<1x1024xf32, #tpu.memory_space<vmem>>, vector<1x1024xf32>
      %get3A_170 = arith.constant 0 : index
      %get3A_171 = arith.constant 0 : index
      %get3A_172 = vector.load %arg33[%get3A_170, %get3A_171] : memref<1x1024xf32, #tpu.memory_space<vmem>>, vector<1x1024xf32>
      %get3A_173 = arith.constant 0 : index
      %get3A_174 = arith.constant 0 : index
      %get3A_175 = vector.load %arg34[%get3A_173, %get3A_174] : memref<1x1024xf32, #tpu.memory_space<vmem>>, vector<1x1024xf32>
      %get3A_176 = arith.constant 0 : index
      %get3A_177 = arith.constant 0 : index
      %get3A_178 = vector.load %arg35[%get3A_176, %get3A_177] : memref<1x1024xf32, #tpu.memory_space<vmem>>, vector<1x1024xf32>
      %get3A_179 = arith.constant 0 : index
      %get3A_180 = arith.constant 0 : index
      %get3A_181 = vector.load %arg36[%get3A_179, %get3A_180] : memref<1x1024xf32, #tpu.memory_space<vmem>>, vector<1x1024xf32>
      %get3A_182 = arith.constant 0 : index
      %get3A_183 = arith.constant 0 : index
      %get3A_184 = vector.load %arg37[%get3A_182, %get3A_183] : memref<1x1024xf32, #tpu.memory_space<vmem>>, vector<1x1024xf32>
      %get3A_185 = arith.constant 0 : index
      %get3A_186 = arith.constant 0 : index
      %get3A_187 = vector.load %arg38[%get3A_185, %get3A_186] : memref<1x1024xf32, #tpu.memory_space<vmem>>, vector<1x1024xf32>
      %get3A_188 = arith.constant 0 : index
      %get3A_189 = arith.constant 0 : index
      %get3A_190 = vector.load %arg39[%get3A_188, %get3A_189] : memref<1x1024xf32, #tpu.memory_space<vmem>>, vector<1x1024xf32>
      %get3A_191 = arith.constant 0 : index
      %get3A_192 = arith.constant 0 : index
      %get3A_193 = vector.load %arg40[%get3A_191, %get3A_192] : memref<1x1024xf32, #tpu.memory_space<vmem>>, vector<1x1024xf32>
      %get3A_194 = arith.constant 0 : index
      %get3A_195 = arith.constant 0 : index
      %get3A_196 = vector.load %arg41[%get3A_194, %get3A_195] : memref<1x1024xf32, #tpu.memory_space<vmem>>, vector<1x1024xf32>
      %get3A_197 = arith.constant 0 : index
      %get3A_198 = arith.constant 0 : index
      %get3A_199 = vector.load %arg42[%get3A_197, %get3A_198] : memref<1x1024xf32, #tpu.memory_space<vmem>>, vector<1x1024xf32>
      %concatenate3A = tpu.concatenate %get3A_169, %get3A_172, %get3A_175, %get3A_178, %get3A_181, %get3A_184, %get3A_187, %get3A_190, %get3A_193, %get3A_196, %get3A_199 in 0 : vector<1x1024xf32>, vector<1x1024xf32>, vector<1x1024xf32>, vector<1x1024xf32>, vector<1x1024xf32>, vector<1x1024xf32>, vector<1x1024xf32>, vector<1x1024xf32>, vector<1x1024xf32>, vector<1x1024xf32>, vector<1x1024xf32> -> vector<11x1024xf32>
      %get3A_200 = arith.constant 0 : index
      %get3A_201 = arith.constant 0 : index
      %get3A_202 = vector.load %arg14[%get3A_200, %get3A_201] : memref<64x11xf32, #tpu.memory_space<vmem>>, vector<64x11xf32>
      %dot_general3A = arith.constant dense<0.000000e+00> : vector<64x1024xf32>
      %dot_general3A_203 = tpu.matmul %get3A_202, %concatenate3A, %dot_general3A {dimension_numbers = #tpu.dot_dimension_numbers<[1], [0], [0], [1], [0, 0, 1, 1], [], []>, transpose_lhs_hint = false} : vector<64x11xf32>, vector<11x1024xf32>, vector<64x1024xf32> -> vector<64x1024xf32>
      %get3A_204 = arith.constant 0 : index
      %get3A_205 = arith.constant 0 : index
      %get3A_206 = vector.load %arg15[%get3A_204, %get3A_205] : memref<64x1xf32, #tpu.memory_space<vmem>>, vector<64x1xf32>
      %add3A_207 = vector.broadcast %get3A_206 : vector<64x1xf32> to vector<64x1024xf32>
      %add3A_208 = arith.addf %dot_general3A_203, %add3A_207 : vector<64x1024xf32>
      %max3A = arith.constant 0.000000e+00 : f32
      %max3A_209 = vector.broadcast %max3A : f32 to vector<64x1024xf32>
      %max3A_210 = arith.maximumf %add3A_208, %max3A_209 : vector<64x1024xf32>
      %get3A_211 = arith.constant 0 : index
      %get3A_212 = arith.constant 0 : index
      %get3A_213 = vector.load %arg16[%get3A_211, %get3A_212] : memref<16x64xf32, #tpu.memory_space<vmem>>, vector<16x64xf32>
      %dot_general3A_214 = arith.constant dense<0.000000e+00> : vector<16x1024xf32>
      %dot_general3A_215 = tpu.matmul %get3A_213, %max3A_210, %dot_general3A_214 {dimension_numbers = #tpu.dot_dimension_numbers<[1], [0], [0], [1], [0, 0, 1, 1], [], []>, transpose_lhs_hint = false} : vector<16x64xf32>, vector<64x1024xf32>, vector<16x1024xf32> -> vector<16x1024xf32>
      %get3A_216 = arith.constant 0 : index
      %get3A_217 = arith.constant 0 : index
      %get3A_218 = vector.load %arg17[%get3A_216, %get3A_217] : memref<16x1xf32, #tpu.memory_space<vmem>>, vector<16x1xf32>
      %add3A_219 = vector.broadcast %get3A_218 : vector<16x1xf32> to vector<16x1024xf32>
      %add3A_220 = arith.addf %dot_general3A_215, %add3A_219 : vector<16x1024xf32>
      %get3A_221 = arith.constant 0 : index
      %get3A_222 = arith.constant 0 : index
      %get3A_223 = vector.load %arg18[%get3A_221, %get3A_222] : memref<16x16xf32, #tpu.memory_space<vmem>>, vector<16x16xf32>
      %dot_general3A_224 = arith.constant dense<0.000000e+00> : vector<16x1024xf32>
      %dot_general3A_225 = tpu.matmul %get3A_223, %add3A_220, %dot_general3A_224 {dimension_numbers = #tpu.dot_dimension_numbers<[1], [0], [0], [1], [0, 0, 1, 1], [], []>, transpose_lhs_hint = false} : vector<16x16xf32>, vector<16x1024xf32>, vector<16x1024xf32> -> vector<16x1024xf32>
      %get3A_226 = arith.constant 0 : index
      %get3A_227 = arith.constant 0 : index
      %get3A_228 = vector.load %arg19[%get3A_226, %get3A_227] : memref<16x1xf32, #tpu.memory_space<vmem>>, vector<16x1xf32>
      %add3A_229 = vector.broadcast %get3A_228 : vector<16x1xf32> to vector<16x1024xf32>
      %add3A_230 = arith.addf %dot_general3A_225, %add3A_229 : vector<16x1024xf32>
      %max3A_231 = arith.constant 0.000000e+00 : f32
      %max3A_232 = vector.broadcast %max3A_231 : f32 to vector<16x1024xf32>
      %max3A_233 = arith.maximumf %add3A_230, %max3A_232 : vector<16x1024xf32>
      %get3A_234 = arith.constant 0 : index
      %get3A_235 = arith.constant 0 : index
      %get3A_236 = vector.load %arg20[%get3A_234, %get3A_235] : memref<1x16xf32, #tpu.memory_space<vmem>>, vector<1x16xf32>
      %dot_general3A_237 = arith.constant dense<0.000000e+00> : vector<1x1024xf32>
      %dot_general3A_238 = tpu.matmul %get3A_236, %max3A_233, %dot_general3A_237 {dimension_numbers = #tpu.dot_dimension_numbers<[1], [0], [0], [1], [0, 0, 1, 1], [], []>, transpose_lhs_hint = false} : vector<1x16xf32>, vector<16x1024xf32>, vector<1x1024xf32> -> vector<1x1024xf32>
      %get3A_239 = arith.constant 0 : index
      %get3A_240 = arith.constant 0 : index
      %get3A_241 = vector.load %arg21[%get3A_239, %get3A_240] : memref<1x1xf32, #tpu.memory_space<vmem>>, vector<1x1xf32>
      %add3A_242 = vector.broadcast %get3A_241 : vector<1x1xf32> to vector<1x1024xf32>
      %add3A_243 = arith.addf %dot_general3A_238, %add3A_242 : vector<1x1024xf32>
      %get3A_244 = arith.constant 0 : index
      %get3A_245 = arith.constant 0 : index
      %get3A_246 = vector.load %arg22[%get3A_244, %get3A_245] : memref<64x16xf32, #tpu.memory_space<vmem>>, vector<64x16xf32>
      %dot_general3A_247 = arith.constant dense<0.000000e+00> : vector<64x1024xf32>
      %dot_general3A_248 = tpu.matmul %get3A_246, %add3A_220, %dot_general3A_247 {dimension_numbers = #tpu.dot_dimension_numbers<[1], [0], [0], [1], [0, 0, 1, 1], [], []>, transpose_lhs_hint = false} : vector<64x16xf32>, vector<16x1024xf32>, vector<64x1024xf32> -> vector<64x1024xf32>
      %get3A_249 = arith.constant 0 : index
      %get3A_250 = arith.constant 0 : index
      %get3A_251 = vector.load %arg23[%get3A_249, %get3A_250] : memref<64x1xf32, #tpu.memory_space<vmem>>, vector<64x1xf32>
      %add3A_252 = vector.broadcast %get3A_251 : vector<64x1xf32> to vector<64x1024xf32>
      %add3A_253 = arith.addf %dot_general3A_248, %add3A_252 : vector<64x1024xf32>
      %max3A_254 = arith.constant 0.000000e+00 : f32
      %max3A_255 = vector.broadcast %max3A_254 : f32 to vector<64x1024xf32>
      %max3A_256 = arith.maximumf %add3A_253, %max3A_255 : vector<64x1024xf32>
      %get3A_257 = arith.constant 0 : index
      %get3A_258 = arith.constant 0 : index
      %get3A_259 = vector.load %arg24[%get3A_257, %get3A_258] : memref<16x64xf32, #tpu.memory_space<vmem>>, vector<16x64xf32>
      %dot_general3A_260 = arith.constant dense<0.000000e+00> : vector<16x1024xf32>
      %dot_general3A_261 = tpu.matmul %get3A_259, %max3A_256, %dot_general3A_260 {dimension_numbers = #tpu.dot_dimension_numbers<[1], [0], [0], [1], [0, 0, 1, 1], [], []>, transpose_lhs_hint = false} : vector<16x64xf32>, vector<64x1024xf32>, vector<16x1024xf32> -> vector<16x1024xf32>
      %get3A_262 = arith.constant 0 : index
      %get3A_263 = arith.constant 0 : index
      %get3A_264 = vector.load %arg25[%get3A_262, %get3A_263] : memref<16x1xf32, #tpu.memory_space<vmem>>, vector<16x1xf32>
      %add3A_265 = vector.broadcast %get3A_264 : vector<16x1xf32> to vector<16x1024xf32>
      %add3A_266 = arith.addf %dot_general3A_261, %add3A_265 : vector<16x1024xf32>
      %get3A_267 = arith.constant 0 : index
      %get3A_268 = arith.constant 0 : index
      %get3A_269 = vector.load %arg43[%get3A_267, %get3A_268] : memref<1x1024xf32, #tpu.memory_space<vmem>>, vector<1x1024xf32>
      %iota3A_270 = tpu.iota {dimensions = array<i32: 0>} : vector<1024x1024xi32>
      %convert_element_type3A_271 = arith.sitofp %iota3A_270 : vector<1024x1024xi32> to vector<1024x1024xf32>
      %eq3A_272 = vector.broadcast %get3A_269 : vector<1x1024xf32> to vector<1024x1024xf32>
      %eq3A_273 = arith.cmpf oeq, %convert_element_type3A_271, %eq3A_272 : vector<1024x1024xf32>
      %and3A_274 = vector.broadcast %lt3A_166 : vector<1x1024xi1> to vector<1024x1024xi1>
      %and3A_275 = arith.andi %eq3A_273, %and3A_274 : vector<1024x1024xi1>
      %convert_element_type3A_276 = arith.extui %and3A_275 : vector<1024x1024xi1> to vector<1024x1024xi32>
      %convert_element_type3A_277 = arith.sitofp %convert_element_type3A_276 : vector<1024x1024xi32> to vector<1024x1024xf32>
      %jit3A_278 = arith.constant -1.000000e+30 : f32
      %broadcast_in_dim3A = vector.shape_cast %add3A_243 : vector<1x1024xf32> to vector<1x1024xf32>
      %broadcast_in_dim3A_279 = vector.broadcast %broadcast_in_dim3A : vector<1x1024xf32> to vector<1024x1024xf32>
      %broadcast_in_dim3A_280 = vector.broadcast %jit3A_278 : f32 to vector<1024x1024xf32>
      %select_n3A_281 = arith.select %and3A_275, %broadcast_in_dim3A_279, %broadcast_in_dim3A_280 : vector<1024x1024xi1>, vector<1024x1024xf32>
      %reduce_max3A = arith.constant dense<0xFF800000> : vector<1024xf32>
      %reduce_max3A_282 = vector.multi_reduction <maximumf>, %select_n3A_281, %reduce_max3A [1] : vector<1024x1024xf32> to vector<1024xf32>
      %broadcast_in_dim3A_283 = vector.shape_cast %reduce_max3A_282 : vector<1024xf32> to vector<1024x1xf32>
      %get3A_284 = arith.constant 0 : index
      %get3A_285 = arith.constant 0 : index
      %get3A_286 = vector.load %arg44[%get3A_284, %get3A_285] : memref<1024x1xf32, #tpu.memory_space<vmem>>, vector<1024x1xf32>
      %max3A_287 = arith.maximumf %get3A_286, %broadcast_in_dim3A_283 : vector<1024x1xf32>
      %get3A_288 = arith.constant 0 : index
      %get3A_289 = arith.constant 0 : index
      %get3A_290 = vector.load %arg44[%get3A_288, %get3A_289] : memref<1024x1xf32, #tpu.memory_space<vmem>>, vector<1024x1xf32>
      %sub3A_291 = arith.subf %get3A_290, %max3A_287 : vector<1024x1xf32>
      %exp3A = math.exp %sub3A_291 : vector<1024x1xf32>
      %dot_general3A_292 = arith.constant dense<0.000000e+00> : vector<1x1024xf32>
      %dot_general3A_293 = tpu.matmul %max3A_287, %convert_element_type3A_277, %dot_general3A_292 {dimension_numbers = #tpu.dot_dimension_numbers<[0], [0], [1], [1], [0, 1, 1, 1], [], []>, transpose_lhs_hint = false} : vector<1024x1xf32>, vector<1024x1024xf32>, vector<1x1024xf32> -> vector<1x1024xf32>
      %sub3A_294 = arith.subf %add3A_243, %dot_general3A_293 : vector<1x1024xf32>
      %exp3A_295 = math.exp %sub3A_294 : vector<1x1024xf32>
      %jit3A_296 = arith.constant 0.000000e+00 : f32
      %broadcast_in_dim3A_297 = vector.broadcast %jit3A_296 : f32 to vector<1x1024xf32>
      %select_n3A_298 = arith.select %lt3A_166, %exp3A_295, %broadcast_in_dim3A_297 : vector<1x1024xi1>, vector<1x1024xf32>
      %jit3A_299 = arith.constant 0.000000e+00 : f32
      %broadcast_in_dim3A_300 = vector.shape_cast %lt3A_166 : vector<1x1024xi1> to vector<1x1024xi1>
      %broadcast_in_dim3A_301 = vector.broadcast %broadcast_in_dim3A_300 : vector<1x1024xi1> to vector<16x1024xi1>
      %broadcast_in_dim3A_302 = vector.broadcast %jit3A_299 : f32 to vector<16x1024xf32>
      %select_n3A_303 = arith.select %broadcast_in_dim3A_301, %add3A_266, %broadcast_in_dim3A_302 : vector<16x1024xi1>, vector<16x1024xf32>
      %mul3A_304 = vector.broadcast %select_n3A_298 : vector<1x1024xf32> to vector<16x1024xf32>
      %mul3A_305 = arith.mulf %mul3A_304, %select_n3A_303 : vector<16x1024xf32>
      %concatenate3A_306 = tpu.concatenate %select_n3A_298, %mul3A_305 in 0 : vector<1x1024xf32>, vector<16x1024xf32> -> vector<17x1024xf32>
      %dot_general3A_307 = arith.constant dense<0.000000e+00> : vector<1024x17xf32>
      %dot_general3A_308 = tpu.matmul %convert_element_type3A_277, %concatenate3A_306, %dot_general3A_307 {dimension_numbers = #tpu.dot_dimension_numbers<[1], [1], [0], [0], [0, 0, 1, 0], [], []>, transpose_lhs_hint = false} : vector<1024x1024xf32>, vector<17x1024xf32>, vector<1024x17xf32> -> vector<1024x17xf32>
      %swap3A = arith.constant 0 : index
      %swap3A_309 = arith.constant 0 : index
      %swap3A_310 = vector.load %arg44[%swap3A, %swap3A_309] : memref<1024x1xf32, #tpu.memory_space<vmem>>, vector<1024x1xf32>
      tpu.vector_store %arg44[%swap3A, %swap3A_309], %max3A_287 {strides = array<i32>} : memref<1024x1xf32, #tpu.memory_space<vmem>>, vector<1024x1xf32>,
      %get3A_311 = arith.constant 0 : index
      %get3A_312 = arith.constant 0 : index
      %get3A_313 = vector.load %arg45[%get3A_311, %get3A_312] : memref<1024x17xf32, #tpu.memory_space<vmem>>, vector<1024x17xf32>
      %mul3A_314 = vector.broadcast %exp3A : vector<1024x1xf32> to vector<1024x17xf32>
      %mul3A_315 = arith.mulf %get3A_313, %mul3A_314 : vector<1024x17xf32>
      %add3A_316 = arith.addf %mul3A_315, %dot_general3A_308 : vector<1024x17xf32>
      %swap3A_317 = arith.constant 0 : index
      %swap3A_318 = arith.constant 0 : index
      %swap3A_319 = vector.load %arg45[%swap3A_317, %swap3A_318] : memref<1024x17xf32, #tpu.memory_space<vmem>>, vector<1024x17xf32>
      tpu.vector_store %arg45[%swap3A_317, %swap3A_318], %add3A_316 {strides = array<i32>} : memref<1024x17xf32, #tpu.memory_space<vmem>>, vector<1024x17xf32>,
      %while3A_320 = arith.constant 0 : i32
      scf.yield %while3A_320 : i32
    }
    %while3A_32 = arith.constant 1 : i32
    %while3A_33 = scf.for %while3A_39 = %while3A_29 to %while3A_25 step %while3A_32 iter_args(%while3A_40 = %while3A_31) -> (i32)  : i32 {
      %mul3A = arith.constant 50176 : i32
      %mul3A_41 = arith.muli %arg0, %mul3A : i32
      %mul3A_42 = arith.constant 1024 : i32
      %mul3A_43 = arith.muli %while3A_39, %mul3A_42 : i32
      %add3A_44 = arith.addi %mul3A_41, %mul3A_43 : i32
      %multiple_of3A = tpu.assume_multiple %add3A_44, 8 : i32
      %dma_start3A = arith.constant 0 : i32
      %dma_start3A_45 = arith.constant 0 : i32
      %dma_start3A_46 = tpu.memref_slice %arg32[%dma_start3A, %dma_start3A_45] : memref<1x1024xf32, #tpu.memory_space<vmem>> -> memref<1x1024xf32, #tpu.memory_space<vmem>>
      %dma_start3A_47 = tpu.memref_squeeze %dma_start3A_46 : memref<1x1024xf32, #tpu.memory_space<vmem>> -> memref<1024xf32, #tpu.memory_space<vmem>>
      %dma_start3A_48 = tpu.memref_slice %arg1[%multiple_of3A] : memref<1605632xf32, #tpu.memory_space<any>> -> memref<1024xf32, #tpu.memory_space<any>>
      tpu.enqueue_dma source(%dma_start3A_48 : memref<1024xf32, #tpu.memory_space<any>>) target(%dma_start3A_47 : memref<1024xf32, #tpu.memory_space<vmem>>) target_semaphore(%arg46 : memref<!tpu.dma_semaphore, #tpu.memory_space<semaphore_mem>>)
      %dma_start3A_49 = arith.constant 0 : i32
      %dma_start3A_50 = arith.constant 0 : i32
      %dma_start3A_51 = tpu.memref_slice %arg33[%dma_start3A_49, %dma_start3A_50] : memref<1x1024xf32, #tpu.memory_space<vmem>> -> memref<1x1024xf32, #tpu.memory_space<vmem>>
      %dma_start3A_52 = tpu.memref_squeeze %dma_start3A_51 : memref<1x1024xf32, #tpu.memory_space<vmem>> -> memref<1024xf32, #tpu.memory_space<vmem>>
      %dma_start3A_53 = tpu.memref_slice %arg2[%multiple_of3A] : memref<1605632xf32, #tpu.memory_space<any>> -> memref<1024xf32, #tpu.memory_space<any>>
      tpu.enqueue_dma source(%dma_start3A_53 : memref<1024xf32, #tpu.memory_space<any>>) target(%dma_start3A_52 : memref<1024xf32, #tpu.memory_space<vmem>>) target_semaphore(%arg46 : memref<!tpu.dma_semaphore, #tpu.memory_space<semaphore_mem>>)
      %dma_start3A_54 = arith.constant 0 : i32
      %dma_start3A_55 = arith.constant 0 : i32
      %dma_start3A_56 = tpu.memref_slice %arg34[%dma_start3A_54, %dma_start3A_55] : memref<1x1024xf32, #tpu.memory_space<vmem>> -> memref<1x1024xf32, #tpu.memory_space<vmem>>
      %dma_start3A_57 = tpu.memref_squeeze %dma_start3A_56 : memref<1x1024xf32, #tpu.memory_space<vmem>> -> memref<1024xf32, #tpu.memory_space<vmem>>
      %dma_start3A_58 = tpu.memref_slice %arg3[%multiple_of3A] : memref<1605632xf32, #tpu.memory_space<any>> -> memref<1024xf32, #tpu.memory_space<any>>
      tpu.enqueue_dma source(%dma_start3A_58 : memref<1024xf32, #tpu.memory_space<any>>) target(%dma_start3A_57 : memref<1024xf32, #tpu.memory_space<vmem>>) target_semaphore(%arg46 : memref<!tpu.dma_semaphore, #tpu.memory_space<semaphore_mem>>)
      %dma_start3A_59 = arith.constant 0 : i32
      %dma_start3A_60 = arith.constant 0 : i32
      %dma_start3A_61 = tpu.memref_slice %arg35[%dma_start3A_59, %dma_start3A_60] : memref<1x1024xf32, #tpu.memory_space<vmem>> -> memref<1x1024xf32, #tpu.memory_space<vmem>>
      %dma_start3A_62 = tpu.memref_squeeze %dma_start3A_61 : memref<1x1024xf32, #tpu.memory_space<vmem>> -> memref<1024xf32, #tpu.memory_space<vmem>>
      %dma_start3A_63 = tpu.memref_slice %arg4[%multiple_of3A] : memref<1605632xf32, #tpu.memory_space<any>> -> memref<1024xf32, #tpu.memory_space<any>>
      tpu.enqueue_dma source(%dma_start3A_63 : memref<1024xf32, #tpu.memory_space<any>>) target(%dma_start3A_62 : memref<1024xf32, #tpu.memory_space<vmem>>) target_semaphore(%arg46 : memref<!tpu.dma_semaphore, #tpu.memory_space<semaphore_mem>>)
      %dma_start3A_64 = arith.constant 0 : i32
      %dma_start3A_65 = arith.constant 0 : i32
      %dma_start3A_66 = tpu.memref_slice %arg36[%dma_start3A_64, %dma_start3A_65] : memref<1x1024xf32, #tpu.memory_space<vmem>> -> memref<1x1024xf32, #tpu.memory_space<vmem>>
      %dma_start3A_67 = tpu.memref_squeeze %dma_start3A_66 : memref<1x1024xf32, #tpu.memory_space<vmem>> -> memref<1024xf32, #tpu.memory_space<vmem>>
      %dma_start3A_68 = tpu.memref_slice %arg5[%multiple_of3A] : memref<1605632xf32, #tpu.memory_space<any>> -> memref<1024xf32, #tpu.memory_space<any>>
      tpu.enqueue_dma source(%dma_start3A_68 : memref<1024xf32, #tpu.memory_space<any>>) target(%dma_start3A_67 : memref<1024xf32, #tpu.memory_space<vmem>>) target_semaphore(%arg46 : memref<!tpu.dma_semaphore, #tpu.memory_space<semaphore_mem>>)
      %dma_start3A_69 = arith.constant 0 : i32
      %dma_start3A_70 = arith.constant 0 : i32
      %dma_start3A_71 = tpu.memref_slice %arg37[%dma_start3A_69, %dma_start3A_70] : memref<1x1024xf32, #tpu.memory_space<vmem>> -> memref<1x1024xf32, #tpu.memory_space<vmem>>
      %dma_start3A_72 = tpu.memref_squeeze %dma_start3A_71 : memref<1x1024xf32, #tpu.memory_space<vmem>> -> memref<1024xf32, #tpu.memory_space<vmem>>
      %dma_start3A_73 = tpu.memref_slice %arg6[%multiple_of3A] : memref<1605632xf32, #tpu.memory_space<any>> -> memref<1024xf32, #tpu.memory_space<any>>
      tpu.enqueue_dma source(%dma_start3A_73 : memref<1024xf32, #tpu.memory_space<any>>) target(%dma_start3A_72 : memref<1024xf32, #tpu.memory_space<vmem>>) target_semaphore(%arg46 : memref<!tpu.dma_semaphore, #tpu.memory_space<semaphore_mem>>)
      %dma_start3A_74 = arith.constant 0 : i32
      %dma_start3A_75 = arith.constant 0 : i32
      %dma_start3A_76 = tpu.memref_slice %arg38[%dma_start3A_74, %dma_start3A_75] : memref<1x1024xf32, #tpu.memory_space<vmem>> -> memref<1x1024xf32, #tpu.memory_space<vmem>>
      %dma_start3A_77 = tpu.memref_squeeze %dma_start3A_76 : memref<1x1024xf32, #tpu.memory_space<vmem>> -> memref<1024xf32, #tpu.memory_space<vmem>>
      %dma_start3A_78 = tpu.memref_slice %arg7[%multiple_of3A] : memref<1605632xf32, #tpu.memory_space<any>> -> memref<1024xf32, #tpu.memory_space<any>>
      tpu.enqueue_dma source(%dma_start3A_78 : memref<1024xf32, #tpu.memory_space<any>>) target(%dma_start3A_77 : memref<1024xf32, #tpu.memory_space<vmem>>) target_semaphore(%arg46 : memref<!tpu.dma_semaphore, #tpu.memory_space<semaphore_mem>>)
      %dma_start3A_79 = arith.constant 0 : i32
      %dma_start3A_80 = arith.constant 0 : i32
      %dma_start3A_81 = tpu.memref_slice %arg39[%dma_start3A_79, %dma_start3A_80] : memref<1x1024xf32, #tpu.memory_space<vmem>> -> memref<1x1024xf32, #tpu.memory_space<vmem>>
      %dma_start3A_82 = tpu.memref_squeeze %dma_start3A_81 : memref<1x1024xf32, #tpu.memory_space<vmem>> -> memref<1024xf32, #tpu.memory_space<vmem>>
      %dma_start3A_83 = tpu.memref_slice %arg8[%multiple_of3A] : memref<1605632xf32, #tpu.memory_space<any>> -> memref<1024xf32, #tpu.memory_space<any>>
      tpu.enqueue_dma source(%dma_start3A_83 : memref<1024xf32, #tpu.memory_space<any>>) target(%dma_start3A_82 : memref<1024xf32, #tpu.memory_space<vmem>>) target_semaphore(%arg46 : memref<!tpu.dma_semaphore, #tpu.memory_space<semaphore_mem>>)
      %dma_start3A_84 = arith.constant 0 : i32
      %dma_start3A_85 = arith.constant 0 : i32
      %dma_start3A_86 = tpu.memref_slice %arg40[%dma_start3A_84, %dma_start3A_85] : memref<1x1024xf32, #tpu.memory_space<vmem>> -> memref<1x1024xf32, #tpu.memory_space<vmem>>
      %dma_start3A_87 = tpu.memref_squeeze %dma_start3A_86 : memref<1x1024xf32, #tpu.memory_space<vmem>> -> memref<1024xf32, #tpu.memory_space<vmem>>
      %dma_start3A_88 = tpu.memref_slice %arg9[%multiple_of3A] : memref<1605632xf32, #tpu.memory_space<any>> -> memref<1024xf32, #tpu.memory_space<any>>
      tpu.enqueue_dma source(%dma_start3A_88 : memref<1024xf32, #tpu.memory_space<any>>) target(%dma_start3A_87 : memref<1024xf32, #tpu.memory_space<vmem>>) target_semaphore(%arg46 : memref<!tpu.dma_semaphore, #tpu.memory_space<semaphore_mem>>)
      %dma_start3A_89 = arith.constant 0 : i32
      %dma_start3A_90 = arith.constant 0 : i32
      %dma_start3A_91 = tpu.memref_slice %arg41[%dma_start3A_89, %dma_start3A_90] : memref<1x1024xf32, #tpu.memory_space<vmem>> -> memref<1x1024xf32, #tpu.memory_space<vmem>>
      %dma_start3A_92 = tpu.memref_squeeze %dma_start3A_91 : memref<1x1024xf32, #tpu.memory_space<vmem>> -> memref<1024xf32, #tpu.memory_space<vmem>>
      %dma_start3A_93 = tpu.memref_slice %arg10[%multiple_of3A] : memref<1605632xf32, #tpu.memory_space<any>> -> memref<1024xf32, #tpu.memory_space<any>>
      tpu.enqueue_dma source(%dma_start3A_93 : memref<1024xf32, #tpu.memory_space<any>>) target(%dma_start3A_92 : memref<1024xf32, #tpu.memory_space<vmem>>) target_semaphore(%arg46 : memref<!tpu.dma_semaphore, #tpu.memory_space<semaphore_mem>>)
      %dma_start3A_94 = arith.constant 0 : i32
      %dma_start3A_95 = arith.constant 0 : i32
      %dma_start3A_96 = tpu.memref_slice %arg42[%dma_start3A_94, %dma_start3A_95] : memref<1x1024xf32, #tpu.memory_space<vmem>> -> memref<1x1024xf32, #tpu.memory_space<vmem>>
      %dma_start3A_97 = tpu.memref_squeeze %dma_start3A_96 : memref<1x1024xf32, #tpu.memory_space<vmem>> -> memref<1024xf32, #tpu.memory_space<vmem>>
      %dma_start3A_98 = tpu.memref_slice %arg11[%multiple_of3A] : memref<1605632xf32, #tpu.memory_space<any>> -> memref<1024xf32, #tpu.memory_space<any>>
      tpu.enqueue_dma source(%dma_start3A_98 : memref<1024xf32, #tpu.memory_space<any>>) target(%dma_start3A_97 : memref<1024xf32, #tpu.memory_space<vmem>>) target_semaphore(%arg46 : memref<!tpu.dma_semaphore, #tpu.memory_space<semaphore_mem>>)
      %dma_start3A_99 = arith.constant 0 : i32
      %dma_start3A_100 = arith.constant 0 : i32
      %dma_start3A_101 = tpu.memref_slice %arg43[%dma_start3A_99, %dma_start3A_100] : memref<1x1024xf32, #tpu.memory_space<vmem>> -> memref<1x1024xf32, #tpu.memory_space<vmem>>
      %dma_start3A_102 = tpu.memref_squeeze %dma_start3A_101 : memref<1x1024xf32, #tpu.memory_space<vmem>> -> memref<1024xf32, #tpu.memory_space<vmem>>
      %dma_start3A_103 = tpu.memref_slice %arg12[%multiple_of3A] : memref<1605632xf32, #tpu.memory_space<any>> -> memref<1024xf32, #tpu.memory_space<any>>
      tpu.enqueue_dma source(%dma_start3A_103 : memref<1024xf32, #tpu.memory_space<any>>) target(%dma_start3A_102 : memref<1024xf32, #tpu.memory_space<vmem>>) target_semaphore(%arg46 : memref<!tpu.dma_semaphore, #tpu.memory_space<semaphore_mem>>)
      %dma_wait3A = arith.constant 0 : i32
      %dma_wait3A_104 = arith.constant 0 : i32
      %dma_wait3A_105 = tpu.memref_slice %arg32[%dma_wait3A, %dma_wait3A_104] : memref<1x1024xf32, #tpu.memory_space<vmem>> -> memref<1x1024xf32, #tpu.memory_space<vmem>>
      %dma_wait3A_106 = tpu.memref_squeeze %dma_wait3A_105 : memref<1x1024xf32, #tpu.memory_space<vmem>> -> memref<1024xf32, #tpu.memory_space<vmem>>
      %dma_wait3A_107 = tpu.memref_slice %arg1[%multiple_of3A] : memref<1605632xf32, #tpu.memory_space<any>> -> memref<1024xf32, #tpu.memory_space<any>>
      tpu.wait_dma2 semaphore(%arg46 : memref<!tpu.dma_semaphore, #tpu.memory_space<semaphore_mem>>) src(%dma_wait3A_107 : memref<1024xf32, #tpu.memory_space<any>>) dst(%dma_wait3A_106 : memref<1024xf32, #tpu.memory_space<vmem>>)
      %dma_wait3A_108 = arith.constant 0 : i32
      %dma_wait3A_109 = arith.constant 0 : i32
      %dma_wait3A_110 = tpu.memref_slice %arg33[%dma_wait3A_108, %dma_wait3A_109] : memref<1x1024xf32, #tpu.memory_space<vmem>> -> memref<1x1024xf32, #tpu.memory_space<vmem>>
      %dma_wait3A_111 = tpu.memref_squeeze %dma_wait3A_110 : memref<1x1024xf32, #tpu.memory_space<vmem>> -> memref<1024xf32, #tpu.memory_space<vmem>>
      %dma_wait3A_112 = tpu.memref_slice %arg2[%multiple_of3A] : memref<1605632xf32, #tpu.memory_space<any>> -> memref<1024xf32, #tpu.memory_space<any>>
      tpu.wait_dma2 semaphore(%arg46 : memref<!tpu.dma_semaphore, #tpu.memory_space<semaphore_mem>>) src(%dma_wait3A_112 : memref<1024xf32, #tpu.memory_space<any>>) dst(%dma_wait3A_111 : memref<1024xf32, #tpu.memory_space<vmem>>)
      %dma_wait3A_113 = arith.constant 0 : i32
      %dma_wait3A_114 = arith.constant 0 : i32
      %dma_wait3A_115 = tpu.memref_slice %arg34[%dma_wait3A_113, %dma_wait3A_114] : memref<1x1024xf32, #tpu.memory_space<vmem>> -> memref<1x1024xf32, #tpu.memory_space<vmem>>
      %dma_wait3A_116 = tpu.memref_squeeze %dma_wait3A_115 : memref<1x1024xf32, #tpu.memory_space<vmem>> -> memref<1024xf32, #tpu.memory_space<vmem>>
      %dma_wait3A_117 = tpu.memref_slice %arg3[%multiple_of3A] : memref<1605632xf32, #tpu.memory_space<any>> -> memref<1024xf32, #tpu.memory_space<any>>
      tpu.wait_dma2 semaphore(%arg46 : memref<!tpu.dma_semaphore, #tpu.memory_space<semaphore_mem>>) src(%dma_wait3A_117 : memref<1024xf32, #tpu.memory_space<any>>) dst(%dma_wait3A_116 : memref<1024xf32, #tpu.memory_space<vmem>>)
      %dma_wait3A_118 = arith.constant 0 : i32
      %dma_wait3A_119 = arith.constant 0 : i32
      %dma_wait3A_120 = tpu.memref_slice %arg35[%dma_wait3A_118, %dma_wait3A_119] : memref<1x1024xf32, #tpu.memory_space<vmem>> -> memref<1x1024xf32, #tpu.memory_space<vmem>>
      %dma_wait3A_121 = tpu.memref_squeeze %dma_wait3A_120 : memref<1x1024xf32, #tpu.memory_space<vmem>> -> memref<1024xf32, #tpu.memory_space<vmem>>
      %dma_wait3A_122 = tpu.memref_slice %arg4[%multiple_of3A] : memref<1605632xf32, #tpu.memory_space<any>> -> memref<1024xf32, #tpu.memory_space<any>>
      tpu.wait_dma2 semaphore(%arg46 : memref<!tpu.dma_semaphore, #tpu.memory_space<semaphore_mem>>) src(%dma_wait3A_122 : memref<1024xf32, #tpu.memory_space<any>>) dst(%dma_wait3A_121 : memref<1024xf32, #tpu.memory_space<vmem>>)
      %dma_wait3A_123 = arith.constant 0 : i32
      %dma_wait3A_124 = arith.constant 0 : i32
      %dma_wait3A_125 = tpu.memref_slice %arg36[%dma_wait3A_123, %dma_wait3A_124] : memref<1x1024xf32, #tpu.memory_space<vmem>> -> memref<1x1024xf32, #tpu.memory_space<vmem>>
      %dma_wait3A_126 = tpu.memref_squeeze %dma_wait3A_125 : memref<1x1024xf32, #tpu.memory_space<vmem>> -> memref<1024xf32, #tpu.memory_space<vmem>>
      %dma_wait3A_127 = tpu.memref_slice %arg5[%multiple_of3A] : memref<1605632xf32, #tpu.memory_space<any>> -> memref<1024xf32, #tpu.memory_space<any>>
      tpu.wait_dma2 semaphore(%arg46 : memref<!tpu.dma_semaphore, #tpu.memory_space<semaphore_mem>>) src(%dma_wait3A_127 : memref<1024xf32, #tpu.memory_space<any>>) dst(%dma_wait3A_126 : memref<1024xf32, #tpu.memory_space<vmem>>)
      %dma_wait3A_128 = arith.constant 0 : i32
      %dma_wait3A_129 = arith.constant 0 : i32
      %dma_wait3A_130 = tpu.memref_slice %arg37[%dma_wait3A_128, %dma_wait3A_129] : memref<1x1024xf32, #tpu.memory_space<vmem>> -> memref<1x1024xf32, #tpu.memory_space<vmem>>
      %dma_wait3A_131 = tpu.memref_squeeze %dma_wait3A_130 : memref<1x1024xf32, #tpu.memory_space<vmem>> -> memref<1024xf32, #tpu.memory_space<vmem>>
      %dma_wait3A_132 = tpu.memref_slice %arg6[%multiple_of3A] : memref<1605632xf32, #tpu.memory_space<any>> -> memref<1024xf32, #tpu.memory_space<any>>
      tpu.wait_dma2 semaphore(%arg46 : memref<!tpu.dma_semaphore, #tpu.memory_space<semaphore_mem>>) src(%dma_wait3A_132 : memref<1024xf32, #tpu.memory_space<any>>) dst(%dma_wait3A_131 : memref<1024xf32, #tpu.memory_space<vmem>>)
      %dma_wait3A_133 = arith.constant 0 : i32
      %dma_wait3A_134 = arith.constant 0 : i32
      %dma_wait3A_135 = tpu.memref_slice %arg38[%dma_wait3A_133, %dma_wait3A_134] : memref<1x1024xf32, #tpu.memory_space<vmem>> -> memref<1x1024xf32, #tpu.memory_space<vmem>>
      %dma_wait3A_136 = tpu.memref_squeeze %dma_wait3A_135 : memref<1x1024xf32, #tpu.memory_space<vmem>> -> memref<1024xf32, #tpu.memory_space<vmem>>
      %dma_wait3A_137 = tpu.memref_slice %arg7[%multiple_of3A] : memref<1605632xf32, #tpu.memory_space<any>> -> memref<1024xf32, #tpu.memory_space<any>>
      tpu.wait_dma2 semaphore(%arg46 : memref<!tpu.dma_semaphore, #tpu.memory_space<semaphore_mem>>) src(%dma_wait3A_137 : memref<1024xf32, #tpu.memory_space<any>>) dst(%dma_wait3A_136 : memref<1024xf32, #tpu.memory_space<vmem>>)
      %dma_wait3A_138 = arith.constant 0 : i32
      %dma_wait3A_139 = arith.constant 0 : i32
      %dma_wait3A_140 = tpu.memref_slice %arg39[%dma_wait3A_138, %dma_wait3A_139] : memref<1x1024xf32, #tpu.memory_space<vmem>> -> memref<1x1024xf32, #tpu.memory_space<vmem>>
      %dma_wait3A_141 = tpu.memref_squeeze %dma_wait3A_140 : memref<1x1024xf32, #tpu.memory_space<vmem>> -> memref<1024xf32, #tpu.memory_space<vmem>>
      %dma_wait3A_142 = tpu.memref_slice %arg8[%multiple_of3A] : memref<1605632xf32, #tpu.memory_space<any>> -> memref<1024xf32, #tpu.memory_space<any>>
      tpu.wait_dma2 semaphore(%arg46 : memref<!tpu.dma_semaphore, #tpu.memory_space<semaphore_mem>>) src(%dma_wait3A_142 : memref<1024xf32, #tpu.memory_space<any>>) dst(%dma_wait3A_141 : memref<1024xf32, #tpu.memory_space<vmem>>)
      %dma_wait3A_143 = arith.constant 0 : i32
      %dma_wait3A_144 = arith.constant 0 : i32
      %dma_wait3A_145 = tpu.memref_slice %arg40[%dma_wait3A_143, %dma_wait3A_144] : memref<1x1024xf32, #tpu.memory_space<vmem>> -> memref<1x1024xf32, #tpu.memory_space<vmem>>
      %dma_wait3A_146 = tpu.memref_squeeze %dma_wait3A_145 : memref<1x1024xf32, #tpu.memory_space<vmem>> -> memref<1024xf32, #tpu.memory_space<vmem>>
      %dma_wait3A_147 = tpu.memref_slice %arg9[%multiple_of3A] : memref<1605632xf32, #tpu.memory_space<any>> -> memref<1024xf32, #tpu.memory_space<any>>
      tpu.wait_dma2 semaphore(%arg46 : memref<!tpu.dma_semaphore, #tpu.memory_space<semaphore_mem>>) src(%dma_wait3A_147 : memref<1024xf32, #tpu.memory_space<any>>) dst(%dma_wait3A_146 : memref<1024xf32, #tpu.memory_space<vmem>>)
      %dma_wait3A_148 = arith.constant 0 : i32
      %dma_wait3A_149 = arith.constant 0 : i32
      %dma_wait3A_150 = tpu.memref_slice %arg41[%dma_wait3A_148, %dma_wait3A_149] : memref<1x1024xf32, #tpu.memory_space<vmem>> -> memref<1x1024xf32, #tpu.memory_space<vmem>>
      %dma_wait3A_151 = tpu.memref_squeeze %dma_wait3A_150 : memref<1x1024xf32, #tpu.memory_space<vmem>> -> memref<1024xf32, #tpu.memory_space<vmem>>
      %dma_wait3A_152 = tpu.memref_slice %arg10[%multiple_of3A] : memref<1605632xf32, #tpu.memory_space<any>> -> memref<1024xf32, #tpu.memory_space<any>>
      tpu.wait_dma2 semaphore(%arg46 : memref<!tpu.dma_semaphore, #tpu.memory_space<semaphore_mem>>) src(%dma_wait3A_152 : memref<1024xf32, #tpu.memory_space<any>>) dst(%dma_wait3A_151 : memref<1024xf32, #tpu.memory_space<vmem>>)
      %dma_wait3A_153 = arith.constant 0 : i32
      %dma_wait3A_154 = arith.constant 0 : i32
      %dma_wait3A_155 = tpu.memref_slice %arg42[%dma_wait3A_153, %dma_wait3A_154] : memref<1x1024xf32, #tpu.memory_space<vmem>> -> memref<1x1024xf32, #tpu.memory_space<vmem>>
      %dma_wait3A_156 = tpu.memref_squeeze %dma_wait3A_155 : memref<1x1024xf32, #tpu.memory_space<vmem>> -> memref<1024xf32, #tpu.memory_space<vmem>>
      %dma_wait3A_157 = tpu.memref_slice %arg11[%multiple_of3A] : memref<1605632xf32, #tpu.memory_space<any>> -> memref<1024xf32, #tpu.memory_space<any>>
      tpu.wait_dma2 semaphore(%arg46 : memref<!tpu.dma_semaphore, #tpu.memory_space<semaphore_mem>>) src(%dma_wait3A_157 : memref<1024xf32, #tpu.memory_space<any>>) dst(%dma_wait3A_156 : memref<1024xf32, #tpu.memory_space<vmem>>)
      %dma_wait3A_158 = arith.constant 0 : i32
      %dma_wait3A_159 = arith.constant 0 : i32
      %dma_wait3A_160 = tpu.memref_slice %arg43[%dma_wait3A_158, %dma_wait3A_159] : memref<1x1024xf32, #tpu.memory_space<vmem>> -> memref<1x1024xf32, #tpu.memory_space<vmem>>
      %dma_wait3A_161 = tpu.memref_squeeze %dma_wait3A_160 : memref<1x1024xf32, #tpu.memory_space<vmem>> -> memref<1024xf32, #tpu.memory_space<vmem>>
      %dma_wait3A_162 = tpu.memref_slice %arg12[%multiple_of3A] : memref<1605632xf32, #tpu.memory_space<any>> -> memref<1024xf32, #tpu.memory_space<any>>
      tpu.wait_dma2 semaphore(%arg46 : memref<!tpu.dma_semaphore, #tpu.memory_space<semaphore_mem>>) src(%dma_wait3A_162 : memref<1024xf32, #tpu.memory_space<any>>) dst(%dma_wait3A_161 : memref<1024xf32, #tpu.memory_space<vmem>>)
      %mul3A_163 = arith.constant 1024 : i32
      %mul3A_164 = arith.muli %while3A_39, %mul3A_163 : i32
      %sub3A_165 = arith.subi %get3A_3, %mul3A_164 : i32
      %iota3A = tpu.iota {dimensions = array<i32: 1>} : vector<1x1024xi32>
      %lt3A = vector.broadcast %sub3A_165 : i32 to vector<1x1024xi32>
      %lt3A_166 = arith.cmpi slt, %iota3A, %lt3A : vector<1x1024xi32>
      %get3A_167 = arith.constant 0 : index
      %get3A_168 = arith.constant 0 : index
      %get3A_169 = vector.load %arg32[%get3A_167, %get3A_168] : memref<1x1024xf32, #tpu.memory_space<vmem>>, vector<1x1024xf32>
      %get3A_170 = arith.constant 0 : index
      %get3A_171 = arith.constant 0 : index
      %get3A_172 = vector.load %arg33[%get3A_170, %get3A_171] : memref<1x1024xf32, #tpu.memory_space<vmem>>, vector<1x1024xf32>
      %get3A_173 = arith.constant 0 : index
      %get3A_174 = arith.constant 0 : index
      %get3A_175 = vector.load %arg34[%get3A_173, %get3A_174] : memref<1x1024xf32, #tpu.memory_space<vmem>>, vector<1x1024xf32>
      %get3A_176 = arith.constant 0 : index
      %get3A_177 = arith.constant 0 : index
      %get3A_178 = vector.load %arg35[%get3A_176, %get3A_177] : memref<1x1024xf32, #tpu.memory_space<vmem>>, vector<1x1024xf32>
      %get3A_179 = arith.constant 0 : index
      %get3A_180 = arith.constant 0 : index
      %get3A_181 = vector.load %arg36[%get3A_179, %get3A_180] : memref<1x1024xf32, #tpu.memory_space<vmem>>, vector<1x1024xf32>
      %get3A_182 = arith.constant 0 : index
      %get3A_183 = arith.constant 0 : index
      %get3A_184 = vector.load %arg37[%get3A_182, %get3A_183] : memref<1x1024xf32, #tpu.memory_space<vmem>>, vector<1x1024xf32>
      %get3A_185 = arith.constant 0 : index
      %get3A_186 = arith.constant 0 : index
      %get3A_187 = vector.load %arg38[%get3A_185, %get3A_186] : memref<1x1024xf32, #tpu.memory_space<vmem>>, vector<1x1024xf32>
      %get3A_188 = arith.constant 0 : index
      %get3A_189 = arith.constant 0 : index
      %get3A_190 = vector.load %arg39[%get3A_188, %get3A_189] : memref<1x1024xf32, #tpu.memory_space<vmem>>, vector<1x1024xf32>
      %get3A_191 = arith.constant 0 : index
      %get3A_192 = arith.constant 0 : index
      %get3A_193 = vector.load %arg40[%get3A_191, %get3A_192] : memref<1x1024xf32, #tpu.memory_space<vmem>>, vector<1x1024xf32>
      %get3A_194 = arith.constant 0 : index
      %get3A_195 = arith.constant 0 : index
      %get3A_196 = vector.load %arg41[%get3A_194, %get3A_195] : memref<1x1024xf32, #tpu.memory_space<vmem>>, vector<1x1024xf32>
      %get3A_197 = arith.constant 0 : index
      %get3A_198 = arith.constant 0 : index
      %get3A_199 = vector.load %arg42[%get3A_197, %get3A_198] : memref<1x1024xf32, #tpu.memory_space<vmem>>, vector<1x1024xf32>
      %concatenate3A = tpu.concatenate %get3A_169, %get3A_172, %get3A_175, %get3A_178, %get3A_181, %get3A_184, %get3A_187, %get3A_190, %get3A_193, %get3A_196, %get3A_199 in 0 : vector<1x1024xf32>, vector<1x1024xf32>, vector<1x1024xf32>, vector<1x1024xf32>, vector<1x1024xf32>, vector<1x1024xf32>, vector<1x1024xf32>, vector<1x1024xf32>, vector<1x1024xf32>, vector<1x1024xf32>, vector<1x1024xf32> -> vector<11x1024xf32>
      %get3A_200 = arith.constant 0 : index
      %get3A_201 = arith.constant 0 : index
      %get3A_202 = vector.load %arg14[%get3A_200, %get3A_201] : memref<64x11xf32, #tpu.memory_space<vmem>>, vector<64x11xf32>
      %dot_general3A = arith.constant dense<0.000000e+00> : vector<64x1024xf32>
      %dot_general3A_203 = tpu.matmul %get3A_202, %concatenate3A, %dot_general3A {dimension_numbers = #tpu.dot_dimension_numbers<[1], [0], [0], [1], [0, 0, 1, 1], [], []>, transpose_lhs_hint = false} : vector<64x11xf32>, vector<11x1024xf32>, vector<64x1024xf32> -> vector<64x1024xf32>
      %get3A_204 = arith.constant 0 : index
      %get3A_205 = arith.constant 0 : index
      %get3A_206 = vector.load %arg15[%get3A_204, %get3A_205] : memref<64x1xf32, #tpu.memory_space<vmem>>, vector<64x1xf32>
      %add3A_207 = vector.broadcast %get3A_206 : vector<64x1xf32> to vector<64x1024xf32>
      %add3A_208 = arith.addf %dot_general3A_203, %add3A_207 : vector<64x1024xf32>
      %max3A = arith.constant 0.000000e+00 : f32
      %max3A_209 = vector.broadcast %max3A : f32 to vector<64x1024xf32>
      %max3A_210 = arith.maximumf %add3A_208, %max3A_209 : vector<64x1024xf32>
      %get3A_211 = arith.constant 0 : index
      %get3A_212 = arith.constant 0 : index
      %get3A_213 = vector.load %arg16[%get3A_211, %get3A_212] : memref<16x64xf32, #tpu.memory_space<vmem>>, vector<16x64xf32>
      %dot_general3A_214 = arith.constant dense<0.000000e+00> : vector<16x1024xf32>
      %dot_general3A_215 = tpu.matmul %get3A_213, %max3A_210, %dot_general3A_214 {dimension_numbers = #tpu.dot_dimension_numbers<[1], [0], [0], [1], [0, 0, 1, 1], [], []>, transpose_lhs_hint = false} : vector<16x64xf32>, vector<64x1024xf32>, vector<16x1024xf32> -> vector<16x1024xf32>
      %get3A_216 = arith.constant 0 : index
      %get3A_217 = arith.constant 0 : index
      %get3A_218 = vector.load %arg17[%get3A_216, %get3A_217] : memref<16x1xf32, #tpu.memory_space<vmem>>, vector<16x1xf32>
      %add3A_219 = vector.broadcast %get3A_218 : vector<16x1xf32> to vector<16x1024xf32>
      %add3A_220 = arith.addf %dot_general3A_215, %add3A_219 : vector<16x1024xf32>
      %get3A_221 = arith.constant 0 : index
      %get3A_222 = arith.constant 0 : index
      %get3A_223 = vector.load %arg18[%get3A_221, %get3A_222] : memref<16x16xf32, #tpu.memory_space<vmem>>, vector<16x16xf32>
      %dot_general3A_224 = arith.constant dense<0.000000e+00> : vector<16x1024xf32>
      %dot_general3A_225 = tpu.matmul %get3A_223, %add3A_220, %dot_general3A_224 {dimension_numbers = #tpu.dot_dimension_numbers<[1], [0], [0], [1], [0, 0, 1, 1], [], []>, transpose_lhs_hint = false} : vector<16x16xf32>, vector<16x1024xf32>, vector<16x1024xf32> -> vector<16x1024xf32>
      %get3A_226 = arith.constant 0 : index
      %get3A_227 = arith.constant 0 : index
      %get3A_228 = vector.load %arg19[%get3A_226, %get3A_227] : memref<16x1xf32, #tpu.memory_space<vmem>>, vector<16x1xf32>
      %add3A_229 = vector.broadcast %get3A_228 : vector<16x1xf32> to vector<16x1024xf32>
      %add3A_230 = arith.addf %dot_general3A_225, %add3A_229 : vector<16x1024xf32>
      %max3A_231 = arith.constant 0.000000e+00 : f32
      %max3A_232 = vector.broadcast %max3A_231 : f32 to vector<16x1024xf32>
      %max3A_233 = arith.maximumf %add3A_230, %max3A_232 : vector<16x1024xf32>
      %get3A_234 = arith.constant 0 : index
      %get3A_235 = arith.constant 0 : index
      %get3A_236 = vector.load %arg20[%get3A_234, %get3A_235] : memref<1x16xf32, #tpu.memory_space<vmem>>, vector<1x16xf32>
      %dot_general3A_237 = arith.constant dense<0.000000e+00> : vector<1x1024xf32>
      %dot_general3A_238 = tpu.matmul %get3A_236, %max3A_233, %dot_general3A_237 {dimension_numbers = #tpu.dot_dimension_numbers<[1], [0], [0], [1], [0, 0, 1, 1], [], []>, transpose_lhs_hint = false} : vector<1x16xf32>, vector<16x1024xf32>, vector<1x1024xf32> -> vector<1x1024xf32>
      %get3A_239 = arith.constant 0 : index
      %get3A_240 = arith.constant 0 : index
      %get3A_241 = vector.load %arg21[%get3A_239, %get3A_240] : memref<1x1xf32, #tpu.memory_space<vmem>>, vector<1x1xf32>
      %add3A_242 = vector.broadcast %get3A_241 : vector<1x1xf32> to vector<1x1024xf32>
      %add3A_243 = arith.addf %dot_general3A_238, %add3A_242 : vector<1x1024xf32>
      %get3A_244 = arith.constant 0 : index
      %get3A_245 = arith.constant 0 : index
      %get3A_246 = vector.load %arg22[%get3A_244, %get3A_245] : memref<64x16xf32, #tpu.memory_space<vmem>>, vector<64x16xf32>
      %dot_general3A_247 = arith.constant dense<0.000000e+00> : vector<64x1024xf32>
      %dot_general3A_248 = tpu.matmul %get3A_246, %add3A_220, %dot_general3A_247 {dimension_numbers = #tpu.dot_dimension_numbers<[1], [0], [0], [1], [0, 0, 1, 1], [], []>, transpose_lhs_hint = false} : vector<64x16xf32>, vector<16x1024xf32>, vector<64x1024xf32> -> vector<64x1024xf32>
      %get3A_249 = arith.constant 0 : index
      %get3A_250 = arith.constant 0 : index
      %get3A_251 = vector.load %arg23[%get3A_249, %get3A_250] : memref<64x1xf32, #tpu.memory_space<vmem>>, vector<64x1xf32>
      %add3A_252 = vector.broadcast %get3A_251 : vector<64x1xf32> to vector<64x1024xf32>
      %add3A_253 = arith.addf %dot_general3A_248, %add3A_252 : vector<64x1024xf32>
      %max3A_254 = arith.constant 0.000000e+00 : f32
      %max3A_255 = vector.broadcast %max3A_254 : f32 to vector<64x1024xf32>
      %max3A_256 = arith.maximumf %add3A_253, %max3A_255 : vector<64x1024xf32>
      %get3A_257 = arith.constant 0 : index
      %get3A_258 = arith.constant 0 : index
      %get3A_259 = vector.load %arg24[%get3A_257, %get3A_258] : memref<16x64xf32, #tpu.memory_space<vmem>>, vector<16x64xf32>
      %dot_general3A_260 = arith.constant dense<0.000000e+00> : vector<16x1024xf32>
      %dot_general3A_261 = tpu.matmul %get3A_259, %max3A_256, %dot_general3A_260 {dimension_numbers = #tpu.dot_dimension_numbers<[1], [0], [0], [1], [0, 0, 1, 1], [], []>, transpose_lhs_hint = false} : vector<16x64xf32>, vector<64x1024xf32>, vector<16x1024xf32> -> vector<16x1024xf32>
      %get3A_262 = arith.constant 0 : index
      %get3A_263 = arith.constant 0 : index
      %get3A_264 = vector.load %arg25[%get3A_262, %get3A_263] : memref<16x1xf32, #tpu.memory_space<vmem>>, vector<16x1xf32>
      %add3A_265 = vector.broadcast %get3A_264 : vector<16x1xf32> to vector<16x1024xf32>
      %add3A_266 = arith.addf %dot_general3A_261, %add3A_265 : vector<16x1024xf32>
      %get3A_267 = arith.constant 0 : index
      %get3A_268 = arith.constant 0 : index
      %get3A_269 = vector.load %arg43[%get3A_267, %get3A_268] : memref<1x1024xf32, #tpu.memory_space<vmem>>, vector<1x1024xf32>
      %iota3A_270 = tpu.iota {dimensions = array<i32: 0>} : vector<1024x1024xi32>
      %convert_element_type3A_271 = arith.sitofp %iota3A_270 : vector<1024x1024xi32> to vector<1024x1024xf32>
      %eq3A_272 = vector.broadcast %get3A_269 : vector<1x1024xf32> to vector<1024x1024xf32>
      %eq3A_273 = arith.cmpf oeq, %convert_element_type3A_271, %eq3A_272 : vector<1024x1024xf32>
      %and3A_274 = vector.broadcast %lt3A_166 : vector<1x1024xi1> to vector<1024x1024xi1>
      %and3A_275 = arith.andi %eq3A_273, %and3A_274 : vector<1024x1024xi1>
      %convert_element_type3A_276 = arith.extui %and3A_275 : vector<1024x1024xi1> to vector<1024x1024xi32>
      %convert_element_type3A_277 = arith.sitofp %convert_element_type3A_276 : vector<1024x1024xi32> to vector<1024x1024xf32>
      %jit3A_278 = arith.constant -1.000000e+30 : f32
      %broadcast_in_dim3A = vector.shape_cast %add3A_243 : vector<1x1024xf32> to vector<1x1024xf32>
      %broadcast_in_dim3A_279 = vector.broadcast %broadcast_in_dim3A : vector<1x1024xf32> to vector<1024x1024xf32>
      %broadcast_in_dim3A_280 = vector.broadcast %jit3A_278 : f32 to vector<1024x1024xf32>
      %select_n3A_281 = arith.select %and3A_275, %broadcast_in_dim3A_279, %broadcast_in_dim3A_280 : vector<1024x1024xi1>, vector<1024x1024xf32>
      %reduce_max3A = arith.constant dense<0xFF800000> : vector<1024xf32>
      %reduce_max3A_282 = vector.multi_reduction <maximumf>, %select_n3A_281, %reduce_max3A [1] : vector<1024x1024xf32> to vector<1024xf32>
      %broadcast_in_dim3A_283 = vector.shape_cast %reduce_max3A_282 : vector<1024xf32> to vector<1024x1xf32>
      %get3A_284 = arith.constant 0 : index
      %get3A_285 = arith.constant 0 : index
      %get3A_286 = vector.load %arg44[%get3A_284, %get3A_285] : memref<1024x1xf32, #tpu.memory_space<vmem>>, vector<1024x1xf32>
      %max3A_287 = arith.maximumf %get3A_286, %broadcast_in_dim3A_283 : vector<1024x1xf32>
      %get3A_288 = arith.constant 0 : index
      %get3A_289 = arith.constant 0 : index
      %get3A_290 = vector.load %arg44[%get3A_288, %get3A_289] : memref<1024x1xf32, #tpu.memory_space<vmem>>, vector<1024x1xf32>
      %sub3A_291 = arith.subf %get3A_290, %max3A_287 : vector<1024x1xf32>
      %exp3A = math.exp %sub3A_291 : vector<1024x1xf32>
      %dot_general3A_292 = arith.constant dense<0.000000e+00> : vector<1x1024xf32>
      %dot_general3A_293 = tpu.matmul %max3A_287, %convert_element_type3A_277, %dot_general3A_292 {dimension_numbers = #tpu.dot_dimension_numbers<[0], [0], [1], [1], [0, 1, 1, 1], [], []>, transpose_lhs_hint = false} : vector<1024x1xf32>, vector<1024x1024xf32>, vector<1x1024xf32> -> vector<1x1024xf32>
      %sub3A_294 = arith.subf %add3A_243, %dot_general3A_293 : vector<1x1024xf32>
      %exp3A_295 = math.exp %sub3A_294 : vector<1x1024xf32>
      %jit3A_296 = arith.constant 0.000000e+00 : f32
      %broadcast_in_dim3A_297 = vector.broadcast %jit3A_296 : f32 to vector<1x1024xf32>
      %select_n3A_298 = arith.select %lt3A_166, %exp3A_295, %broadcast_in_dim3A_297 : vector<1x1024xi1>, vector<1x1024xf32>
      %jit3A_299 = arith.constant 0.000000e+00 : f32
      %broadcast_in_dim3A_300 = vector.shape_cast %lt3A_166 : vector<1x1024xi1> to vector<1x1024xi1>
      %broadcast_in_dim3A_301 = vector.broadcast %broadcast_in_dim3A_300 : vector<1x1024xi1> to vector<16x1024xi1>
      %broadcast_in_dim3A_302 = vector.broadcast %jit3A_299 : f32 to vector<16x1024xf32>
      %select_n3A_303 = arith.select %broadcast_in_dim3A_301, %add3A_266, %broadcast_in_dim3A_302 : vector<16x1024xi1>, vector<16x1024xf32>
      %mul3A_304 = vector.broadcast %select_n3A_298 : vector<1x1024xf32> to vector<16x1024xf32>
      %mul3A_305 = arith.mulf %mul3A_304, %select_n3A_303 : vector<16x1024xf32>
      %concatenate3A_306 = tpu.concatenate %select_n3A_298, %mul3A_305 in 0 : vector<1x1024xf32>, vector<16x1024xf32> -> vector<17x1024xf32>
      %dot_general3A_307 = arith.constant dense<0.000000e+00> : vector<1024x17xf32>
      %dot_general3A_308 = tpu.matmul %convert_element_type3A_277, %concatenate3A_306, %dot_general3A_307 {dimension_numbers = #tpu.dot_dimension_numbers<[1], [1], [0], [0], [0, 0, 1, 0], [], []>, transpose_lhs_hint = false} : vector<1024x1024xf32>, vector<17x1024xf32>, vector<1024x17xf32> -> vector<1024x17xf32>
      %swap3A = arith.constant 0 : index
      %swap3A_309 = arith.constant 0 : index
      %swap3A_310 = vector.load %arg44[%swap3A, %swap3A_309] : memref<1024x1xf32, #tpu.memory_space<vmem>>, vector<1024x1xf32>
      tpu.vector_store %arg44[%swap3A, %swap3A_309], %max3A_287 {strides = array<i32>} : memref<1024x1xf32, #tpu.memory_space<vmem>>, vector<1024x1xf32>,
      %get3A_311 = arith.constant 0 : index
      %get3A_312 = arith.constant 0 : index
      %get3A_313 = vector.load %arg45[%get3A_311, %get3A_312] : memref<1024x17xf32, #tpu.memory_space<vmem>>, vector<1024x17xf32>
      %mul3A_314 = vector.broadcast %exp3A : vector<1024x1xf32> to vector<1024x17xf32>
      %mul3A_315 = arith.mulf %get3A_313, %mul3A_314 : vector<1024x17xf32>
      %add3A_316 = arith.addf %mul3A_315, %dot_general3A_308 : vector<1024x17xf32>
      %swap3A_317 = arith.constant 0 : index
      %swap3A_318 = arith.constant 0 : index
      %swap3A_319 = vector.load %arg45[%swap3A_317, %swap3A_318] : memref<1024x17xf32, #tpu.memory_space<vmem>>, vector<1024x17xf32>
      tpu.vector_store %arg45[%swap3A_317, %swap3A_318], %add3A_316 {strides = array<i32>} : memref<1024x17xf32, #tpu.memory_space<vmem>>, vector<1024x17xf32>,
      %while3A_320 = arith.constant 0 : i32
      scf.yield %while3A_320 : i32
    }
    %eq3A_34 = arith.constant 31 : i32
    %eq3A_35 = arith.cmpi eq, %arg0, %eq3A_34 : i32
    %convert_element_type3A_36 = arith.extui %eq3A_35 : i1 to i32
    %cond3A_37 = arith.constant 0 : i32
    %cond3A_38 = arith.cmpi ne, %convert_element_type3A_36, %cond3A_37 : i32
    scf.if %cond3A_38 {
      %get3A_39 = arith.constant 0 : index
      %get3A_40 = arith.constant 0 : index
      %get3A_41 = vector.load %arg45[%get3A_39, %get3A_40] : memref<1024x17xf32, #tpu.memory_space<vmem>>, vector<1024x17xf32>
      %slice3A = vector.extract_strided_slice %get3A_41 {offsets = [0, 0], sizes = [1024, 1], strides = [1, 1]} : vector<1024x17xf32> to vector<1024x1xf32>
      %gt3A = arith.constant 0.000000e+00 : f32
      %gt3A_42 = vector.broadcast %gt3A : f32 to vector<1024x1xf32>
      %gt3A_43 = arith.cmpf ogt, %slice3A, %gt3A_42 : vector<1024x1xf32>
      %slice3A_44 = vector.extract_strided_slice %get3A_41 {offsets = [0, 1], sizes = [1024, 16], strides = [1, 1]} : vector<1024x17xf32> to vector<1024x16xf32>
      %jit3A_45 = arith.constant 1.000000e+00 : f32
      %broadcast_in_dim3A = vector.broadcast %jit3A_45 : f32 to vector<1024x1xf32>
      %select_n3A_46 = arith.select %gt3A_43, %slice3A, %broadcast_in_dim3A : vector<1024x1xi1>, vector<1024x1xf32>
      %div3A_47 = vector.broadcast %select_n3A_46 : vector<1024x1xf32> to vector<1024x16xf32>
      %div3A_48 = arith.divf %slice3A_44, %div3A_47 : vector<1024x16xf32>
      %jit3A_49 = arith.constant 0.000000e+00 : f32
      %broadcast_in_dim3A_50 = vector.shape_cast %gt3A_43 : vector<1024x1xi1> to vector<1024x1xi1>
      %broadcast_in_dim3A_51 = vector.broadcast %broadcast_in_dim3A_50 : vector<1024x1xi1> to vector<1024x16xi1>
      %broadcast_in_dim3A_52 = vector.broadcast %jit3A_49 : f32 to vector<1024x16xf32>
      %select_n3A_53 = arith.select %broadcast_in_dim3A_51, %div3A_48, %broadcast_in_dim3A_52 : vector<1024x16xi1>, vector<1024x16xf32>
      %slice3A_54 = vector.extract_strided_slice %select_n3A_53 {offsets = [0, 0], sizes = [1000, 16], strides = [1, 1]} : vector<1024x16xf32> to vector<1000x16xf32>
      %get3A_55 = arith.constant 0 : index
      %get3A_56 = arith.constant 0 : index
      %get3A_57 = vector.load %arg30[%get3A_55, %get3A_56] : memref<1000x2xf32, #tpu.memory_space<vmem>>, vector<1000x2xf32>
      %concatenate3A = tpu.concatenate %slice3A_54, %get3A_57 in 1 : vector<1000x16xf32>, vector<1000x2xf32> -> vector<1000x18xf32>
      %get3A_58 = arith.constant 0 : index
      %get3A_59 = arith.constant 0 : index
      %get3A_60 = vector.load %arg26[%get3A_58, %get3A_59] : memref<18x64xf32, #tpu.memory_space<vmem>>, vector<18x64xf32>
      %dot_general3A = arith.constant dense<0.000000e+00> : vector<1000x64xf32>
      %dot_general3A_61 = tpu.matmul %concatenate3A, %get3A_60, %dot_general3A {dimension_numbers = #tpu.dot_dimension_numbers<[1], [0], [0], [1], [0, 0, 1, 1], [], []>, transpose_lhs_hint = false} : vector<1000x18xf32>, vector<18x64xf32>, vector<1000x64xf32> -> vector<1000x64xf32>
      %get3A_62 = arith.constant 0 : index
      %get3A_63 = arith.constant 0 : index
      %get3A_64 = vector.load %arg27[%get3A_62, %get3A_63] : memref<1x64xf32, #tpu.memory_space<vmem>>, vector<1x64xf32>
      %add3A_65 = vector.broadcast %get3A_64 : vector<1x64xf32> to vector<1000x64xf32>
      %add3A_66 = arith.addf %dot_general3A_61, %add3A_65 : vector<1000x64xf32>
      %max3A = arith.constant 0.000000e+00 : f32
      %max3A_67 = vector.broadcast %max3A : f32 to vector<1000x64xf32>
      %max3A_68 = arith.maximumf %add3A_66, %max3A_67 : vector<1000x64xf32>
      %get3A_69 = arith.constant 0 : index
      %get3A_70 = arith.constant 0 : index
      %get3A_71 = vector.load %arg28[%get3A_69, %get3A_70] : memref<64x2xf32, #tpu.memory_space<vmem>>, vector<64x2xf32>
      %dot_general3A_72 = arith.constant dense<0.000000e+00> : vector<1000x2xf32>
      %dot_general3A_73 = tpu.matmul %max3A_68, %get3A_71, %dot_general3A_72 {dimension_numbers = #tpu.dot_dimension_numbers<[1], [0], [0], [1], [0, 0, 1, 1], [], []>, transpose_lhs_hint = false} : vector<1000x64xf32>, vector<64x2xf32>, vector<1000x2xf32> -> vector<1000x2xf32>
      %get3A_74 = arith.constant 0 : index
      %get3A_75 = arith.constant 0 : index
      %get3A_76 = vector.load %arg29[%get3A_74, %get3A_75] : memref<1x2xf32, #tpu.memory_space<vmem>>, vector<1x2xf32>
      %add3A_77 = vector.broadcast %get3A_76 : vector<1x2xf32> to vector<1000x2xf32>
      %add3A_78 = arith.addf %dot_general3A_73, %add3A_77 : vector<1000x2xf32>
      %swap3A = arith.constant 0 : index
      %swap3A_79 = arith.constant 0 : index
      %swap3A_80 = vector.load %arg31[%swap3A, %swap3A_79] : memref<1000x2xf32, #tpu.memory_space<vmem>>, vector<1000x2xf32>
      tpu.vector_store %arg31[%swap3A, %swap3A_79], %add3A_78 {strides = array<i32>} : memref<1000x2xf32, #tpu.memory_space<vmem>>, vector<1000x2xf32>,
    } else {
    }
    return
  }
  func.func @transform_12(%arg0: i32) -> (i32, i32) {
    %c0_i32 = arith.constant 0 : i32
    %c0_i32_0 = arith.constant 0 : i32
    %c0_i32_1 = arith.constant 0 : i32
    return %c0_i32, %c0_i32_0 : i32, i32
  }
  func.func @transform_13(%arg0: i32) -> (i32, i32) {
    %c0_i32 = arith.constant 0 : i32
    %c0_i32_0 = arith.constant 0 : i32
    %c0_i32_1 = arith.constant 0 : i32
    return %c0_i32, %c0_i32_0 : i32, i32
  }
  func.func @transform_14(%arg0: i32) -> (i32, i32) {
    %c0_i32 = arith.constant 0 : i32
    %c0_i32_0 = arith.constant 0 : i32
    %c0_i32_1 = arith.constant 0 : i32
    return %c0_i32, %c0_i32_0 : i32, i32
  }
  func.func @transform_15(%arg0: i32) -> (i32, i32) {
    %c0_i32 = arith.constant 0 : i32
    %c0_i32_0 = arith.constant 0 : i32
    %c0_i32_1 = arith.constant 0 : i32
    return %c0_i32, %c0_i32_0 : i32, i32
  }
  func.func @transform_16(%arg0: i32) -> (i32, i32) {
    %c0_i32 = arith.constant 0 : i32
    %c0_i32_0 = arith.constant 0 : i32
    %c0_i32_1 = arith.constant 0 : i32
    return %c0_i32, %c0_i32_0 : i32, i32
  }
  func.func @transform_17(%arg0: i32) -> (i32, i32) {
    %c0_i32 = arith.constant 0 : i32
    %c0_i32_0 = arith.constant 0 : i32
    %c0_i32_1 = arith.constant 0 : i32
    return %c0_i32, %c0_i32_0 : i32, i32
  }
  func.func @transform_18(%arg0: i32) -> (i32, i32) {
    %c0_i32 = arith.constant 0 : i32
    %c0_i32_0 = arith.constant 0 : i32
    %c0_i32_1 = arith.constant 0 : i32
    return %c0_i32, %c0_i32_0 : i32, i32
  }
  func.func @transform_19(%arg0: i32) -> (i32, i32) {
    %c0_i32 = arith.constant 0 : i32
    %c0_i32_0 = arith.constant 0 : i32
    %c0_i32_1 = arith.constant 0 : i32
    return %c0_i32, %c0_i32_0 : i32, i32
  }
  func.func @transform_20(%arg0: i32) -> (i32, i32) {
    %c0_i32 = arith.constant 0 : i32
    %c0_i32_0 = arith.constant 0 : i32
    %c0_i32_1 = arith.constant 0 : i32
    return %c0_i32, %c0_i32_0 : i32, i32
  }
  func.func @transform_21(%arg0: i32) -> (i32, i32) {
    %c0_i32 = arith.constant 0 : i32
    %c0_i32_0 = arith.constant 0 : i32
    %c0_i32_1 = arith.constant 0 : i32
    return %c0_i32, %c0_i32_0 : i32, i32
  }
  func.func @transform_22(%arg0: i32) -> (i32, i32) {
    %c0_i32 = arith.constant 0 : i32
    %c0_i32_0 = arith.constant 0 : i32
    %c0_i32_1 = arith.constant 0 : i32
    return %c0_i32, %c0_i32_0 : i32, i32
  }
  func.func @transform_23(%arg0: i32) -> (i32, i32) {
    %c0_i32 = arith.constant 0 : i32
    %c0_i32_0 = arith.constant 0 : i32
    %c0_i32_1 = arith.constant 0 : i32
    return %c0_i32, %c0_i32_0 : i32, i32
  }
  func.func @transform_24(%arg0: i32) -> (i32, i32) {
    %c0_i32 = arith.constant 0 : i32
    %c0_i32_0 = arith.constant 0 : i32
    %c0_i32_1 = arith.constant 0 : i32
    return %c0_i32, %c0_i32_0 : i32, i32
  }
  func.func @transform_25(%arg0: i32) -> (i32, i32) {
    %c0_i32 = arith.constant 0 : i32
    %c0_i32_0 = arith.constant 0 : i32
    %c0_i32_1 = arith.constant 0 : i32
    return %c0_i32, %c0_i32_0 : i32, i32
  }
  func.func @transform_26(%arg0: i32) -> (i32, i32) {
    %c0_i32 = arith.constant 0 : i32
    %c0_i32_0 = arith.constant 0 : i32
    %c0_i32_1 = arith.constant 0 : i32
    return %c0_i32, %c0_i32_0 : i32, i32
  }
  func.func @transform_27(%arg0: i32) -> (i32, i32) {
    %c0_i32 = arith.constant 0 : i32
    %c0_i32_0 = arith.constant 0 : i32
    %c0_i32_1 = arith.constant 0 : i32
    return %c0_i32, %c0_i32_0 : i32, i32
  }
  func.func @transform_28(%arg0: i32) -> (i32, i32) {
    %c0_i32 = arith.constant 0 : i32
    %c0_i32_0 = arith.constant 0 : i32
    %c0_i32_1 = arith.constant 0 : i32
    return %c0_i32, %c0_i32_0 : i32, i32
  }
  func.func @transform_29(%arg0: i32) -> (i32, i32) {
    %c0_i32 = arith.constant 0 : i32
    %c0_i32_0 = arith.constant 0 : i32
    %c0_i32_1 = arith.constant 0 : i32
    return %c0_i32, %c0_i32_0 : i32, i32
  }
  func.func @transform_30(%arg0: i32) -> (i32, i32) {
    %c0_i32 = arith.constant 0 : i32
    %c0_i32_0 = arith.constant 0 : i32
    %c0_i32_1 = arith.constant 0 : i32
    return %c0_i32, %c0_i32_0 : i32, i32
  }
}

</mosaic_0001>

<sc_bundles>
// kernel: kernel.4.cloned.1.call-start
scs
__scs_entry_jumppad:
0x0: {  	(pc) =	sbr.rel $0x88, $3  }
0x1: {  	(tag) =	ssettag $0x0;
	lr =	simm.s32 $0x1  }
0x2: {  	[smem:$0x3F8C] =	sst lr;
	_ =	strace $0xD0000000  }
0x3: {  	_ = 	snop  }
0x4: {  	_ = 	snop  }
0x5: {  	_ = 	snop  }
0x6: {  	_ = 	snop  }
0x7: {  	_ = 	snop  }
__scs_overlays_trampoline_lowered:
0x8: {  	[smem:$0x3F9B] =	sst s0  }
0x9: {  	[smem:$0x3F9C] =	sst s1  }
0xa: {  	[smem:$0x3F9D] =	sst s2  }
0xb: {  	[smem:$0x3F9E] =	sst s3  }
0xc: {  	[smem:$0x3F9F] =	sst s4  }
0xd: {  	[smem:$0x3FA0] =	sst s5  }
0xe: {  	[smem:$0x3FA1] =	sst s6  }
0xf: {  	[smem:$0x3FA2] =	sst s7  }
0x10: {  	[smem:$0x3FA3] =	sst s8  }
0x11: {  	[smem:$0x3FA4] =	sst s9;
	s0 =	simm.s32 @!p0 $0x0  }
0x12: {  	s1 =	sld [smem:$0x3F8A];
	s0 =	simm.s32 @p0 $0x1  }
0x13: {  	[smem:$0x3FA5] =	sst s0;
	s0 =	simm.s32 @!p1 $0x0  }
0x14: {  	s2 =	sld [smem:$0x3F89];
	s0 =	simm.s32 @p1 $0x1  }
0x15: {  	[smem:$0x3FA6] =	sst s0;
	s0 =	simm.s32 @!p2 $0x0  }
0x16: {  	s3 =	sld [smem:$0x3FDB];
	s0 =	simm.s32 @p2 $0x1  }
0x17: {  	s4 =	simm.s32 $0x1BF5;
	[smem:$0x3FA8] =	sst s0  }
0x18: {  	s0 =	sld [smem:$0x3F8B];
	_ =	swait.ge [sflag:s4], $0x0  }
0x19: {  	s7 =	sld [smem:$0x3F8C]  }
0x1a: {  	s8 =	sadd.s32 $0xFFFFE003, lr  }
0x1b: {  	s9 =	sadd.s32 $0xFFFFFEF7, lr;
	s5 =	simm.s32 $0xFFFFFFFF;
	p2 =	slt.u32 s8, $0xFFFFF086  }
0x1c: {  	p1 =	slt.u32 s9, $0xF7A;
	s5 =	simm.s32 @!p2 $0x0  }
0x1d: {  	s5 =	simm.s32 @p1 $0x1;
	p0 =	seq.s32 s7, s2  }
0x1e: {  	s7 =	smul.u32 @!p0 $0xF7A, s2;
	p2 =	seq.s32 @!p0 s5, $0x0  }
0x1f: {  	s9 =	smul.u32 $0xF7A, s1;
	s8 =	simm.s32 @!p0 $0x1BF5;
	p2 =	por !p2, p0  }
0x20: {  	[sflag:s8] =	ssyncset.s32 @!p0 $0xFFFFF086;
	s6 =	sadd.s32 @!p0 s3, s7;
	s7 =	simm.s32 @!p0 $0x108  }
0x21: {  	s3 =	sadd.s32 s3, s9;
	s6 =	sadd.s32 @!p0 $0x88, s6;
	s7 =	simm.s32 @p2 $0x1082  }
0x22: {  	[simem:s7], [sflag:s8] =	dma.local @!p0 [hbm:s6], $0xF7A  }
0x23: {  	s9 =	sor.u32 $0xD0000000, s2;
	s6 =	simm.s32 $0x108;
	_ =	swait.ge @!p0 [sflag:s8], $0x0  }
0x24: {  	s3 =	sadd.s32 $0x88, s3;
	s6 =	simm.s32 @!p1 $0x1082;
	[sflag:s4] =	ssyncset.s32 $0xFFFFF086  }
0x25: {  	[simem:s6], [sflag:s4] =	dma.local [hbm:s3], $0xF7A  }
0x26: {  	[smem:$0x3F8C] =	sst s1;
	(tag) =	ssettag s2;
	_ =	strace s9  }
0x27: {  	s1 =	sld [smem:$0x3F9C]  }
0x28: {  	s2 =	sld [smem:$0x3F9D]  }
0x29: {  	s4 =	sld [smem:$0x3F9F]  }
0x2a: {  	p0 =	seq.s32 s5, $0x0;
	s5 =	sld [smem:$0x3FA0]  }
0x2b: {  	s6 =	sld [smem:$0x3FA1]  }
0x2c: {  	s7 =	sld [smem:$0x3FA2]  }
0x2d: {  	s3 =	simm.s32 $0x108;
	s8 =	sld [smem:$0x3FA3]  }
0x2e: {  	s3 =	simm.s32 @!p0 $0x1082;
	s9 =	sld [smem:$0x3FA4]  }
0x2f: {  	lr =	sadd.s32 s0, s3;
	s0 =	sld [smem:$0x3F9B]  }
0x30: {  	s3 =	sld [smem:$0x3F9E]  }
0x31: {  	[smem:$0x3FA7] =	sst s10  }
0x32: {  	s10 =	sld [smem:$0x3FA5];
	_ =	sdelay $0x3  }
0x33: {  	p0 =	seq.s32 s10, $0x1;
	s10 =	sld [smem:$0x3FA7];
	_ =	sdelay $0x3  }
0x34: {  	[smem:$0x3FA7] =	sst s10  }
0x35: {  	s10 =	sld [smem:$0x3FA6];
	_ =	sdelay $0x3  }
0x36: {  	p1 =	seq.s32 s10, $0x1;
	s10 =	sld [smem:$0x3FA7];
	_ =	sdelay $0x3  }
0x37: {  	[smem:$0x3FA7] =	sst s10  }
0x38: {  	s10 =	sld [smem:$0x3FA8]  }
0x39: {  	_ = 	snop;
	(pc) =	sbr.ind lr, $3  }
0x3a: {  	_ = 	snop  }
0x3b: {  	_ = 	snop  }
0x3c: {  	p2 =	seq.s32 s10, $0x1;
	s10 =	sld [smem:$0x3FA7]  }
0x3d: {  	_ =	shalt  }
0x3e: {  	_ =	shalt  }
0x3f: {  	_ =	shalt  }
0x40: {  	_ =	shalt  }
0x41: {  	_ =	shalt  }
0x42: {  	_ =	shalt  }
0x43: {  	_ =	shalt  }
0x44: {  	_ =	shalt  }
0x45: {  	_ =	shalt  }
0x46: {  	_ =	shalt  }
0x47: {  	_ =	shalt  }
0x48: {  	_ =	shalt  }
0x49: {  	_ =	shalt  }
0x4a: {  	_ =	shalt  }
0x4b: {  	_ =	shalt  }
0x4c: {  	_ =	shalt  }
0x4d: {  	_ =	shalt  }
0x4e: {  	_ =	shalt  }
0x4f: {  	_ =	shalt  }
0x50: {  	_ =	shalt  }
0x51: {  	_ =	shalt  }
0x52: {  	_ =	shalt  }
0x53: {  	_ =	shalt  }
0x54: {  	_ =	shalt  }
0x55: {  	_ =	shalt  }
0x56: {  	_ =	shalt  }
0x57: {  	_ =	shalt  }
0x58: {  	_ =	shalt  }
0x59: {  	_ =	shalt  }
0x5a: {  	_ =	shalt  }
0x5b: {  	_ =	shalt  }
0x5c: {  	_ =	shalt  }
0x5d: {  	_ =	shalt  }
0x5e: {  	_ =	shalt  }
0x5f: {  	_ =	shalt  }
0x60: {  	_ =	shalt  }
0x61: {  	_ =	shalt  }
0x62: {  	_ =	shalt  }
0x63: {  	_ =	shalt  }
0x64: {  	_ =	shalt  }
0x65: {  	_ =	shalt  }
0x66: {  	_ =	shalt  }
0x67: {  	_ =	shalt  }
0x68: {  	_ =	shalt  }
0x69: {  	_ =	shalt  }
0x6a: {  	_ =	shalt  }
0x6b: {  	_ =	shalt  }
0x6c: {  	_ =	shalt  }
0x6d: {  	_ =	shalt  }
0x6e: {  	_ =	shalt  }
0x6f: {  	_ =	shalt  }
0x70: {  	_ =	shalt  }
0x71: {  	_ =	shalt  }
0x72: {  	_ =	shalt  }
0x73: {  	_ =	shalt  }
0x74: {  	_ =	shalt  }
0x75: {  	_ =	shalt  }
0x76: {  	_ =	shalt  }
0x77: {  	_ =	shalt  }
0x78: {  	_ =	shalt  }
0x79: {  	_ =	shalt  }
0x7a: {  	_ =	shalt  }
0x7b: {  	_ =	shalt  }
0x7c: {  	_ =	shalt  }
0x7d: {  	_ =	shalt  }
0x7e: {  	_ =	shalt  }
0x7f: {  	_ =	shalt  }
0x80: {  	_ =	shalt  }
0x81: {  	_ =	shalt  }
0x82: {  	_ =	shalt  }
0x83: {  	_ =	shalt  }
0x84: {  	_ =	shalt  }
0x85: {  	_ =	shalt  }
0x86: {  	_ =	shalt  }
0x87: {  	_ =	shalt  }
.Lfunc_end0:
.L_simem_size_0:
called_computation_lowered:
.L_overlay_start_0:
0x88: {  	s2 =	sld [smem:$0x3FD9]  }
0x89: {  	s3 =	sld [smem:$0x3FFE];
	_ =	sdelay $0x1  }
0x8a: {  	s1 =	srdreg.scid  }
0x8b: {  	s0 =	sand.u32 $0x1, s1  }
0x8c: {  	s17 =	sshll.u32 s0, $0xA;
	s2 =	sadd.s32 s3, s2  }
0x8d: {  	s2 =	sadd.s32 s2, s17  }
0x8e: {  	[smem:$0x3FB3] =	sst s2  }
0x8f: {  	_ = 	snop  }
0x90: {  	s2 =	sld [smem:$0x3FD0];
	(tm) =	ssettm $0x1  }
0x91: {  	s18 =	sld [smem:$0x3FFB];
	_ =	sdelay $0x3  }
0x92: {  	_ =	strace s18  }
0x93: {  	s3 =	sld [smem:$0x3FFC];
	_ =	sdelay $0x3  }
0x94: {  	_ =	strace s3  }
0x95: {  	s3 =	sld [smem:$0x3FFD];
	_ =	sdelay $0x3  }
0x96: {  	_ =	strace s3  }
0x97: {  	_ =	strace $0x8FFFFFFF  }
0x98: {  	s19 =	sld [smem:$0x3FDB];
	_ =	sdelay $0x1  }
0x99: {  	s4 =	simm.s32 $_scs_section_size  }
0x9a: {  	s5 =	simm.s32 $_size__tile_overlayer_lowered;
	s6 =	simm.s32 $_tile_overlayer_lowered  }
0x9b: {  	s22 =	simm.s32 $0x1BFF;
	s21 =	sshll.u32 s6, $0x1;
	s3 =	sadd.s32 s4, s19  }
0x9c: {  	s7 =	simm.s32 $0x0;
	s20 =	sshll.u32 s5, $0x1;
	s5 =	sadd.s32 s21, s3  }
0x9d: {  	[timem:s7], [sflag:s22] =	dma.local [hbm:s5], s20  }
0x9e: {  	_ =	swait.ge [sflag:s22], s20  }
0x9f: {  	s4 =	ssub.s32 $0x0, s20;
	[sflag:s22] =	ssyncset.done $0x0  }
0xa0: {  	[sflag:s22] =	ssyncadd.s32 s4;
	_ =	sdelay $0x1  }
0xa1: {  	s23 =	simm.s32 $0x1B8B  }
0xa2: {  	_ =	swait.ge [sflag:s23], $0x1  }
0xa3: {  	[sflag:s23] =	ssyncset.done $0x0  }
0xa4: {  	s25 =	simm.s32 $0x1B8E;
	s24 =	sld [smem:$0x3FFE];
	[sflag:s23] =	ssyncadd.s32 $0xFFFFFFFF  }
0xa5: {  	s26 =	simm.s32 $execute0_lowered;
	[smem:$0x3FD2] =	sst s25  }
0xa6: {  	s5 =	sshll.u32 s26, $0x1;
	_ =	strace $0x80000046;
	[dreg:$0x1] =	wrdreg $0xFFFFFFFF  }
0xa7: {  	s28 =	simm.s32 $_size_execute0_lowered;
	s3 =	sadd.s32 s3, s5;
	[dreg:$0x0] =	wrdreg $0x0  }
0xa8: {  	s5 =	sshll.u32 s28, $0x1;
	[dreg:$0x2] =	wrdreg s3  }
0xa9: {  	[dreg:$0x3] =	wrdreg s5  }
0xaa: {  	[dreg:$0x4] =	wrdreg $0xC0  }
0xab: {  	_ =	task [dreg:s7], $0x5FFFF  }
0xac: {  	[dreg:$0x1] =	wrdreg $0xFFFFFFFF  }
0xad: {  	[dreg:$0x0] =	wrdreg $0x60  }
0xae: {  	[dreg:$0x2] =	wrdreg s24  }
0xaf: {  	[dreg:$0x3] =	wrdreg s2  }
0xb0: {  	[dreg:$0x4] =	wrdreg $0x9  }
0xb1: {  	_ =	task.clear_ibuf [dreg:s7], $0x5FFFF;
	_ =	strace $0x90000046  }
0xb2: {  	s29 =	simm.s32 $0x9;
	_ =	strace $0x80000048  }
0xb3: {  	_ =	swait.ge [sflag:s29], $0x1  }
0xb4: {  	[sflag:s29] =	ssyncadd.s32 $0xFFFFFFFF  }
0xb5: {  	_ =	strace $0x90000048  }
0xb6: {  	_ =	sfence  }
0xb7: {  	s30 =	sld [smem:$0x0];
	_ =	sdelay $0x2  }
0xb8: {  	s31 =	sshll.u32 s1, $0xD;
	s1 =	sshrl.u32 s1, $0x2  }
0xb9: {  	s3 =	sand.u32 $0x4000, s31;
	s1 =	sadd.s32 s1, s30  }
0xba: {  	s0 =	sor.u32 s3, s0;
	s1 =	sshll.u32 s1, $0x11  }
0xbb: {  	s0 =	sor.u32 s1, s0  }
0xbc: {  	s0 =	sadd.s32 $0x8F2B, s0  }
0xbd: {  	[sflag:s0] =	ssyncadd.remote.s32 $0x1  }
0xbe: {  	_ =	sfence.sel $0xFFFF  }
0xbf: {  	[dreg:$0x0] =	wrdreg $0xFFFFFFFF;
	(pc) =	sbr.abs _section_cstart, $3  }
0xc0: {  	[dreg:$0x1] =	wrdreg $0xFFFFFFFF  }
0xc1: {  	_ =	task.clear_ibuf [dreg:s7], $0x2FFFF;
	_ =	strace $0x9FFFFFFF  }
0xc2: {  	(tm) =	ssettm $0x7FFFFFFF  }
0xc3: {  	_ =	shalt  }
tec
execute0_lowered:
.L_overlay_start_1:
0x0: {  	(tag) =	ssettag $0x1  }
0x1: {  	s0 =	rddreg [dreg:$0x0]  }
0x2: {  	s2 =	rddreg [dreg:$0x1];
	s1 =	simm.s32 $0x0  }
0x3: {  	[smem:$0x7FF] =	sst s1;
	s3 =	sadd.s32 $0xC4400, s0  }
0x4: {  	s10 =	sadd.s32 $0x93600, s0;
	_ =	strace $0x80000047;
	[dreg:$0x3] =	wrdreg s3  }
0x5: {  	s11 =	sadd.s32 $0x62800, s0;
	[dreg:$0x4] =	wrdreg s10  }
0x6: {  	s12 =	sadd.s32 $0x31A00, s0;
	[dreg:$0x5] =	wrdreg s11  }
0x7: {  	s13 =	sadd.s32 $0xC00, s0;
	[dreg:$0x6] =	wrdreg s12  }
0x8: {  	s14 =	sadd.s32 $0x161E00, s0;
	[dreg:$0x7] =	wrdreg s13  }
0x9: {  	s15 =	sadd.s32 $0x192E00, s0;
	[dreg:$0x8] =	wrdreg s14  }
0xa: {  	s16 =	sadd.s32 $0x1C3E00, s0;
	[dreg:$0x9] =	wrdreg s15  }
0xb: {  	s17 =	sadd.s32 $0x1F4E00, s0;
	[dreg:$0xa] =	wrdreg s16  }
0xc: {  	s18 =	sadd.s32 $0x225E00, s0;
	[dreg:$0xb] =	wrdreg s17  }
0xd: {  	s4 =	sadd.s32 $0x12F600, s0;
	[dreg:$0xc] =	wrdreg s18  }
0xe: {  	s22 =	srdreg.scid;
	s19 =	sadd.s32 $0x256E00, s0;
	[dreg:$0x14] =	wrdreg s4  }
0xf: {  	s23 =	stileid.u32;
	s21 =	sadd.s32 $0xFE800, s0;
	[dreg:$0xd] =	wrdreg s19  }
0x10: {  	s20 =	sadd.s32 $0x287E00, s0;
	s5 =	sadd.s32 $0x2B8E00, s0;
	[dreg:$0x15] =	wrdreg s21  }
0x11: {  	s6 =	sadd.s32 $0xF8400, s0;
	s7 =	sadd.s32 $0xF5200, s0;
	[dreg:$0xe] =	wrdreg s20  }
0x12: {  	s8 =	sadd.s32 $0x2E9E00, s0;
	s9 =	sshll.u32 s23, $0x1;
	[dreg:$0xf] =	wrdreg s5  }
0x13: {  	s24 =	sadd.s32 $0x31AE00, s0;
	s26 =	sadd.s32 $0x160400, s0;
	[dreg:$0x10] =	wrdreg s8  }
0x14: {  	s28 =	smul.u32 $0x186A0, s23;
	s4 =	sadd.s32 $0xFB600, s0;
	[dreg:$0x11] =	wrdreg s24  }
0x15: {  	s5 =	sand.u32 $0x1, s22;
	s10 =	sadd.s32 $0x34BE00, s0;
	[dreg:$0x17] =	wrdreg s26  }
0x16: {  	s0 =	sadd.s32 $0x37CE00, s0;
	s13 =	smul.u32 $0x18800, s23;
	s17 =	simm.s32 $0x1  }
0x17: {  	s18 =	simm.s32 $0x80;
	s9 =	sor.u32 s5, s9;
	s12 =	smul.u32 $0xC350, s5  }
0x18: {  	[dreg:$0x12] =	wrdreg s10;
	s11 =	ssub.s32 $0x2, s5;
	s25 =	smul.u32 $0xC350, s9  }
0x19: {  	[dreg:$0x13] =	wrdreg s0;
	s5 =	smul.u32 $0xC400, s5;
	s9 =	sshll.u32 s9, $0x1  }
.Ltmp0:
0x1a: {  	s2 =	sadd.s32 s2, s9;
	[dreg:$0x16] =	wrdreg s25;
	(pc) =	sbr.rel .LBB2_1-.Ltmp0, $4  }
0x1b: {  	s29 =	sshrl.u32 s11, $0x1;
	s30 =	sadd.s32 s12, s28;
	[dreg:$0x18] =	wrdreg s2  }
0x1c: {  	s0 =	ssub.s32 s11, s29;
	s31 =	sadd.s32 s5, s13;
	[dreg:$0x1a] =	wrdreg s30  }
0x1d: {  	v0 =	vimm.s32 $0x0;
	s19 =	simm.s32 $0x2;
	s0 =	smax.u32 s0, $0x1;
	[dreg:$0x1b] =	wrdreg s31  }
0x1e: {  	v1 =	vlaneseq.u32;
	v2 =	vimm.f32 $1.000000000e+03;
	vm0 =	vcmask $0x300;
	s3 =	simm.s32 $0x0;
	s2 =	simm.s32 $0x3;
	[dreg:$0x19] =	wrdreg s0  }
.LBB2_11:
0x1f: {  	v3 =	vmov s23  }
0x20: {  	v3 =	vnsel vm0, $0x0, v3  }
0x21: {  	s0 =	rddreg [dreg:$0x18];
	s2 =	simm.s32 $0x14B80;
	[tilespmem:$0x14B80] =	vst v3  }
0x22: {  	[hbm4b:s0+s1] =	stream.linear.scatter [tilespmem:s2], [sflag:$0x3], $0x10, $0x38;
	[tilespmem:$0x14C00] =	vst v63  }
0x23: {  	s2 =	simm.s32 $0x3  }
0x24: {  	_ =	swait.ge [sflag:s2], $0x10  }
0x25: {  	s3 =	rddreg [dreg:$0x1c]  }
0x26: {  	s31 =	rddreg [dreg:$0x19];
	s3 =	sadd.s32 $0x1, s3  }
0x27: {  	p0 =	sne.s32 s3, s31  }
.Ltmp1:
0x28: {  	_ = 	snop;
	(pc) =	sbr.rel @!p0 .LBB2_12-.Ltmp1, $3  }
0x29: {  	_ =	sdelay $0x1  }
0x2a: {  	[sflag:s2] =	ssyncset.done $0x0  }
0x2b: {  	[sflag:s2] =	ssyncadd.s32 $0xFFFFFFF0  }
.LBB2_1:
0x2c: {  	[dreg:$0x1c] =	wrdreg s3  }
0x2d: {  	s0 =	rddreg [dreg:$0x17]  }
0x2e: {  	[tilespmem:s1], [sflag:$0x3] =	stream.linear.gather [hbm4b:s0+s1], $0xC380, $0x38;
	[tilespmem:$0x14C00] =	vst v63  }
0x2f: {  	_ =	swait.ge [sflag:s2], $0xC380  }
0x30: {  	[sflag:s2] =	ssyncset.done $0x0  }
0x31: {  	s0 =	simm.s32 $0x40;
	[sflag:s2] =	ssyncadd.s32 $0xFFFF3C80;
	s2 =	simm.s32 $0x0  }
.LBB2_2:
0x32: {  	p0 =	sne.s32 s0, $0x1FC0;
	[tilespmem:s2+$0xE380] =	vst v0;
	s5 =	smov.u32 s0;
	s0 =	sadd.s32 $0x40, s0  }
.Ltmp2:
0x33: {  	[tilespmem:s2+$0xD380] =	vst v0;
	(pc) =	sbr.rel @p0 .LBB2_2-.Ltmp2, $2  }
0x34: {  	[tilespmem:s2+$0xDB80] =	vst v0;
	_ =	sdelay $0x2  }
0x35: {  	s2 =	sshra.s32 s5, $0x2  }
.Ltmp3:
0x36: {  	(pc) =	sbr.rel .LBB2_4-.Ltmp3, $4  }
0x37: {  	_ = 	snop  }
0x38: {  	[tilespmem:s2+$0xE380] =	vst v0  }
0x39: {  	[tilespmem:s2+$0xD380] =	vst v0  }
0x3a: {  	[tilespmem:s2+$0xDB80] =	vst v0;
	s24 =	rddreg [dreg:$0x1a];
	s23 =	simm.s32 $0x0;
	s25 =	simm.s32 $0x0  }
.LBB2_9:
0x3b: {  	[sflag:s19] =	ssyncadd.s32 $0xFFFFFF80;
	s3 =	rddreg [dreg:$0x1d]  }
.LBB2_10:
0x3c: {  	s25 =	sadd.s32 $0x1, s25  }
0x3d: {  	p0 =	sne.s32 s25, $0x19  }
.Ltmp4:
0x3e: {  	_ = 	snop;
	(pc) =	sbr.rel @!p0 .LBB2_11-.Ltmp4, $2  }
0x3f: {  	_ =	sdelay $0x2  }
0x40: {  	s23 =	sadd.s32 s23, s3;
	s24 =	sadd.s32 $0x7D0, s24  }
.LBB2_4:
0x41: {  	s0 =	smul.u32 $0x7D0, s25  }
0x42: {  	s2 =	rddreg [dreg:$0x16]  }
0x43: {  	s0 =	sadd.s32 s2, s0  }
0x44: {  	s28 =	rddreg [dreg:$0x14];
	s3 =	simm.s32 $0xC380;
	s0 =	sshrl.u32 s0, $0x3  }
0x45: {  	s8 =	simm.s32 $0x0;
	s29 =	rddreg [dreg:$0x15];
	s2 =	sadd.s32 s28, s0  }
0x46: {  	[tilespmem:s3], [sflag:$0x1] =	stream.linear.gather [hbm4b:s2+s8], $0x7D0, $0x38;
	[tilespmem:$0x14C00] =	vst v63  }
0x47: {  	s30 =	simm.s32 $0xCB80;
	s0 =	sadd.s32 s29, s0  }
0x48: {  	[tilespmem:s30], [sflag:$0x1] =	stream.linear.gather [hbm4b:s0+s8], $0x7D0, $0x38;
	[tilespmem:$0x14C00] =	vst v63  }
0x49: {  	_ =	swait.ge [sflag:s17], $0x7D0  }
0x4a: {  	[sflag:s17] =	ssyncset.done $0x0  }
0x4b: {  	[sflag:s17] =	ssyncadd.s32 $0xFFFFF830  }
0x4c: {  	_ =	swait.ge [sflag:s17], $0x7D0  }
0x4d: {  	[sflag:s17] =	ssyncset.done $0x0  }
0x4e: {  	s31 =	simm.s32 $0x0;
	[sflag:s17] =	ssyncadd.s32 $0xFFFFF830  }
0x4f: {  	v3 =	vld [tilespmem:s31+$0xC380];
	_ =	sdelay $0x4  }
0x50: {  	v4 =	vshrl.u32 v3, $0x1;
	_ =	sdelay $0x4  }
0x51: {  	v4 =	vld.idx.msk [tilespmem:v4+s1+$0x0], $0xffff;
	_ =	sdelay $0x3  }
0x52: {  	v6 =	vand.u32 $0x1, v3  }
0x53: {  	v5 =	vld [tilespmem:s31+$0xCB80];
	vm1 =	veq.s32 v6, $0x0;
	v7 =	vshrl.u32 v4, $0x10;
	v4 =	vand.u32 $0xFFFF, v4  }
0x54: {  	v4 =	vsel vm1, v4, v7  }
0x55: {  	vm1 =	vne.s32 v4, $0x0  }
0x56: {  	v63 =	vsel vm1, $0x1, v0  }
0x57: {  	v4 =	vadd.s32 $0xFFFFFFFF, v4;
	[tilespmem:s8+$0xD380] =	vst.msk vm1, v3;
	(xrf0) =	vadd.scan.msk.s32 $0xffff, v63  }
0x58: {  	v3 =	vor.u32 s24, v1;
	v4 =	vcvt.s32.f32 v4;
	[tilespmem:s8+$0xDB80] =	vst.msk vm1, v5  }
0x59: {  	s9 =	simm.s32 $0x10;
	[tilespmem:s8+$0xE380] =	vst.msk vm1, v3  }
0x5a: {  	s5 =	simm.s32 $0x80;
	s2 =	simm.s32 $0x0;
	s0 =	smov.u32 s24;
	[tilespmem:s8+$0xEB80] =	vst.msk vm1, v4  }
.LBB2_5:
0x5b: {  	p0 =	sne.s32 s5, $0x1F00;
	v3 =	vld [tilespmem:s9+$0xC380]  }
0x5c: {  	v4 =	vld [tilespmem:s9+$0xCB80]  }
0x5d: {  	v5, _, _ =	vpop (xrf0)  }
0x5e: {  	(v2sf) =	vpush v5, $0xF;
	_ =	sdelay $0x1  }
0x5f: {  	v5 =	vshrl.u32 v3, $0x1;
	_ =	sdelay $0x4  }
0x60: {  	v5 =	vld.idx.msk [tilespmem:v5+s1+$0x0], $0xffff;
	_ =	sdelay $0x4  }
0x61: {  	v6 =	vand.u32 $0x1, v3  }
0x62: {  	vm1 =	veq.s32 v6, $0x0;
	v7 =	vshrl.u32 v5, $0x10;
	v5 =	vand.u32 $0xFFFF, v5  }
0x63: {  	v5 =	vsel vm1, v5, v7  }
0x64: {  	vm1 =	vne.s32 v5, $0x0;
	v5 =	vadd.s32 $0xFFFFFFFF, v5;
	s9 =	spop (v2sf)  }
.Ltmp5:
0x65: {  	v6 =	vsel vm1, $0x1, v0;
	s2 =	sadd.s32 s2, s9;
	(pc) =	sbr.rel @p0 .LBB2_5-.Ltmp5, $4  }
0x66: {  	s0 =	sadd.s32 $0x10, s0;
	[tilespmem:s2+$0xD380] =	vst.msk vm1, v3;
	(xrf0) =	vadd.scan.msk.s32 $0xffff, v6  }
0x67: {  	v3 =	vor.u32 s0, v1;
	[tilespmem:s2+$0xDB80] =	vst.msk vm1, v4;
	v4 =	vcvt.s32.f32 v5  }
0x68: {  	[tilespmem:s2+$0xE380] =	vst.msk vm1, v3  }
0x69: {  	s9 =	sshra.s32 s5, $0x2;
	s5 =	sadd.s32 $0x40, s5;
	[tilespmem:s2+$0xEB80] =	vst.msk vm1, v4  }
0x6a: {  	v3 =	vld [tilespmem:s9+$0xC380];
	_ =	sdelay $0x4  }
0x6b: {  	v4 =	vshrl.u32 v3, $0x1;
	_ =	sdelay $0x4  }
0x6c: {  	v4 =	vld.idx.msk [tilespmem:v4+s1+$0x0], $0xffff;
	_ =	sdelay $0x3  }
0x6d: {  	v5 =	vand.u32 $0x1, v3  }
0x6e: {  	vm1 =	veq.s32 v5, $0x0;
	v6 =	vshrl.u32 v4, $0x10;
	v4 =	vand.u32 $0xFFFF, v4  }
0x6f: {  	v4 =	vsel vm1, v4, v6  }
0x70: {  	vm1 =	vne.s32 v4, $0x0  }
0x71: {  	v59 =	vsel vm1, $0x1, v0  }
0x72: {  	(xrf0) =	vadd.scan.msk.s32 $0xffff, v59;
	_ =	sdelay $0x4  }
0x73: {  	v60, _, _ =	vpop (xrf0)  }
0x74: {  	(v2sf) =	vpush v60, $0xF;
	v61, _, _ =	vpop (xrf0)  }
0x75: {  	(v2sf) =	vpush v61, $0xF;
	_ =	sdelay $0xd  }
0x76: {  	s5 =	spop (v2sf)  }
0x77: {  	s2 =	sadd.s32 s2, s5;
	s29 =	spop (v2sf)  }
0x78: {  	s5 =	sadd.s32 s2, s29  }
0x79: {  	v62 =	vld [tilespmem:s9+$0xCB80];
	s30 =	ssub.s32 $0x0, s5  }
0x7a: {  	s9 =	sand.u32 $0x7, s30  }
0x7b: {  	s3 =	sadd.s32 s5, s9  }
0x7c: {  	s10 =	sadd.s32 $0x7F, s3  }
0x7d: {  	s0 =	sadd.s32 $0x10, s0;
	v4 =	vadd.s32 $0xFFFFFFFF, v4;
	[tilespmem:s2+$0xD380] =	vst.msk vm1, v3;
	s11 =	sand.u32 $0x7F, s10  }
0x7e: {  	v4 =	vcvt.s32.f32 v4;
	v3 =	vor.u32 s0, v1;
	[tilespmem:s2+$0xDB80] =	vst.msk vm1, v62;
	s31 =	sshra.s32 s10, $0x1F;
	p1 =	slt.s32 s10, $0x1;
	p0 =	sne.s32 s11, $0x0  }
0x7f: {  	[tilespmem:s2+$0xE380] =	vst.msk vm1, v3;
	s0 =	sshrl.u32 s31, $0x19;
	p0 =	por !p1, !p0  }
0x80: {  	[tilespmem:s2+$0xEB80] =	vst.msk vm1, v4;
	s2 =	simm.s32 $0x1;
	s0 =	sadd.s32 s0, s10;
	p0 =	por !p0, !p0  }
0x81: {  	s0 =	sshra.s32 s0, $0x7;
	s2 =	simm.s32 @!p0 $0x0  }
0x82: {  	s0 =	ssub.s32 s0, s2  }
0x83: {  	v63 =	vmov s9;
	p0 =	slt.s32 s0, $0x1  }
.Ltmp6:
0x84: {  	vm1 =	vgt.u32 v63, v1;
	(pc) =	sbr.rel @p0 .LBB2_10-.Ltmp6, $4  }
0x85: {  	[tilespmem:s5+$0xD380] =	vst.msk vm1, v0  }
0x86: {  	[tilespmem:s5+$0xDB80] =	vst.msk vm1, v0  }
0x87: {  	[tilespmem:s5+$0xE380] =	vst.msk vm1, v0  }
0x88: {  	[tilespmem:s5+$0xEB80] =	vst.msk vm1, v2  }
0x89: {  	s28 =	simm.s32 $0xF380;
	s2 =	simm.s32 $0xD380  }
0x8a: {  	[tilespmem:s28], [sflag:$0x1] =	stream.indirect.gather [hbm4b:s4+s18], $0x1, s2, s18, $0xb8;
	[tilespmem:$0x14C00] =	vst v63  }
0x8b: {  	s16 =	simm.s32 $0xFB80  }
0x8c: {  	[tilespmem:s16], [sflag:$0x1] =	stream.indirect.gather [hbm4b:s6+s18], $0x1, s2, s18, $0xb8;
	[tilespmem:$0x14C00] =	vst v63  }
0x8d: {  	s15 =	simm.s32 $0x10380  }
0x8e: {  	[tilespmem:s15], [sflag:$0x1] =	stream.indirect.gather [hbm4b:s7+s18], $0x1, s2, s18, $0xb8;
	[tilespmem:$0x14C00] =	vst v63  }
0x8f: {  	s13 =	simm.s32 $0x10B80;
	s26 =	simm.s32 $0xDB80  }
0x90: {  	[tilespmem:s13], [sflag:$0x1] =	stream.indirect.gather [hbm4b:s4+s18], $0x1, s26, s18, $0xb8;
	[tilespmem:$0x14C00] =	vst v63  }
0x91: {  	s12 =	simm.s32 $0x11380  }
0x92: {  	[tilespmem:s12], [sflag:$0x1] =	stream.indirect.gather [hbm4b:s6+s18], $0x1, s26, s18, $0xb8;
	[tilespmem:$0x14C00] =	vst v63  }
0x93: {  	[dreg:$0x1d] =	wrdreg s3;
	s5 =	simm.s32 $0x11B80  }
0x94: {  	[tilespmem:s5], [sflag:$0x1] =	stream.indirect.gather [hbm4b:s7+s18], $0x1, s26, s18, $0xb8;
	[tilespmem:$0x14C00] =	vst v63  }
0x95: {  	s9 =	rddreg [dreg:$0x3];
	s20 =	simm.s32 $0xE380;
	s2 =	simm.s32 $0x12380  }
0x96: {  	[tilespmem:s2], [sflag:$0x1] =	stream.indirect.gather [hbm4b:s9+s18], $0x1, s20, s18, $0xb8;
	[tilespmem:$0x14C00] =	vst v63  }
0x97: {  	s10 =	rddreg [dreg:$0x4];
	s11 =	simm.s32 $0x12B80  }
0x98: {  	[tilespmem:s11], [sflag:$0x1] =	stream.indirect.gather [hbm4b:s10+s18], $0x1, s20, s18, $0xb8;
	[tilespmem:$0x14C00] =	vst v63  }
0x99: {  	s3 =	rddreg [dreg:$0x5];
	s10 =	simm.s32 $0x13380  }
0x9a: {  	[tilespmem:s10], [sflag:$0x1] =	stream.indirect.gather [hbm4b:s3+s18], $0x1, s20, s18, $0xb8;
	[tilespmem:$0x14C00] =	vst v63  }
0x9b: {  	s14 =	rddreg [dreg:$0x6];
	s9 =	simm.s32 $0x13B80  }
0x9c: {  	[tilespmem:s9], [sflag:$0x1] =	stream.indirect.gather [hbm4b:s14+s18], $0x1, s20, s18, $0xb8;
	[tilespmem:$0x14C00] =	vst v63  }
0x9d: {  	s21 =	rddreg [dreg:$0x7];
	s14 =	simm.s32 $0x14380  }
0x9e: {  	[tilespmem:s14], [sflag:$0x1] =	stream.indirect.gather [hbm4b:s21+s18], $0x1, s20, s18, $0xb8;
	[tilespmem:$0x14C00] =	vst v63  }
0x9f: {  	_ =	swait.ge [sflag:s17], $0x80  }
0xa0: {  	[sflag:s17] =	ssyncset.done $0x0  }
0xa1: {  	[sflag:s17] =	ssyncadd.s32 $0xFFFFFF80  }
0xa2: {  	_ =	swait.ge [sflag:s17], $0x80  }
0xa3: {  	[sflag:s17] =	ssyncset.done $0x0  }
0xa4: {  	[sflag:s17] =	ssyncadd.s32 $0xFFFFFF80  }
0xa5: {  	_ =	swait.ge [sflag:s17], $0x80  }
0xa6: {  	[sflag:s17] =	ssyncset.done $0x0  }
0xa7: {  	[sflag:s17] =	ssyncadd.s32 $0xFFFFFF80  }
0xa8: {  	_ =	swait.ge [sflag:s17], $0x80  }
0xa9: {  	[sflag:s17] =	ssyncset.done $0x0  }
0xaa: {  	[sflag:s17] =	ssyncadd.s32 $0xFFFFFF80  }
0xab: {  	_ =	swait.ge [sflag:s17], $0x80  }
0xac: {  	[sflag:s17] =	ssyncset.done $0x0  }
0xad: {  	[sflag:s17] =	ssyncadd.s32 $0xFFFFFF80  }
0xae: {  	_ =	swait.ge [sflag:s17], $0x80  }
0xaf: {  	[sflag:s17] =	ssyncset.done $0x0  }
0xb0: {  	[sflag:s17] =	ssyncadd.s32 $0xFFFFFF80  }
0xb1: {  	_ =	swait.ge [sflag:s17], $0x80  }
0xb2: {  	[sflag:s17] =	ssyncset.done $0x0  }
0xb3: {  	[sflag:s17] =	ssyncadd.s32 $0xFFFFFF80  }
0xb4: {  	_ =	swait.ge [sflag:s17], $0x80  }
0xb5: {  	[sflag:s17] =	ssyncset.done $0x0  }
0xb6: {  	[sflag:s17] =	ssyncadd.s32 $0xFFFFFF80  }
0xb7: {  	_ =	swait.ge [sflag:s17], $0x80  }
0xb8: {  	[sflag:s17] =	ssyncset.done $0x0  }
0xb9: {  	[sflag:s17] =	ssyncadd.s32 $0xFFFFFF80  }
0xba: {  	_ =	swait.ge [sflag:s17], $0x80  }
0xbb: {  	[sflag:s17] =	ssyncset.done $0x0  }
0xbc: {  	[sflag:s17] =	ssyncadd.s32 $0xFFFFFF80  }
0xbd: {  	_ =	swait.ge [sflag:s17], $0x80  }
0xbe: {  	s22 =	rddreg [dreg:$0x1b]  }
0xbf: {  	s29 =	sadd.s32 s23, s22  }
0xc0: {  	s8 =	rddreg [dreg:$0x8];
	[sflag:s17] =	ssyncset.done $0x0;
	s21 =	sshrl.u32 s29, $0x3  }
0xc1: {  	s30 =	rddreg [dreg:$0x9];
	[sflag:s17] =	ssyncadd.s32 $0xFFFFFF80;
	s20 =	sadd.s32 s8, s21  }
0xc2: {  	[hbm4b:s20+s1] =	stream.linear.scatter [tilespmem:s28], [sflag:$0x2], $0x80, $0x38;
	[tilespmem:$0x14C00] =	vst v63  }
0xc3: {  	s31 =	rddreg [dreg:$0xa];
	s26 =	sadd.s32 s30, s21  }
0xc4: {  	[hbm4b:s26+s1] =	stream.linear.scatter [tilespmem:s16], [sflag:$0x2], $0x80, $0x38;
	[tilespmem:$0x14C00] =	vst v63  }
0xc5: {  	s30 =	rddreg [dreg:$0xb];
	s3 =	sadd.s32 s31, s21  }
0xc6: {  	[hbm4b:s3+s1] =	stream.linear.scatter [tilespmem:s15], [sflag:$0x2], $0x80, $0x38;
	[tilespmem:$0x14C00] =	vst v63  }
0xc7: {  	s8 =	rddreg [dreg:$0xc];
	s22 =	sadd.s32 s30, s21  }
0xc8: {  	[hbm4b:s22+s1] =	stream.linear.scatter [tilespmem:s13], [sflag:$0x2], $0x80, $0x38;
	[tilespmem:$0x14C00] =	vst v63  }
0xc9: {  	s26 =	rddreg [dreg:$0xd];
	s3 =	sadd.s32 s8, s21  }
0xca: {  	[hbm4b:s3+s1] =	stream.linear.scatter [tilespmem:s12], [sflag:$0x2], $0x80, $0x38;
	[tilespmem:$0x14C00] =	vst v63  }
0xcb: {  	s20 =	sadd.s32 s26, s21;
	s8 =	rddreg [dreg:$0xe]  }
0xcc: {  	[hbm4b:s20+s1] =	stream.linear.scatter [tilespmem:s5], [sflag:$0x2], $0x80, $0x38;
	[tilespmem:$0x14C00] =	vst v63  }
0xcd: {  	s26 =	sadd.s32 s8, s21;
	s22 =	rddreg [dreg:$0xf]  }
0xce: {  	[hbm4b:s26+s1] =	stream.linear.scatter [tilespmem:s2], [sflag:$0x2], $0x80, $0x38;
	[tilespmem:$0x14C00] =	vst v63  }
0xcf: {  	s3 =	rddreg [dreg:$0x10];
	s5 =	sadd.s32 s22, s21  }
0xd0: {  	[hbm4b:s5+s1] =	stream.linear.scatter [tilespmem:s11], [sflag:$0x2], $0x80, $0x38;
	[tilespmem:$0x14C00] =	vst v63  }
0xd1: {  	s8 =	rddreg [dreg:$0x11];
	s13 =	sadd.s32 s3, s21  }
0xd2: {  	[hbm4b:s13+s1] =	stream.linear.scatter [tilespmem:s10], [sflag:$0x2], $0x80, $0x38;
	[tilespmem:$0x14C00] =	vst v63  }
0xd3: {  	s15 =	rddreg [dreg:$0x12];
	s16 =	sadd.s32 s8, s21  }
0xd4: {  	[hbm4b:s16+s1] =	stream.linear.scatter [tilespmem:s9], [sflag:$0x2], $0x80, $0x38;
	[tilespmem:$0x14C00] =	vst v63  }
0xd5: {  	s20 =	rddreg [dreg:$0x13];
	s22 =	sadd.s32 s15, s21  }
0xd6: {  	[hbm4b:s22+s1] =	stream.linear.scatter [tilespmem:s14], [sflag:$0x2], $0x80, $0x38;
	[tilespmem:$0x14C00] =	vst v63  }
0xd7: {  	s26 =	simm.s32 $0xEB80;
	s5 =	sadd.s32 s20, s21  }
0xd8: {  	[hbm4b:s5+s1] =	stream.linear.scatter [tilespmem:s26], [sflag:$0x2], $0x80, $0x38;
	[tilespmem:$0x14C00] =	vst v63  }
0xd9: {  	_ =	swait.ge [sflag:s19], $0x80  }
0xda: {  	[sflag:s19] =	ssyncset.done $0x0  }
0xdb: {  	[sflag:s19] =	ssyncadd.s32 $0xFFFFFF80  }
0xdc: {  	_ =	swait.ge [sflag:s19], $0x80  }
0xdd: {  	[sflag:s19] =	ssyncset.done $0x0  }
0xde: {  	[sflag:s19] =	ssyncadd.s32 $0xFFFFFF80  }
0xdf: {  	_ =	swait.ge [sflag:s19], $0x80  }
0xe0: {  	[sflag:s19] =	ssyncset.done $0x0  }
0xe1: {  	[sflag:s19] =	ssyncadd.s32 $0xFFFFFF80  }
0xe2: {  	_ =	swait.ge [sflag:s19], $0x80  }
0xe3: {  	[sflag:s19] =	ssyncset.done $0x0  }
0xe4: {  	[sflag:s19] =	ssyncadd.s32 $0xFFFFFF80  }
0xe5: {  	_ =	swait.ge [sflag:s19], $0x80  }
0xe6: {  	[sflag:s19] =	ssyncset.done $0x0  }
0xe7: {  	[sflag:s19] =	ssyncadd.s32 $0xFFFFFF80  }
0xe8: {  	_ =	swait.ge [sflag:s19], $0x80  }
0xe9: {  	[sflag:s19] =	ssyncset.done $0x0  }
0xea: {  	[sflag:s19] =	ssyncadd.s32 $0xFFFFFF80  }
0xeb: {  	_ =	swait.ge [sflag:s19], $0x80  }
0xec: {  	[sflag:s19] =	ssyncset.done $0x0  }
0xed: {  	[sflag:s19] =	ssyncadd.s32 $0xFFFFFF80  }
0xee: {  	_ =	swait.ge [sflag:s19], $0x80  }
0xef: {  	[sflag:s19] =	ssyncset.done $0x0  }
0xf0: {  	[sflag:s19] =	ssyncadd.s32 $0xFFFFFF80  }
0xf1: {  	_ =	swait.ge [sflag:s19], $0x80  }
0xf2: {  	[sflag:s19] =	ssyncset.done $0x0  }
0xf3: {  	p0 =	sne.s32 s0, $0x1;
	[sflag:s19] =	ssyncadd.s32 $0xFFFFFF80  }
0xf4: {  	s31 =	simm.s32 $0xEC00;
	s30 =	sadd.s32 $0xFFFFFFFF, s0;
	_ =	swait.ge [sflag:s19], $0x80  }
0xf5: {  	s0 =	simm.s32 $0x13C00;
	s12 =	simm.s32 $0x12400;
	[sflag:s19] =	ssyncset.done $0x0  }
0xf6: {  	s15 =	simm.s32 $0x10400;
	s2 =	simm.s32 $0xFC00;
	[sflag:s19] =	ssyncadd.s32 $0xFFFFFF80  }
.Ltmp7:
0xf7: {  	s20 =	simm.s32 $0x12C00;
	_ =	swait.ge [sflag:s19], $0x80;
	(pc) =	sbr.rel @!p0 .LBB2_9-.Ltmp7, $4  }
0xf8: {  	s11 =	simm.s32 $0x11C00;
	s21 =	simm.s32 $0x11400;
	[sflag:s19] =	ssyncset.done $0x0  }
0xf9: {  	s10 =	simm.s32 $0xE400;
	s13 =	simm.s32 $0xD400;
	[sflag:s19] =	ssyncadd.s32 $0xFFFFFF80  }
0xfa: {  	s9 =	simm.s32 $0x13400;
	s16 =	simm.s32 $0x10C00;
	_ =	swait.ge [sflag:s19], $0x80  }
0xfb: {  	s14 =	simm.s32 $0xDC00;
	s5 =	simm.s32 $0x14400;
	[sflag:s19] =	ssyncset.done $0x0  }
.LBB2_8:
0xfc: {  	[sflag:s19] =	ssyncadd.s32 $0xFFFFFF80;
	s28 =	sadd.s32 $0x80, s28  }
0xfd: {  	[tilespmem:s28], [sflag:$0x1] =	stream.indirect.gather [hbm4b:s4+s18], $0x1, s13, s18, $0xb8;
	[tilespmem:$0x14C00] =	vst v63  }
0xfe: {  	_ = 	snop  }
0xff: {  	[tilespmem:s2], [sflag:$0x1] =	stream.indirect.gather [hbm4b:s6+s18], $0x1, s13, s18, $0xb8;
	[tilespmem:$0x14C00] =	vst v63  }
0x100: {  	_ = 	snop  }
0x101: {  	[tilespmem:s15], [sflag:$0x1] =	stream.indirect.gather [hbm4b:s7+s18], $0x1, s13, s18, $0xb8;
	[tilespmem:$0x14C00] =	vst v63  }
0x102: {  	_ = 	snop  }
0x103: {  	[tilespmem:s16], [sflag:$0x1] =	stream.indirect.gather [hbm4b:s4+s18], $0x1, s14, s18, $0xb8;
	[tilespmem:$0x14C00] =	vst v63  }
0x104: {  	_ = 	snop  }
0x105: {  	[tilespmem:s21], [sflag:$0x1] =	stream.indirect.gather [hbm4b:s6+s18], $0x1, s14, s18, $0xb8;
	[tilespmem:$0x14C00] =	vst v63  }
0x106: {  	_ = 	snop  }
0x107: {  	[tilespmem:s11], [sflag:$0x1] =	stream.indirect.gather [hbm4b:s7+s18], $0x1, s14, s18, $0xb8;
	[tilespmem:$0x14C00] =	vst v63  }
0x108: {  	s3 =	rddreg [dreg:$0x3]  }
0x109: {  	[tilespmem:s12], [sflag:$0x1] =	stream.indirect.gather [hbm4b:s3+s18], $0x1, s10, s18, $0xb8;
	[tilespmem:$0x14C00] =	vst v63  }
0x10a: {  	s8 =	rddreg [dreg:$0x4]  }
0x10b: {  	[tilespmem:s20], [sflag:$0x1] =	stream.indirect.gather [hbm4b:s8+s18], $0x1, s10, s18, $0xb8;
	[tilespmem:$0x14C00] =	vst v63  }
0x10c: {  	s22 =	rddreg [dreg:$0x5]  }
0x10d: {  	[tilespmem:s9], [sflag:$0x1] =	stream.indirect.gather [hbm4b:s22+s18], $0x1, s10, s18, $0xb8;
	[tilespmem:$0x14C00] =	vst v63  }
0x10e: {  	s26 =	rddreg [dreg:$0x6]  }
0x10f: {  	[tilespmem:s0], [sflag:$0x1] =	stream.indirect.gather [hbm4b:s26+s18], $0x1, s10, s18, $0xb8;
	[tilespmem:$0x14C00] =	vst v63  }
0x110: {  	s22 =	rddreg [dreg:$0x7]  }
0x111: {  	[tilespmem:s5], [sflag:$0x1] =	stream.indirect.gather [hbm4b:s22+s18], $0x1, s10, s18, $0xb8;
	[tilespmem:$0x14C00] =	vst v63  }
0x112: {  	_ =	swait.ge [sflag:s17], $0x80  }
0x113: {  	[sflag:s17] =	ssyncset.done $0x0  }
0x114: {  	[sflag:s17] =	ssyncadd.s32 $0xFFFFFF80  }
0x115: {  	_ =	swait.ge [sflag:s17], $0x80  }
0x116: {  	[sflag:s17] =	ssyncset.done $0x0  }
0x117: {  	[sflag:s17] =	ssyncadd.s32 $0xFFFFFF80  }
0x118: {  	_ =	swait.ge [sflag:s17], $0x80  }
0x119: {  	[sflag:s17] =	ssyncset.done $0x0  }
0x11a: {  	[sflag:s17] =	ssyncadd.s32 $0xFFFFFF80  }
0x11b: {  	_ =	swait.ge [sflag:s17], $0x80  }
0x11c: {  	[sflag:s17] =	ssyncset.done $0x0  }
0x11d: {  	[sflag:s17] =	ssyncadd.s32 $0xFFFFFF80  }
0x11e: {  	_ =	swait.ge [sflag:s17], $0x80  }
0x11f: {  	[sflag:s17] =	ssyncset.done $0x0  }
0x120: {  	[sflag:s17] =	ssyncadd.s32 $0xFFFFFF80  }
0x121: {  	_ =	swait.ge [sflag:s17], $0x80  }
0x122: {  	[sflag:s17] =	ssyncset.done $0x0  }
0x123: {  	[sflag:s17] =	ssyncadd.s32 $0xFFFFFF80  }
0x124: {  	_ =	swait.ge [sflag:s17], $0x80  }
0x125: {  	[sflag:s17] =	ssyncset.done $0x0  }
0x126: {  	[sflag:s17] =	ssyncadd.s32 $0xFFFFFF80  }
0x127: {  	_ =	swait.ge [sflag:s17], $0x80  }
0x128: {  	[sflag:s17] =	ssyncset.done $0x0  }
0x129: {  	[sflag:s17] =	ssyncadd.s32 $0xFFFFFF80  }
0x12a: {  	_ =	swait.ge [sflag:s17], $0x80  }
0x12b: {  	[sflag:s17] =	ssyncset.done $0x0  }
0x12c: {  	[sflag:s17] =	ssyncadd.s32 $0xFFFFFF80  }
0x12d: {  	_ =	swait.ge [sflag:s17], $0x80  }
0x12e: {  	[sflag:s17] =	ssyncset.done $0x0  }
0x12f: {  	[sflag:s17] =	ssyncadd.s32 $0xFFFFFF80  }
0x130: {  	s29 =	sadd.s32 $0x80, s29;
	_ =	swait.ge [sflag:s17], $0x80  }
0x131: {  	s8 =	sshrl.u32 s29, $0x3;
	s26 =	rddreg [dreg:$0x8];
	[sflag:s17] =	ssyncset.done $0x0  }
0x132: {  	s22 =	rddreg [dreg:$0x9];
	[sflag:s17] =	ssyncadd.s32 $0xFFFFFF80;
	s3 =	sadd.s32 s26, s8  }
0x133: {  	[hbm4b:s3+s1] =	stream.linear.scatter [tilespmem:s28], [sflag:$0x2], $0x80, $0x38;
	[tilespmem:$0x14C00] =	vst v63  }
0x134: {  	s26 =	rddreg [dreg:$0xa];
	s3 =	sadd.s32 s22, s8  }
0x135: {  	[hbm4b:s3+s1] =	stream.linear.scatter [tilespmem:s2], [sflag:$0x2], $0x80, $0x38;
	[tilespmem:$0x14C00] =	vst v63  }
0x136: {  	s22 =	rddreg [dreg:$0xb];
	s3 =	sadd.s32 s26, s8  }
0x137: {  	[hbm4b:s3+s1] =	stream.linear.scatter [tilespmem:s15], [sflag:$0x2], $0x80, $0x38;
	[tilespmem:$0x14C00] =	vst v63  }
0x138: {  	s26 =	rddreg [dreg:$0xc];
	s3 =	sadd.s32 s22, s8  }
0x139: {  	[hbm4b:s3+s1] =	stream.linear.scatter [tilespmem:s16], [sflag:$0x2], $0x80, $0x38;
	[tilespmem:$0x14C00] =	vst v63  }
0x13a: {  	s22 =	rddreg [dreg:$0xd];
	s3 =	sadd.s32 s26, s8  }
0x13b: {  	[hbm4b:s3+s1] =	stream.linear.scatter [tilespmem:s21], [sflag:$0x2], $0x80, $0x38;
	[tilespmem:$0x14C00] =	vst v63  }
0x13c: {  	s26 =	rddreg [dreg:$0xe];
	s3 =	sadd.s32 s22, s8  }
0x13d: {  	[hbm4b:s3+s1] =	stream.linear.scatter [tilespmem:s11], [sflag:$0x2], $0x80, $0x38;
	[tilespmem:$0x14C00] =	vst v63  }
0x13e: {  	s22 =	rddreg [dreg:$0xf];
	s3 =	sadd.s32 s26, s8  }
0x13f: {  	[hbm4b:s3+s1] =	stream.linear.scatter [tilespmem:s12], [sflag:$0x2], $0x80, $0x38;
	[tilespmem:$0x14C00] =	vst v63  }
0x140: {  	s26 =	rddreg [dreg:$0x10];
	s3 =	sadd.s32 s22, s8  }
0x141: {  	[hbm4b:s3+s1] =	stream.linear.scatter [tilespmem:s20], [sflag:$0x2], $0x80, $0x38;
	[tilespmem:$0x14C00] =	vst v63  }
0x142: {  	s22 =	rddreg [dreg:$0x11];
	s3 =	sadd.s32 s26, s8  }
0x143: {  	[hbm4b:s3+s1] =	stream.linear.scatter [tilespmem:s9], [sflag:$0x2], $0x80, $0x38;
	[tilespmem:$0x14C00] =	vst v63  }
0x144: {  	s26 =	rddreg [dreg:$0x12];
	s3 =	sadd.s32 s22, s8  }
0x145: {  	[hbm4b:s3+s1] =	stream.linear.scatter [tilespmem:s0], [sflag:$0x2], $0x80, $0x38;
	[tilespmem:$0x14C00] =	vst v63  }
0x146: {  	s26 =	sadd.s32 s26, s8;
	s22 =	rddreg [dreg:$0x13]  }
0x147: {  	[hbm4b:s26+s1] =	stream.linear.scatter [tilespmem:s5], [sflag:$0x2], $0x80, $0x38;
	[tilespmem:$0x14C00] =	vst v63  }
0x148: {  	s26 =	sadd.s32 s22, s8  }
0x149: {  	[hbm4b:s26+s1] =	stream.linear.scatter [tilespmem:s31], [sflag:$0x2], $0x80, $0x38;
	[tilespmem:$0x14C00] =	vst v63  }
0x14a: {  	_ =	swait.ge [sflag:s19], $0x80  }
0x14b: {  	[sflag:s19] =	ssyncset.done $0x0  }
0x14c: {  	[sflag:s19] =	ssyncadd.s32 $0xFFFFFF80  }
0x14d: {  	_ =	swait.ge [sflag:s19], $0x80  }
0x14e: {  	[sflag:s19] =	ssyncset.done $0x0  }
0x14f: {  	[sflag:s19] =	ssyncadd.s32 $0xFFFFFF80  }
0x150: {  	_ =	swait.ge [sflag:s19], $0x80  }
0x151: {  	[sflag:s19] =	ssyncset.done $0x0  }
0x152: {  	[sflag:s19] =	ssyncadd.s32 $0xFFFFFF80  }
0x153: {  	_ =	swait.ge [sflag:s19], $0x80  }
0x154: {  	[sflag:s19] =	ssyncset.done $0x0  }
0x155: {  	[sflag:s19] =	ssyncadd.s32 $0xFFFFFF80  }
0x156: {  	_ =	swait.ge [sflag:s19], $0x80  }
0x157: {  	[sflag:s19] =	ssyncset.done $0x0  }
0x158: {  	[sflag:s19] =	ssyncadd.s32 $0xFFFFFF80  }
0x159: {  	_ =	swait.ge [sflag:s19], $0x80  }
0x15a: {  	[sflag:s19] =	ssyncset.done $0x0  }
0x15b: {  	[sflag:s19] =	ssyncadd.s32 $0xFFFFFF80  }
0x15c: {  	_ =	swait.ge [sflag:s19], $0x80  }
0x15d: {  	[sflag:s19] =	ssyncset.done $0x0  }
0x15e: {  	[sflag:s19] =	ssyncadd.s32 $0xFFFFFF80  }
0x15f: {  	_ =	swait.ge [sflag:s19], $0x80  }
0x160: {  	[sflag:s19] =	ssyncset.done $0x0  }
0x161: {  	[sflag:s19] =	ssyncadd.s32 $0xFFFFFF80  }
0x162: {  	_ =	swait.ge [sflag:s19], $0x80  }
0x163: {  	[sflag:s19] =	ssyncset.done $0x0  }
0x164: {  	p0 =	sne.s32 s30, $0x1;
	[sflag:s19] =	ssyncadd.s32 $0xFFFFFF80  }
0x165: {  	s30 =	sadd.s32 $0xFFFFFFFF, s30;
	s13 =	sadd.s32 $0x80, s13;
	_ =	swait.ge [sflag:s19], $0x80  }
0x166: {  	s14 =	sadd.s32 $0x80, s14;
	s10 =	sadd.s32 $0x80, s10;
	[sflag:s19] =	ssyncset.done $0x0  }
0x167: {  	s2 =	sadd.s32 $0x80, s2;
	s15 =	sadd.s32 $0x80, s15;
	[sflag:s19] =	ssyncadd.s32 $0xFFFFFF80  }
.Ltmp8:
0x168: {  	s16 =	sadd.s32 $0x80, s16;
	_ =	swait.ge [sflag:s19], $0x80;
	(pc) =	sbr.rel @p0 .LBB2_8-.Ltmp8, $4  }
0x169: {  	s21 =	sadd.s32 $0x80, s21;
	s11 =	sadd.s32 $0x80, s11;
	[sflag:s19] =	ssyncset.done $0x0  }
0x16a: {  	s12 =	sadd.s32 $0x80, s12;
	s20 =	sadd.s32 $0x80, s20;
	[sflag:s19] =	ssyncadd.s32 $0xFFFFFF80  }
0x16b: {  	s9 =	sadd.s32 $0x80, s9;
	s0 =	sadd.s32 $0x80, s0;
	_ =	swait.ge [sflag:s19], $0x80  }
0x16c: {  	s5 =	sadd.s32 $0x80, s5;
	s31 =	sadd.s32 $0x80, s31;
	[sflag:s19] =	ssyncset.done $0x0  }
.Ltmp9:
0x16d: {  	_ = 	snop;
	(pc) =	sbr.rel .LBB2_9-.Ltmp9, $1  }
0x16e: {  	_ =	sdelay $0x3  }
.LBB2_12:
0x16f: {  	_ =	sfence.sel $0x180000  }
0x170: {  	[bflag:$0x0] =	sbarrier.arrive $0xFFFF  }
0x171: {  	_ =	strace $0x90000047  }
0x172: {  	s0 =	stileid.u32;
	[bflag:$0x2] =	sbarrier.arrive $0xFFFF  }
0x173: {  	p0 =	sne.s32 s0, $0x0;
	s0 =	rddreg [dreg:$0x2]  }
0x174: {  	s0 =	sadd.s32 @!p0 $0x100000, s0  }
0x175: {  	[sflag:s0] =	ssyncadd.tile.s32 @!p0 $0x1;
	_ =	shalt  }
.Lfunc_end2:
_tile_overlayer_lowered:
.L_overlay_start_2:
0x176: {  	(tag) =	ssettag $0x2  }
0x177: {  	s0 =	rddreg [dreg:$0x0];
	s2 =	stileid.u32  }
0x178: {  	s1 =	rddreg [dreg:$0x1];
	p0 =	sne.s32 s2, $0x0  }
0x179: {  	s3 =	rddreg [dreg:$0x2];
	[bflag:$0x3] =	sbarrier.arrive $0xFFFF;
	s2 =	simm.s32 @!p0 $0x1C03  }
0x17a: {  	[timem:s3], [sflag:s2] =	dma.local @!p0 [hbm:s0], s1  }
0x17b: {  	s0 =	simm.s32 @!p0 $0x3  }
0x17c: {  	_ =	swait.ge @!p0 [sflag:s0], s1  }
0x17d: {  	s1 =	ssub.s32 @!p0 $0x0, s1;
	[sflag:s0] =	ssyncset.done @!p0 $0x0  }
0x17e: {  	[sflag:s0] =	ssyncadd.s32 @!p0 s1  }
0x17f: {  	[bflag:$0x3] =	sbarrier.arrive $0xFFFF  }
0x180: {  	_ =	shalt  }

</sc_bundles>
